<compile_context>
chip_gen: v7x
topology: tpu7x:2x2x1
jax: 0.10.2.dev20260603
libtpu: 0.0.44.dev20260713+nightly
codegen_flags: <defaults>
</compile_context>

<pallas_src>
import functools

import jax
import jax.numpy as jnp
from jax import lax
from jax.experimental import pallas as pl
from jax.experimental.pallas import tpu as pltpu
from jax.experimental.pallas import tpu_sc as plsc

NUM_EMB = 8192
DIM = 256
N_ROWS = 16 * 1024

R_BLK = 512
I_BLKS = N_ROWS // R_BLK
CHUNKS = ((0, 2816), (2816, 5632), (5632, 8192))


def _argmin_body(x_ref, e_ref, eb_ref, nx_ref, ne_ref, idx_ref, et_ref):
    i = pl.program_id(0)

    @pl.when(i == 0)
    def _():
        et_ref[...] = e_ref[...].T

    x = x_ref[...]
    xb = x.astype(jnp.bfloat16)
    nx = nx_ref[...]
    big = jnp.int32(2**30)
    bv16 = None
    bi = None
    for (lo, hi) in CHUNKS:
        w = hi - lo
        eb = eb_ref[:, pl.ds(lo, w)]
        p = jnp.dot(xb, eb, preferred_element_type=jnp.float32)
        ne = ne_ref[:, pl.ds(lo, w)]
        d = (nx - 2.0 * p) + ne
        m = jnp.min(d, axis=1, keepdims=True)
        iota = lax.broadcasted_iota(jnp.int32, (1, w), 1)
        bidx = jnp.min(jnp.where(d == m, iota, big), axis=1, keepdims=True)
        gidx = bidx + lo
        m16 = m.astype(jnp.bfloat16).astype(jnp.float32)
        if bv16 is None:
            bv16 = m16
            bi = gidx
        else:
            win = m < bv16
            bv16 = jnp.where(win, m16, bv16)
            bi = jnp.where(win, gidx, bi)
    idx_ref[...] = bi


def _argmin_et_call(flat_x, emb):
    nx = jnp.sum(flat_x ** 2, axis=1, keepdims=True)
    ne = jnp.sum(emb ** 2, axis=0, keepdims=True)
    return pl.pallas_call(
        _argmin_body,
        grid=(I_BLKS,),
        in_specs=[
            pl.BlockSpec((R_BLK, DIM), lambda i: (i, 0)),
            pl.BlockSpec((DIM, NUM_EMB), lambda i: (0, 0)),
            pl.BlockSpec((DIM, NUM_EMB), lambda i: (0, 0)),
            pl.BlockSpec((R_BLK, 1), lambda i: (i, 0)),
            pl.BlockSpec((1, NUM_EMB), lambda i: (0, 0)),
        ],
        out_specs=[
            pl.BlockSpec((R_BLK, 1), lambda i: (i, 0)),
            pl.BlockSpec((NUM_EMB, DIM), lambda i: (0, 0)),
        ],
        out_shape=[
            jax.ShapeDtypeStruct((N_ROWS, 1), jnp.int32),
            jax.ShapeDtypeStruct((NUM_EMB, DIM), jnp.float32),
        ],
    )(flat_x, emb, emb.astype(jnp.bfloat16), nx, ne)


_SC_CHUNK = 128


def _make_sc_gather():
    info = plsc.get_sparse_core_info()
    nc, ns = info.num_cores, info.num_subcores
    nw = nc * ns
    rows_per_w = N_ROWS // nw
    n_chunks = rows_per_w // _SC_CHUNK
    mesh = plsc.VectorSubcoreMesh(core_axis_name="c", subcore_axis_name="s")

    @functools.partial(
        pl.kernel,
        mesh=mesh,
        out_type=[
            jax.ShapeDtypeStruct((N_ROWS, DIM), jnp.float32),
            jax.ShapeDtypeStruct((nw, 16), jnp.float32),
        ],
        scratch_types=[
            pltpu.VMEM((_SC_CHUNK,), jnp.int32),
            pltpu.VMEM((_SC_CHUNK, DIM), jnp.float32),
            pltpu.VMEM((_SC_CHUNK, DIM), jnp.float32),
            pltpu.VMEM((16,), jnp.float32),
            pltpu.SemaphoreType.DMA,
        ],
    )
    def sc_fn(et_hbm, idx_hbm, x_hbm, out_hbm, loss_hbm, idx_v, rows_v, x_v,
              acc_v, sem):
        wid = lax.axis_index("s") * nc + lax.axis_index("c")
        base = wid * rows_per_w
        acc = jnp.zeros((16,), jnp.float32)
        for c in range(n_chunks):
            rbase = base + c * _SC_CHUNK
            pltpu.sync_copy(idx_hbm.at[pl.ds(rbase, _SC_CHUNK)], idx_v)
            pltpu.async_copy(et_hbm.at[idx_v], rows_v, sem).wait()
            pltpu.sync_copy(x_hbm.at[pl.ds(rbase, _SC_CHUNK), :], x_v)

            def row_body(r, a):
                for v in range(DIM // 16):
                    sl = pl.ds(v * 16, 16)
                    q = rows_v[r, sl]
                    xv = x_v[r, sl]
                    dlt = q - xv
                    rows_v[r, sl] = xv + dlt
                    a = a + dlt * dlt
                return a

            acc = lax.fori_loop(0, _SC_CHUNK, row_body, acc)
            pltpu.sync_copy(rows_v, out_hbm.at[pl.ds(rbase, _SC_CHUNK), :])
        acc_v[...] = acc
        pltpu.sync_copy(acc_v, loss_hbm.at[wid])

    return sc_fn


_sc_gather_call = None


def kernel(inputs, embeddings):
    global _sc_gather_call
    if _sc_gather_call is None:
        _sc_gather_call = _make_sc_gather()
    input_shape = inputs.shape
    flat_x = inputs.reshape(-1, DIM)
    idx2d, et = _argmin_et_call(flat_x, embeddings)
    q_st, loss_parts = _sc_gather_call(et, idx2d.reshape(-1), flat_x)
    commitment_loss = 0.25 * (jnp.sum(loss_parts) / float(N_ROWS * DIM))
    return (q_st.reshape(input_shape), commitment_loss, idx2d.reshape(-1))

# --- scband reference (transcript-rebuilt; emitter-appended) ---
"""Pipeline reference for scband-vector-quantizer-78297253806628 (READ-ONLY COPY).

The authoritative reference and input builder live on the scoring server;
editing this copy changes nothing except your own understanding.
"""

import jax, jax.numpy as jnp
import numpy as np

NUM_EMBEDDINGS = 8192
EMBEDDING_DIM = 256
BETA = 0.25


def setup_inputs(seed: int = 0) -> dict:
    key = jax.random.key(seed)
    k1, k2 = jax.random.split(key)
    inputs = jax.random.normal(k1, (16, 1024, EMBEDDING_DIM), dtype=jnp.float32)
    # tf.random_uniform_initializer default: uniform in [-0.05, 0.05]
    embeddings = jax.random.uniform(k2, (EMBEDDING_DIM, NUM_EMBEDDINGS), dtype=jnp.float32, minval=-0.05, maxval=0.05)
    return {"inputs": inputs, "embeddings": embeddings}


def reference(inputs, embeddings):
    input_shape = inputs.shape
    flat_inputs = inputs.reshape(-1, EMBEDDING_DIM)
    # distances: ||x||^2 - 2 x E + ||e||^2
    distances = (
        jnp.sum(flat_inputs ** 2, axis=1, keepdims=True)
        - 2.0 * jnp.matmul(flat_inputs, embeddings)
        + jnp.sum(embeddings ** 2, axis=0, keepdims=True)
    )
    encoding_indices = jnp.argmax(-distances, axis=1)
    encodings = jax.nn.one_hot(encoding_indices, NUM_EMBEDDINGS, dtype=jnp.float32)
    quantized = jnp.matmul(encodings, embeddings.T)
    quantized = quantized.reshape(input_shape)
    commitment_loss = BETA * jnp.mean((jax.lax.stop_gradient(quantized) - inputs) ** 2)
    quantized_st = inputs + jax.lax.stop_gradient(quantized - inputs)
    return (quantized_st, commitment_loss, encoding_indices)

if __name__ == "__main__":
    import jax
    _d = setup_inputs()
    print(jax.jit(kernel)(*tuple(_d.values())))

</pallas_src>

<mosaic_0001>
#map = affine_map<(d0, d1) -> (0, 0)>
#map1 = affine_map<(d0, d1) -> (0)>
module attributes {stable_mosaic.version = 14 : i64} {
  func.func @sc_fn(%arg0: i32, %arg1: i32, %arg2: memref<8192x256xf32, #tpu.memory_space<hbm>>, %arg3: memref<16384xi32, #tpu.memory_space<hbm>>, %arg4: memref<16384x256xf32, #tpu.memory_space<hbm>>, %arg5: memref<16384x256xf32, #tpu.memory_space<hbm>>, %arg6: memref<32x16xf32, #tpu.memory_space<hbm>>, %arg7: memref<128xi32, #tpu.memory_space<vmem>>, %arg8: memref<128x256xf32, #tpu.memory_space<vmem>>, %arg9: memref<128x256xf32, #tpu.memory_space<vmem>>, %arg10: memref<16xf32, #tpu.memory_space<vmem>>, %arg11: memref<!tpu.dma_semaphore, #tpu.memory_space<semaphore_mem>>) attributes {dimension_semantics = [#tpu.dimension_semantics<core_parallel>, #tpu.dimension_semantics<subcore_parallel>], iteration_bounds = array<i64: 2, 16>, scalar_prefetch = 0 : i64, scratch_operands = 5 : i64, tpu.core_type = #tpu.core_type<sc_vector_subcore>, window_params = [{transform_indices = #map}, {transform_indices = #map1}, {transform_indices = #map}, {transform_indices = #map}, {transform_indices = #map}]} {
    %mul3A = arith.constant 2 : i32
    %mul3A_0 = arith.muli %arg1, %mul3A : i32
    %add3A = arith.addi %mul3A_0, %arg0 : i32
    %mul3A_1 = arith.constant 512 : i32
    %mul3A_2 = arith.muli %add3A, %mul3A_1 : i32
    %broadcast_in_dim3A = arith.constant 0.000000e+00 : f32
    %broadcast_in_dim3A_3 = vector.broadcast %broadcast_in_dim3A : f32 to vector<16xf32>
    %add3A_4 = arith.constant 0 : i32
    %add3A_5 = arith.addi %mul3A_2, %add3A_4 : i32
    "tpu.region"() ({
      %run_scoped3A = tpu.sem_alloc : memref<!tpu.dma_semaphore, #tpu.memory_space<semaphore_mem>>
      %dma_start3A_60 = tpu.memref_slice %arg3[%add3A_5] : memref<16384xi32, #tpu.memory_space<hbm>> -> memref<128xi32, #tpu.memory_space<hbm>>
      %dma_start3A_61 = tpu.memref_slice %arg3[%add3A_5] : memref<16384xi32, #tpu.memory_space<hbm>> -> memref<128xi32, #tpu.memory_space<hbm>>
      tpu.enqueue_dma source(%dma_start3A_61 : memref<128xi32, #tpu.memory_space<hbm>>) target(%arg7 : memref<128xi32, #tpu.memory_space<vmem>>) target_semaphore(%run_scoped3A : memref<!tpu.dma_semaphore, #tpu.memory_space<semaphore_mem>>)
      %dma_wait3A_62 = tpu.memref_slice %arg3[%add3A_5] : memref<16384xi32, #tpu.memory_space<hbm>> -> memref<128xi32, #tpu.memory_space<hbm>>
      %dma_wait3A_63 = tpu.memref_slice %arg3[%add3A_5] : memref<16384xi32, #tpu.memory_space<hbm>> -> memref<128xi32, #tpu.memory_space<hbm>>
      tpu.wait_dma2 semaphore(%run_scoped3A : memref<!tpu.dma_semaphore, #tpu.memory_space<semaphore_mem>>) src(%dma_wait3A_63 : memref<128xi32, #tpu.memory_space<hbm>>) dst(%arg7 : memref<128xi32, #tpu.memory_space<vmem>>)
      tpu.yield
    }) : () -> ()
    %dma_start3A = arith.constant 0 : i32
    %dma_start3A_6 = arith.constant 0 : i32
    %dma_start3A_7 = tpu.memref_slice %arg2[%dma_start3A, %dma_start3A_6] : memref<8192x256xf32, #tpu.memory_space<hbm>> -> memref<8192x256xf32, #tpu.memory_space<hbm>>
    tpu.enqueue_indirect_dma source(%dma_start3A_7 : memref<8192x256xf32, #tpu.memory_space<hbm>>) target(%arg8 : memref<128x256xf32, #tpu.memory_space<vmem>>) offsets(%arg7 : memref<128xi32, #tpu.memory_space<vmem>>) semaphore(%arg11 : memref<!tpu.dma_semaphore, #tpu.memory_space<semaphore_mem>>)
    %dma_wait3A = arith.constant 0 : i32
    %dma_wait3A_8 = arith.constant 0 : i32
    %dma_wait3A_9 = tpu.memref_slice %arg2[%dma_wait3A, %dma_wait3A_8] : memref<8192x256xf32, #tpu.memory_space<hbm>> -> memref<8192x256xf32, #tpu.memory_space<hbm>>
    tpu.wait_indirect_dma semaphore(%arg11 : memref<!tpu.dma_semaphore, #tpu.memory_space<semaphore_mem>>) src(%dma_wait3A_9 : memref<8192x256xf32, #tpu.memory_space<hbm>>) dst(%arg8 : memref<128x256xf32, #tpu.memory_space<vmem>>)
    "tpu.region"() ({
      %run_scoped3A = tpu.sem_alloc : memref<!tpu.dma_semaphore, #tpu.memory_space<semaphore_mem>>
      %dma_start3A_60 = arith.constant 0 : i32
      %dma_start3A_61 = tpu.memref_slice %arg4[%add3A_5, %dma_start3A_60] : memref<16384x256xf32, #tpu.memory_space<hbm>> -> memref<128x256xf32, #tpu.memory_space<hbm>>
      %dma_start3A_62 = arith.constant 0 : i32
      %dma_start3A_63 = tpu.memref_slice %arg4[%add3A_5, %dma_start3A_62] : memref<16384x256xf32, #tpu.memory_space<hbm>> -> memref<128x256xf32, #tpu.memory_space<hbm>>
      tpu.enqueue_dma source(%dma_start3A_63 : memref<128x256xf32, #tpu.memory_space<hbm>>) target(%arg9 : memref<128x256xf32, #tpu.memory_space<vmem>>) target_semaphore(%run_scoped3A : memref<!tpu.dma_semaphore, #tpu.memory_space<semaphore_mem>>)
      %dma_wait3A_64 = arith.constant 0 : i32
      %dma_wait3A_65 = tpu.memref_slice %arg4[%add3A_5, %dma_wait3A_64] : memref<16384x256xf32, #tpu.memory_space<hbm>> -> memref<128x256xf32, #tpu.memory_space<hbm>>
      %dma_wait3A_66 = arith.constant 0 : i32
      %dma_wait3A_67 = tpu.memref_slice %arg4[%add3A_5, %dma_wait3A_66] : memref<16384x256xf32, #tpu.memory_space<hbm>> -> memref<128x256xf32, #tpu.memory_space<hbm>>
      tpu.wait_dma2 semaphore(%run_scoped3A : memref<!tpu.dma_semaphore, #tpu.memory_space<semaphore_mem>>) src(%dma_wait3A_67 : memref<128x256xf32, #tpu.memory_space<hbm>>) dst(%arg9 : memref<128x256xf32, #tpu.memory_space<vmem>>)
      tpu.yield
    }) : () -> ()
    %scan3A = arith.constant 0 : i32
    %scan3A_10 = arith.constant 128 : i32
    %scan3A_11 = arith.addi %scan3A, %scan3A_10 : i32
    %scan3A_12 = arith.constant 1 : i32
    %scan3A_13 = scf.for %scan3A_60 = %scan3A to %scan3A_11 step %scan3A_12 iter_args(%scan3A_61 = %broadcast_in_dim3A_3) -> (vector<16xf32>)  : i32 {
      %get3A = arith.index_cast %scan3A_60 : i32 to index
      %get3A_62 = arith.constant 0 : index
      %get3A_63 = tpu.vector_load %arg8[%get3A, %get3A_62] {strides = array<i32>} : memref<128x256xf32, #tpu.memory_space<vmem>>, vector<1x16xf32>,
      %get3A_64 = vector.shape_cast %get3A_63 : vector<1x16xf32> to vector<16xf32>
      %get3A_65 = arith.index_cast %scan3A_60 : i32 to index
      %get3A_66 = arith.constant 0 : index
      %get3A_67 = tpu.vector_load %arg9[%get3A_65, %get3A_66] {strides = array<i32>} : memref<128x256xf32, #tpu.memory_space<vmem>>, vector<1x16xf32>,
      %get3A_68 = vector.shape_cast %get3A_67 : vector<1x16xf32> to vector<16xf32>
      %sub3A = arith.subf %get3A_64, %get3A_68 : vector<16xf32>
      %add3A_69 = arith.addf %get3A_68, %sub3A : vector<16xf32>
      %swap3A_70 = arith.index_cast %scan3A_60 : i32 to index
      %swap3A_71 = arith.constant 0 : index
      %swap3A_72 = tpu.vector_load %arg8[%swap3A_70, %swap3A_71] {strides = array<i32>} : memref<128x256xf32, #tpu.memory_space<vmem>>, vector<1x16xf32>,
      %swap3A_73 = vector.shape_cast %swap3A_72 : vector<1x16xf32> to vector<16xf32>
      %swap3A_74 = vector.shape_cast %add3A_69 : vector<16xf32> to vector<1x16xf32>
      tpu.vector_store %arg8[%swap3A_70, %swap3A_71], %swap3A_74 {strides = array<i32>} : memref<128x256xf32, #tpu.memory_space<vmem>>, vector<1x16xf32>,
      %mul3A_75 = arith.mulf %sub3A, %sub3A : vector<16xf32>
      %add3A_76 = arith.addf %scan3A_61, %mul3A_75 : vector<16xf32>
      %get3A_77 = arith.index_cast %scan3A_60 : i32 to index
      %get3A_78 = arith.constant 16 : index
      %get3A_79 = tpu.vector_load %arg8[%get3A_77, %get3A_78] {strides = array<i32>} : memref<128x256xf32, #tpu.memory_space<vmem>>, vector<1x16xf32>,
      %get3A_80 = vector.shape_cast %get3A_79 : vector<1x16xf32> to vector<16xf32>
      %get3A_81 = arith.index_cast %scan3A_60 : i32 to index
      %get3A_82 = arith.constant 16 : index
      %get3A_83 = tpu.vector_load %arg9[%get3A_81, %get3A_82] {strides = array<i32>} : memref<128x256xf32, #tpu.memory_space<vmem>>, vector<1x16xf32>,
      %get3A_84 = vector.shape_cast %get3A_83 : vector<1x16xf32> to vector<16xf32>
      %sub3A_85 = arith.subf %get3A_80, %get3A_84 : vector<16xf32>
      %add3A_86 = arith.addf %get3A_84, %sub3A_85 : vector<16xf32>
      %swap3A_87 = arith.index_cast %scan3A_60 : i32 to index
      %swap3A_88 = arith.constant 16 : index
      %swap3A_89 = tpu.vector_load %arg8[%swap3A_87, %swap3A_88] {strides = array<i32>} : memref<128x256xf32, #tpu.memory_space<vmem>>, vector<1x16xf32>,
      %swap3A_90 = vector.shape_cast %swap3A_89 : vector<1x16xf32> to vector<16xf32>
      %swap3A_91 = vector.shape_cast %add3A_86 : vector<16xf32> to vector<1x16xf32>
      tpu.vector_store %arg8[%swap3A_87, %swap3A_88], %swap3A_91 {strides = array<i32>} : memref<128x256xf32, #tpu.memory_space<vmem>>, vector<1x16xf32>,
      %mul3A_92 = arith.mulf %sub3A_85, %sub3A_85 : vector<16xf32>
      %add3A_93 = arith.addf %add3A_76, %mul3A_92 : vector<16xf32>
      %get3A_94 = arith.index_cast %scan3A_60 : i32 to index
      %get3A_95 = arith.constant 32 : index
      %get3A_96 = tpu.vector_load %arg8[%get3A_94, %get3A_95] {strides = array<i32>} : memref<128x256xf32, #tpu.memory_space<vmem>>, vector<1x16xf32>,
      %get3A_97 = vector.shape_cast %get3A_96 : vector<1x16xf32> to vector<16xf32>
      %get3A_98 = arith.index_cast %scan3A_60 : i32 to index
      %get3A_99 = arith.constant 32 : index
      %get3A_100 = tpu.vector_load %arg9[%get3A_98, %get3A_99] {strides = array<i32>} : memref<128x256xf32, #tpu.memory_space<vmem>>, vector<1x16xf32>,
      %get3A_101 = vector.shape_cast %get3A_100 : vector<1x16xf32> to vector<16xf32>
      %sub3A_102 = arith.subf %get3A_97, %get3A_101 : vector<16xf32>
      %add3A_103 = arith.addf %get3A_101, %sub3A_102 : vector<16xf32>
      %swap3A_104 = arith.index_cast %scan3A_60 : i32 to index
      %swap3A_105 = arith.constant 32 : index
      %swap3A_106 = tpu.vector_load %arg8[%swap3A_104, %swap3A_105] {strides = array<i32>} : memref<128x256xf32, #tpu.memory_space<vmem>>, vector<1x16xf32>,
      %swap3A_107 = vector.shape_cast %swap3A_106 : vector<1x16xf32> to vector<16xf32>
      %swap3A_108 = vector.shape_cast %add3A_103 : vector<16xf32> to vector<1x16xf32>
      tpu.vector_store %arg8[%swap3A_104, %swap3A_105], %swap3A_108 {strides = array<i32>} : memref<128x256xf32, #tpu.memory_space<vmem>>, vector<1x16xf32>,
      %mul3A_109 = arith.mulf %sub3A_102, %sub3A_102 : vector<16xf32>
      %add3A_110 = arith.addf %add3A_93, %mul3A_109 : vector<16xf32>
      %get3A_111 = arith.index_cast %scan3A_60 : i32 to index
      %get3A_112 = arith.constant 48 : index
      %get3A_113 = tpu.vector_load %arg8[%get3A_111, %get3A_112] {strides = array<i32>} : memref<128x256xf32, #tpu.memory_space<vmem>>, vector<1x16xf32>,
      %get3A_114 = vector.shape_cast %get3A_113 : vector<1x16xf32> to vector<16xf32>
      %get3A_115 = arith.index_cast %scan3A_60 : i32 to index
      %get3A_116 = arith.constant 48 : index
      %get3A_117 = tpu.vector_load %arg9[%get3A_115, %get3A_116] {strides = array<i32>} : memref<128x256xf32, #tpu.memory_space<vmem>>, vector<1x16xf32>,
      %get3A_118 = vector.shape_cast %get3A_117 : vector<1x16xf32> to vector<16xf32>
      %sub3A_119 = arith.subf %get3A_114, %get3A_118 : vector<16xf32>
      %add3A_120 = arith.addf %get3A_118, %sub3A_119 : vector<16xf32>
      %swap3A_121 = arith.index_cast %scan3A_60 : i32 to index
      %swap3A_122 = arith.constant 48 : index
      %swap3A_123 = tpu.vector_load %arg8[%swap3A_121, %swap3A_122] {strides = array<i32>} : memref<128x256xf32, #tpu.memory_space<vmem>>, vector<1x16xf32>,
      %swap3A_124 = vector.shape_cast %swap3A_123 : vector<1x16xf32> to vector<16xf32>
      %swap3A_125 = vector.shape_cast %add3A_120 : vector<16xf32> to vector<1x16xf32>
      tpu.vector_store %arg8[%swap3A_121, %swap3A_122], %swap3A_125 {strides = array<i32>} : memref<128x256xf32, #tpu.memory_space<vmem>>, vector<1x16xf32>,
      %mul3A_126 = arith.mulf %sub3A_119, %sub3A_119 : vector<16xf32>
      %add3A_127 = arith.addf %add3A_110, %mul3A_126 : vector<16xf32>
      %get3A_128 = arith.index_cast %scan3A_60 : i32 to index
      %get3A_129 = arith.constant 64 : index
      %get3A_130 = tpu.vector_load %arg8[%get3A_128, %get3A_129] {strides = array<i32>} : memref<128x256xf32, #tpu.memory_space<vmem>>, vector<1x16xf32>,
      %get3A_131 = vector.shape_cast %get3A_130 : vector<1x16xf32> to vector<16xf32>
      %get3A_132 = arith.index_cast %scan3A_60 : i32 to index
      %get3A_133 = arith.constant 64 : index
      %get3A_134 = tpu.vector_load %arg9[%get3A_132, %get3A_133] {strides = array<i32>} : memref<128x256xf32, #tpu.memory_space<vmem>>, vector<1x16xf32>,
      %get3A_135 = vector.shape_cast %get3A_134 : vector<1x16xf32> to vector<16xf32>
      %sub3A_136 = arith.subf %get3A_131, %get3A_135 : vector<16xf32>
      %add3A_137 = arith.addf %get3A_135, %sub3A_136 : vector<16xf32>
      %swap3A_138 = arith.index_cast %scan3A_60 : i32 to index
      %swap3A_139 = arith.constant 64 : index
      %swap3A_140 = tpu.vector_load %arg8[%swap3A_138, %swap3A_139] {strides = array<i32>} : memref<128x256xf32, #tpu.memory_space<vmem>>, vector<1x16xf32>,
      %swap3A_141 = vector.shape_cast %swap3A_140 : vector<1x16xf32> to vector<16xf32>
      %swap3A_142 = vector.shape_cast %add3A_137 : vector<16xf32> to vector<1x16xf32>
      tpu.vector_store %arg8[%swap3A_138, %swap3A_139], %swap3A_142 {strides = array<i32>} : memref<128x256xf32, #tpu.memory_space<vmem>>, vector<1x16xf32>,
      %mul3A_143 = arith.mulf %sub3A_136, %sub3A_136 : vector<16xf32>
      %add3A_144 = arith.addf %add3A_127, %mul3A_143 : vector<16xf32>
      %get3A_145 = arith.index_cast %scan3A_60 : i32 to index
      %get3A_146 = arith.constant 80 : index
      %get3A_147 = tpu.vector_load %arg8[%get3A_145, %get3A_146] {strides = array<i32>} : memref<128x256xf32, #tpu.memory_space<vmem>>, vector<1x16xf32>,
      %get3A_148 = vector.shape_cast %get3A_147 : vector<1x16xf32> to vector<16xf32>
      %get3A_149 = arith.index_cast %scan3A_60 : i32 to index
      %get3A_150 = arith.constant 80 : index
      %get3A_151 = tpu.vector_load %arg9[%get3A_149, %get3A_150] {strides = array<i32>} : memref<128x256xf32, #tpu.memory_space<vmem>>, vector<1x16xf32>,
      %get3A_152 = vector.shape_cast %get3A_151 : vector<1x16xf32> to vector<16xf32>
      %sub3A_153 = arith.subf %get3A_148, %get3A_152 : vector<16xf32>
      %add3A_154 = arith.addf %get3A_152, %sub3A_153 : vector<16xf32>
      %swap3A_155 = arith.index_cast %scan3A_60 : i32 to index
      %swap3A_156 = arith.constant 80 : index
      %swap3A_157 = tpu.vector_load %arg8[%swap3A_155, %swap3A_156] {strides = array<i32>} : memref<128x256xf32, #tpu.memory_space<vmem>>, vector<1x16xf32>,
      %swap3A_158 = vector.shape_cast %swap3A_157 : vector<1x16xf32> to vector<16xf32>
      %swap3A_159 = vector.shape_cast %add3A_154 : vector<16xf32> to vector<1x16xf32>
      tpu.vector_store %arg8[%swap3A_155, %swap3A_156], %swap3A_159 {strides = array<i32>} : memref<128x256xf32, #tpu.memory_space<vmem>>, vector<1x16xf32>,
      %mul3A_160 = arith.mulf %sub3A_153, %sub3A_153 : vector<16xf32>
      %add3A_161 = arith.addf %add3A_144, %mul3A_160 : vector<16xf32>
      %get3A_162 = arith.index_cast %scan3A_60 : i32 to index
      %get3A_163 = arith.constant 96 : index
      %get3A_164 = tpu.vector_load %arg8[%get3A_162, %get3A_163] {strides = array<i32>} : memref<128x256xf32, #tpu.memory_space<vmem>>, vector<1x16xf32>,
      %get3A_165 = vector.shape_cast %get3A_164 : vector<1x16xf32> to vector<16xf32>
      %get3A_166 = arith.index_cast %scan3A_60 : i32 to index
      %get3A_167 = arith.constant 96 : index
      %get3A_168 = tpu.vector_load %arg9[%get3A_166, %get3A_167] {strides = array<i32>} : memref<128x256xf32, #tpu.memory_space<vmem>>, vector<1x16xf32>,
      %get3A_169 = vector.shape_cast %get3A_168 : vector<1x16xf32> to vector<16xf32>
      %sub3A_170 = arith.subf %get3A_165, %get3A_169 : vector<16xf32>
      %add3A_171 = arith.addf %get3A_169, %sub3A_170 : vector<16xf32>
      %swap3A_172 = arith.index_cast %scan3A_60 : i32 to index
      %swap3A_173 = arith.constant 96 : index
      %swap3A_174 = tpu.vector_load %arg8[%swap3A_172, %swap3A_173] {strides = array<i32>} : memref<128x256xf32, #tpu.memory_space<vmem>>, vector<1x16xf32>,
      %swap3A_175 = vector.shape_cast %swap3A_174 : vector<1x16xf32> to vector<16xf32>
      %swap3A_176 = vector.shape_cast %add3A_171 : vector<16xf32> to vector<1x16xf32>
      tpu.vector_store %arg8[%swap3A_172, %swap3A_173], %swap3A_176 {strides = array<i32>} : memref<128x256xf32, #tpu.memory_space<vmem>>, vector<1x16xf32>,
      %mul3A_177 = arith.mulf %sub3A_170, %sub3A_170 : vector<16xf32>
      %add3A_178 = arith.addf %add3A_161, %mul3A_177 : vector<16xf32>
      %get3A_179 = arith.index_cast %scan3A_60 : i32 to index
      %get3A_180 = arith.constant 112 : index
      %get3A_181 = tpu.vector_load %arg8[%get3A_179, %get3A_180] {strides = array<i32>} : memref<128x256xf32, #tpu.memory_space<vmem>>, vector<1x16xf32>,
      %get3A_182 = vector.shape_cast %get3A_181 : vector<1x16xf32> to vector<16xf32>
      %get3A_183 = arith.index_cast %scan3A_60 : i32 to index
      %get3A_184 = arith.constant 112 : index
      %get3A_185 = tpu.vector_load %arg9[%get3A_183, %get3A_184] {strides = array<i32>} : memref<128x256xf32, #tpu.memory_space<vmem>>, vector<1x16xf32>,
      %get3A_186 = vector.shape_cast %get3A_185 : vector<1x16xf32> to vector<16xf32>
      %sub3A_187 = arith.subf %get3A_182, %get3A_186 : vector<16xf32>
      %add3A_188 = arith.addf %get3A_186, %sub3A_187 : vector<16xf32>
      %swap3A_189 = arith.index_cast %scan3A_60 : i32 to index
      %swap3A_190 = arith.constant 112 : index
      %swap3A_191 = tpu.vector_load %arg8[%swap3A_189, %swap3A_190] {strides = array<i32>} : memref<128x256xf32, #tpu.memory_space<vmem>>, vector<1x16xf32>,
      %swap3A_192 = vector.shape_cast %swap3A_191 : vector<1x16xf32> to vector<16xf32>
      %swap3A_193 = vector.shape_cast %add3A_188 : vector<16xf32> to vector<1x16xf32>
      tpu.vector_store %arg8[%swap3A_189, %swap3A_190], %swap3A_193 {strides = array<i32>} : memref<128x256xf32, #tpu.memory_space<vmem>>, vector<1x16xf32>,
      %mul3A_194 = arith.mulf %sub3A_187, %sub3A_187 : vector<16xf32>
      %add3A_195 = arith.addf %add3A_178, %mul3A_194 : vector<16xf32>
      %get3A_196 = arith.index_cast %scan3A_60 : i32 to index
      %get3A_197 = arith.constant 128 : index
      %get3A_198 = tpu.vector_load %arg8[%get3A_196, %get3A_197] {strides = array<i32>} : memref<128x256xf32, #tpu.memory_space<vmem>>, vector<1x16xf32>,
      %get3A_199 = vector.shape_cast %get3A_198 : vector<1x16xf32> to vector<16xf32>
      %get3A_200 = arith.index_cast %scan3A_60 : i32 to index
      %get3A_201 = arith.constant 128 : index
      %get3A_202 = tpu.vector_load %arg9[%get3A_200, %get3A_201] {strides = array<i32>} : memref<128x256xf32, #tpu.memory_space<vmem>>, vector<1x16xf32>,
      %get3A_203 = vector.shape_cast %get3A_202 : vector<1x16xf32> to vector<16xf32>
      %sub3A_204 = arith.subf %get3A_199, %get3A_203 : vector<16xf32>
      %add3A_205 = arith.addf %get3A_203, %sub3A_204 : vector<16xf32>
      %swap3A_206 = arith.index_cast %scan3A_60 : i32 to index
      %swap3A_207 = arith.constant 128 : index
      %swap3A_208 = tpu.vector_load %arg8[%swap3A_206, %swap3A_207] {strides = array<i32>} : memref<128x256xf32, #tpu.memory_space<vmem>>, vector<1x16xf32>,
      %swap3A_209 = vector.shape_cast %swap3A_208 : vector<1x16xf32> to vector<16xf32>
      %swap3A_210 = vector.shape_cast %add3A_205 : vector<16xf32> to vector<1x16xf32>
      tpu.vector_store %arg8[%swap3A_206, %swap3A_207], %swap3A_210 {strides = array<i32>} : memref<128x256xf32, #tpu.memory_space<vmem>>, vector<1x16xf32>,
      %mul3A_211 = arith.mulf %sub3A_204, %sub3A_204 : vector<16xf32>
      %add3A_212 = arith.addf %add3A_195, %mul3A_211 : vector<16xf32>
      %get3A_213 = arith.index_cast %scan3A_60 : i32 to index
      %get3A_214 = arith.constant 144 : index
      %get3A_215 = tpu.vector_load %arg8[%get3A_213, %get3A_214] {strides = array<i32>} : memref<128x256xf32, #tpu.memory_space<vmem>>, vector<1x16xf32>,
      %get3A_216 = vector.shape_cast %get3A_215 : vector<1x16xf32> to vector<16xf32>
      %get3A_217 = arith.index_cast %scan3A_60 : i32 to index
      %get3A_218 = arith.constant 144 : index
      %get3A_219 = tpu.vector_load %arg9[%get3A_217, %get3A_218] {strides = array<i32>} : memref<128x256xf32, #tpu.memory_space<vmem>>, vector<1x16xf32>,
      %get3A_220 = vector.shape_cast %get3A_219 : vector<1x16xf32> to vector<16xf32>
      %sub3A_221 = arith.subf %get3A_216, %get3A_220 : vector<16xf32>
      %add3A_222 = arith.addf %get3A_220, %sub3A_221 : vector<16xf32>
      %swap3A_223 = arith.index_cast %scan3A_60 : i32 to index
      %swap3A_224 = arith.constant 144 : index
      %swap3A_225 = tpu.vector_load %arg8[%swap3A_223, %swap3A_224] {strides = array<i32>} : memref<128x256xf32, #tpu.memory_space<vmem>>, vector<1x16xf32>,
      %swap3A_226 = vector.shape_cast %swap3A_225 : vector<1x16xf32> to vector<16xf32>
      %swap3A_227 = vector.shape_cast %add3A_222 : vector<16xf32> to vector<1x16xf32>
      tpu.vector_store %arg8[%swap3A_223, %swap3A_224], %swap3A_227 {strides = array<i32>} : memref<128x256xf32, #tpu.memory_space<vmem>>, vector<1x16xf32>,
      %mul3A_228 = arith.mulf %sub3A_221, %sub3A_221 : vector<16xf32>
      %add3A_229 = arith.addf %add3A_212, %mul3A_228 : vector<16xf32>
      %get3A_230 = arith.index_cast %scan3A_60 : i32 to index
      %get3A_231 = arith.constant 160 : index
      %get3A_232 = tpu.vector_load %arg8[%get3A_230, %get3A_231] {strides = array<i32>} : memref<128x256xf32, #tpu.memory_space<vmem>>, vector<1x16xf32>,
      %get3A_233 = vector.shape_cast %get3A_232 : vector<1x16xf32> to vector<16xf32>
      %get3A_234 = arith.index_cast %scan3A_60 : i32 to index
      %get3A_235 = arith.constant 160 : index
      %get3A_236 = tpu.vector_load %arg9[%get3A_234, %get3A_235] {strides = array<i32>} : memref<128x256xf32, #tpu.memory_space<vmem>>, vector<1x16xf32>,
      %get3A_237 = vector.shape_cast %get3A_236 : vector<1x16xf32> to vector<16xf32>
      %sub3A_238 = arith.subf %get3A_233, %get3A_237 : vector<16xf32>
      %add3A_239 = arith.addf %get3A_237, %sub3A_238 : vector<16xf32>
      %swap3A_240 = arith.index_cast %scan3A_60 : i32 to index
      %swap3A_241 = arith.constant 160 : index
      %swap3A_242 = tpu.vector_load %arg8[%swap3A_240, %swap3A_241] {strides = array<i32>} : memref<128x256xf32, #tpu.memory_space<vmem>>, vector<1x16xf32>,
      %swap3A_243 = vector.shape_cast %swap3A_242 : vector<1x16xf32> to vector<16xf32>
      %swap3A_244 = vector.shape_cast %add3A_239 : vector<16xf32> to vector<1x16xf32>
      tpu.vector_store %arg8[%swap3A_240, %swap3A_241], %swap3A_244 {strides = array<i32>} : memref<128x256xf32, #tpu.memory_space<vmem>>, vector<1x16xf32>,
      %mul3A_245 = arith.mulf %sub3A_238, %sub3A_238 : vector<16xf32>
      %add3A_246 = arith.addf %add3A_229, %mul3A_245 : vector<16xf32>
      %get3A_247 = arith.index_cast %scan3A_60 : i32 to index
      %get3A_248 = arith.constant 176 : index
      %get3A_249 = tpu.vector_load %arg8[%get3A_247, %get3A_248] {strides = array<i32>} : memref<128x256xf32, #tpu.memory_space<vmem>>, vector<1x16xf32>,
      %get3A_250 = vector.shape_cast %get3A_249 : vector<1x16xf32> to vector<16xf32>
      %get3A_251 = arith.index_cast %scan3A_60 : i32 to index
      %get3A_252 = arith.constant 176 : index
      %get3A_253 = tpu.vector_load %arg9[%get3A_251, %get3A_252] {strides = array<i32>} : memref<128x256xf32, #tpu.memory_space<vmem>>, vector<1x16xf32>,
      %get3A_254 = vector.shape_cast %get3A_253 : vector<1x16xf32> to vector<16xf32>
      %sub3A_255 = arith.subf %get3A_250, %get3A_254 : vector<16xf32>
      %add3A_256 = arith.addf %get3A_254, %sub3A_255 : vector<16xf32>
      %swap3A_257 = arith.index_cast %scan3A_60 : i32 to index
      %swap3A_258 = arith.constant 176 : index
      %swap3A_259 = tpu.vector_load %arg8[%swap3A_257, %swap3A_258] {strides = array<i32>} : memref<128x256xf32, #tpu.memory_space<vmem>>, vector<1x16xf32>,
      %swap3A_260 = vector.shape_cast %swap3A_259 : vector<1x16xf32> to vector<16xf32>
      %swap3A_261 = vector.shape_cast %add3A_256 : vector<16xf32> to vector<1x16xf32>
      tpu.vector_store %arg8[%swap3A_257, %swap3A_258], %swap3A_261 {strides = array<i32>} : memref<128x256xf32, #tpu.memory_space<vmem>>, vector<1x16xf32>,
      %mul3A_262 = arith.mulf %sub3A_255, %sub3A_255 : vector<16xf32>
      %add3A_263 = arith.addf %add3A_246, %mul3A_262 : vector<16xf32>
      %get3A_264 = arith.index_cast %scan3A_60 : i32 to index
      %get3A_265 = arith.constant 192 : index
      %get3A_266 = tpu.vector_load %arg8[%get3A_264, %get3A_265] {strides = array<i32>} : memref<128x256xf32, #tpu.memory_space<vmem>>, vector<1x16xf32>,
      %get3A_267 = vector.shape_cast %get3A_266 : vector<1x16xf32> to vector<16xf32>
      %get3A_268 = arith.index_cast %scan3A_60 : i32 to index
      %get3A_269 = arith.constant 192 : index
      %get3A_270 = tpu.vector_load %arg9[%get3A_268, %get3A_269] {strides = array<i32>} : memref<128x256xf32, #tpu.memory_space<vmem>>, vector<1x16xf32>,
      %get3A_271 = vector.shape_cast %get3A_270 : vector<1x16xf32> to vector<16xf32>
      %sub3A_272 = arith.subf %get3A_267, %get3A_271 : vector<16xf32>
      %add3A_273 = arith.addf %get3A_271, %sub3A_272 : vector<16xf32>
      %swap3A_274 = arith.index_cast %scan3A_60 : i32 to index
      %swap3A_275 = arith.constant 192 : index
      %swap3A_276 = tpu.vector_load %arg8[%swap3A_274, %swap3A_275] {strides = array<i32>} : memref<128x256xf32, #tpu.memory_space<vmem>>, vector<1x16xf32>,
      %swap3A_277 = vector.shape_cast %swap3A_276 : vector<1x16xf32> to vector<16xf32>
      %swap3A_278 = vector.shape_cast %add3A_273 : vector<16xf32> to vector<1x16xf32>
      tpu.vector_store %arg8[%swap3A_274, %swap3A_275], %swap3A_278 {strides = array<i32>} : memref<128x256xf32, #tpu.memory_space<vmem>>, vector<1x16xf32>,
      %mul3A_279 = arith.mulf %sub3A_272, %sub3A_272 : vector<16xf32>
      %add3A_280 = arith.addf %add3A_263, %mul3A_279 : vector<16xf32>
      %get3A_281 = arith.index_cast %scan3A_60 : i32 to index
      %get3A_282 = arith.constant 208 : index
      %get3A_283 = tpu.vector_load %arg8[%get3A_281, %get3A_282] {strides = array<i32>} : memref<128x256xf32, #tpu.memory_space<vmem>>, vector<1x16xf32>,
      %get3A_284 = vector.shape_cast %get3A_283 : vector<1x16xf32> to vector<16xf32>
      %get3A_285 = arith.index_cast %scan3A_60 : i32 to index
      %get3A_286 = arith.constant 208 : index
      %get3A_287 = tpu.vector_load %arg9[%get3A_285, %get3A_286] {strides = array<i32>} : memref<128x256xf32, #tpu.memory_space<vmem>>, vector<1x16xf32>,
      %get3A_288 = vector.shape_cast %get3A_287 : vector<1x16xf32> to vector<16xf32>
      %sub3A_289 = arith.subf %get3A_284, %get3A_288 : vector<16xf32>
      %add3A_290 = arith.addf %get3A_288, %sub3A_289 : vector<16xf32>
      %swap3A_291 = arith.index_cast %scan3A_60 : i32 to index
      %swap3A_292 = arith.constant 208 : index
      %swap3A_293 = tpu.vector_load %arg8[%swap3A_291, %swap3A_292] {strides = array<i32>} : memref<128x256xf32, #tpu.memory_space<vmem>>, vector<1x16xf32>,
      %swap3A_294 = vector.shape_cast %swap3A_293 : vector<1x16xf32> to vector<16xf32>
      %swap3A_295 = vector.shape_cast %add3A_290 : vector<16xf32> to vector<1x16xf32>
      tpu.vector_store %arg8[%swap3A_291, %swap3A_292], %swap3A_295 {strides = array<i32>} : memref<128x256xf32, #tpu.memory_space<vmem>>, vector<1x16xf32>,
      %mul3A_296 = arith.mulf %sub3A_289, %sub3A_289 : vector<16xf32>
      %add3A_297 = arith.addf %add3A_280, %mul3A_296 : vector<16xf32>
      %get3A_298 = arith.index_cast %scan3A_60 : i32 to index
      %get3A_299 = arith.constant 224 : index
      %get3A_300 = tpu.vector_load %arg8[%get3A_298, %get3A_299] {strides = array<i32>} : memref<128x256xf32, #tpu.memory_space<vmem>>, vector<1x16xf32>,
      %get3A_301 = vector.shape_cast %get3A_300 : vector<1x16xf32> to vector<16xf32>
      %get3A_302 = arith.index_cast %scan3A_60 : i32 to index
      %get3A_303 = arith.constant 224 : index
      %get3A_304 = tpu.vector_load %arg9[%get3A_302, %get3A_303] {strides = array<i32>} : memref<128x256xf32, #tpu.memory_space<vmem>>, vector<1x16xf32>,
      %get3A_305 = vector.shape_cast %get3A_304 : vector<1x16xf32> to vector<16xf32>
      %sub3A_306 = arith.subf %get3A_301, %get3A_305 : vector<16xf32>
      %add3A_307 = arith.addf %get3A_305, %sub3A_306 : vector<16xf32>
      %swap3A_308 = arith.index_cast %scan3A_60 : i32 to index
      %swap3A_309 = arith.constant 224 : index
      %swap3A_310 = tpu.vector_load %arg8[%swap3A_308, %swap3A_309] {strides = array<i32>} : memref<128x256xf32, #tpu.memory_space<vmem>>, vector<1x16xf32>,
      %swap3A_311 = vector.shape_cast %swap3A_310 : vector<1x16xf32> to vector<16xf32>
      %swap3A_312 = vector.shape_cast %add3A_307 : vector<16xf32> to vector<1x16xf32>
      tpu.vector_store %arg8[%swap3A_308, %swap3A_309], %swap3A_312 {strides = array<i32>} : memref<128x256xf32, #tpu.memory_space<vmem>>, vector<1x16xf32>,
      %mul3A_313 = arith.mulf %sub3A_306, %sub3A_306 : vector<16xf32>
      %add3A_314 = arith.addf %add3A_297, %mul3A_313 : vector<16xf32>
      %get3A_315 = arith.index_cast %scan3A_60 : i32 to index
      %get3A_316 = arith.constant 240 : index
      %get3A_317 = tpu.vector_load %arg8[%get3A_315, %get3A_316] {strides = array<i32>} : memref<128x256xf32, #tpu.memory_space<vmem>>, vector<1x16xf32>,
      %get3A_318 = vector.shape_cast %get3A_317 : vector<1x16xf32> to vector<16xf32>
      %get3A_319 = arith.index_cast %scan3A_60 : i32 to index
      %get3A_320 = arith.constant 240 : index
      %get3A_321 = tpu.vector_load %arg9[%get3A_319, %get3A_320] {strides = array<i32>} : memref<128x256xf32, #tpu.memory_space<vmem>>, vector<1x16xf32>,
      %get3A_322 = vector.shape_cast %get3A_321 : vector<1x16xf32> to vector<16xf32>
      %sub3A_323 = arith.subf %get3A_318, %get3A_322 : vector<16xf32>
      %add3A_324 = arith.addf %get3A_322, %sub3A_323 : vector<16xf32>
      %swap3A_325 = arith.index_cast %scan3A_60 : i32 to index
      %swap3A_326 = arith.constant 240 : index
      %swap3A_327 = tpu.vector_load %arg8[%swap3A_325, %swap3A_326] {strides = array<i32>} : memref<128x256xf32, #tpu.memory_space<vmem>>, vector<1x16xf32>,
      %swap3A_328 = vector.shape_cast %swap3A_327 : vector<1x16xf32> to vector<16xf32>
      %swap3A_329 = vector.shape_cast %add3A_324 : vector<16xf32> to vector<1x16xf32>
      tpu.vector_store %arg8[%swap3A_325, %swap3A_326], %swap3A_329 {strides = array<i32>} : memref<128x256xf32, #tpu.memory_space<vmem>>, vector<1x16xf32>,
      %mul3A_330 = arith.mulf %sub3A_323, %sub3A_323 : vector<16xf32>
      %add3A_331 = arith.addf %add3A_314, %mul3A_330 : vector<16xf32>
      scf.yield %add3A_331 : vector<16xf32>
    }
    %scan3A_14 = arith.constant 128 : i32
    "tpu.region"() ({
      %run_scoped3A = tpu.sem_alloc : memref<!tpu.dma_semaphore, #tpu.memory_space<semaphore_mem>>
      %dma_start3A_60 = arith.constant 0 : i32
      %dma_start3A_61 = tpu.memref_slice %arg5[%add3A_5, %dma_start3A_60] : memref<16384x256xf32, #tpu.memory_space<hbm>> -> memref<128x256xf32, #tpu.memory_space<hbm>>
      %dma_start3A_62 = arith.constant 0 : i32
      %dma_start3A_63 = tpu.memref_slice %arg5[%add3A_5, %dma_start3A_62] : memref<16384x256xf32, #tpu.memory_space<hbm>> -> memref<128x256xf32, #tpu.memory_space<hbm>>
      tpu.enqueue_dma source(%arg8 : memref<128x256xf32, #tpu.memory_space<vmem>>) target(%dma_start3A_63 : memref<128x256xf32, #tpu.memory_space<hbm>>) target_semaphore(%run_scoped3A : memref<!tpu.dma_semaphore, #tpu.memory_space<semaphore_mem>>)
      %dma_wait3A_64 = arith.constant 0 : i32
      %dma_wait3A_65 = tpu.memref_slice %arg5[%add3A_5, %dma_wait3A_64] : memref<16384x256xf32, #tpu.memory_space<hbm>> -> memref<128x256xf32, #tpu.memory_space<hbm>>
      %dma_wait3A_66 = arith.constant 0 : i32
      %dma_wait3A_67 = tpu.memref_slice %arg5[%add3A_5, %dma_wait3A_66] : memref<16384x256xf32, #tpu.memory_space<hbm>> -> memref<128x256xf32, #tpu.memory_space<hbm>>
      tpu.wait_dma2 semaphore(%run_scoped3A : memref<!tpu.dma_semaphore, #tpu.memory_space<semaphore_mem>>) src(%arg8 : memref<128x256xf32, #tpu.memory_space<vmem>>) dst(%dma_wait3A_67 : memref<128x256xf32, #tpu.memory_space<hbm>>)
      tpu.yield
    }) : () -> ()
    %add3A_15 = arith.constant 128 : i32
    %add3A_16 = arith.addi %mul3A_2, %add3A_15 : i32
    "tpu.region"() ({
      %run_scoped3A = tpu.sem_alloc : memref<!tpu.dma_semaphore, #tpu.memory_space<semaphore_mem>>
      %dma_start3A_60 = tpu.memref_slice %arg3[%add3A_16] : memref<16384xi32, #tpu.memory_space<hbm>> -> memref<128xi32, #tpu.memory_space<hbm>>
      %dma_start3A_61 = tpu.memref_slice %arg3[%add3A_16] : memref<16384xi32, #tpu.memory_space<hbm>> -> memref<128xi32, #tpu.memory_space<hbm>>
      tpu.enqueue_dma source(%dma_start3A_61 : memref<128xi32, #tpu.memory_space<hbm>>) target(%arg7 : memref<128xi32, #tpu.memory_space<vmem>>) target_semaphore(%run_scoped3A : memref<!tpu.dma_semaphore, #tpu.memory_space<semaphore_mem>>)
      %dma_wait3A_62 = tpu.memref_slice %arg3[%add3A_16] : memref<16384xi32, #tpu.memory_space<hbm>> -> memref<128xi32, #tpu.memory_space<hbm>>
      %dma_wait3A_63 = tpu.memref_slice %arg3[%add3A_16] : memref<16384xi32, #tpu.memory_space<hbm>> -> memref<128xi32, #tpu.memory_space<hbm>>
      tpu.wait_dma2 semaphore(%run_scoped3A : memref<!tpu.dma_semaphore, #tpu.memory_space<semaphore_mem>>) src(%dma_wait3A_63 : memref<128xi32, #tpu.memory_space<hbm>>) dst(%arg7 : memref<128xi32, #tpu.memory_space<vmem>>)
      tpu.yield
    }) : () -> ()
    %dma_start3A_17 = arith.constant 0 : i32
    %dma_start3A_18 = arith.constant 0 : i32
    %dma_start3A_19 = tpu.memref_slice %arg2[%dma_start3A_17, %dma_start3A_18] : memref<8192x256xf32, #tpu.memory_space<hbm>> -> memref<8192x256xf32, #tpu.memory_space<hbm>>
    tpu.enqueue_indirect_dma source(%dma_start3A_19 : memref<8192x256xf32, #tpu.memory_space<hbm>>) target(%arg8 : memref<128x256xf32, #tpu.memory_space<vmem>>) offsets(%arg7 : memref<128xi32, #tpu.memory_space<vmem>>) semaphore(%arg11 : memref<!tpu.dma_semaphore, #tpu.memory_space<semaphore_mem>>)
    %dma_wait3A_20 = arith.constant 0 : i32
    %dma_wait3A_21 = arith.constant 0 : i32
    %dma_wait3A_22 = tpu.memref_slice %arg2[%dma_wait3A_20, %dma_wait3A_21] : memref<8192x256xf32, #tpu.memory_space<hbm>> -> memref<8192x256xf32, #tpu.memory_space<hbm>>
    tpu.wait_indirect_dma semaphore(%arg11 : memref<!tpu.dma_semaphore, #tpu.memory_space<semaphore_mem>>) src(%dma_wait3A_22 : memref<8192x256xf32, #tpu.memory_space<hbm>>) dst(%arg8 : memref<128x256xf32, #tpu.memory_space<vmem>>)
    "tpu.region"() ({
      %run_scoped3A = tpu.sem_alloc : memref<!tpu.dma_semaphore, #tpu.memory_space<semaphore_mem>>
      %dma_start3A_60 = arith.constant 0 : i32
      %dma_start3A_61 = tpu.memref_slice %arg4[%add3A_16, %dma_start3A_60] : memref<16384x256xf32, #tpu.memory_space<hbm>> -> memref<128x256xf32, #tpu.memory_space<hbm>>
      %dma_start3A_62 = arith.constant 0 : i32
      %dma_start3A_63 = tpu.memref_slice %arg4[%add3A_16, %dma_start3A_62] : memref<16384x256xf32, #tpu.memory_space<hbm>> -> memref<128x256xf32, #tpu.memory_space<hbm>>
      tpu.enqueue_dma source(%dma_start3A_63 : memref<128x256xf32, #tpu.memory_space<hbm>>) target(%arg9 : memref<128x256xf32, #tpu.memory_space<vmem>>) target_semaphore(%run_scoped3A : memref<!tpu.dma_semaphore, #tpu.memory_space<semaphore_mem>>)
      %dma_wait3A_64 = arith.constant 0 : i32
      %dma_wait3A_65 = tpu.memref_slice %arg4[%add3A_16, %dma_wait3A_64] : memref<16384x256xf32, #tpu.memory_space<hbm>> -> memref<128x256xf32, #tpu.memory_space<hbm>>
      %dma_wait3A_66 = arith.constant 0 : i32
      %dma_wait3A_67 = tpu.memref_slice %arg4[%add3A_16, %dma_wait3A_66] : memref<16384x256xf32, #tpu.memory_space<hbm>> -> memref<128x256xf32, #tpu.memory_space<hbm>>
      tpu.wait_dma2 semaphore(%run_scoped3A : memref<!tpu.dma_semaphore, #tpu.memory_space<semaphore_mem>>) src(%dma_wait3A_67 : memref<128x256xf32, #tpu.memory_space<hbm>>) dst(%arg9 : memref<128x256xf32, #tpu.memory_space<vmem>>)
      tpu.yield
    }) : () -> ()
    %scan3A_23 = arith.constant 0 : i32
    %scan3A_24 = arith.constant 128 : i32
    %scan3A_25 = arith.addi %scan3A_23, %scan3A_24 : i32
    %scan3A_26 = arith.constant 1 : i32
    %scan3A_27 = scf.for %scan3A_60 = %scan3A_23 to %scan3A_25 step %scan3A_26 iter_args(%scan3A_61 = %scan3A_13) -> (vector<16xf32>)  : i32 {
      %get3A = arith.index_cast %scan3A_60 : i32 to index
      %get3A_62 = arith.constant 0 : index
      %get3A_63 = tpu.vector_load %arg8[%get3A, %get3A_62] {strides = array<i32>} : memref<128x256xf32, #tpu.memory_space<vmem>>, vector<1x16xf32>,
      %get3A_64 = vector.shape_cast %get3A_63 : vector<1x16xf32> to vector<16xf32>
      %get3A_65 = arith.index_cast %scan3A_60 : i32 to index
      %get3A_66 = arith.constant 0 : index
      %get3A_67 = tpu.vector_load %arg9[%get3A_65, %get3A_66] {strides = array<i32>} : memref<128x256xf32, #tpu.memory_space<vmem>>, vector<1x16xf32>,
      %get3A_68 = vector.shape_cast %get3A_67 : vector<1x16xf32> to vector<16xf32>
      %sub3A = arith.subf %get3A_64, %get3A_68 : vector<16xf32>
      %add3A_69 = arith.addf %get3A_68, %sub3A : vector<16xf32>
      %swap3A_70 = arith.index_cast %scan3A_60 : i32 to index
      %swap3A_71 = arith.constant 0 : index
      %swap3A_72 = tpu.vector_load %arg8[%swap3A_70, %swap3A_71] {strides = array<i32>} : memref<128x256xf32, #tpu.memory_space<vmem>>, vector<1x16xf32>,
      %swap3A_73 = vector.shape_cast %swap3A_72 : vector<1x16xf32> to vector<16xf32>
      %swap3A_74 = vector.shape_cast %add3A_69 : vector<16xf32> to vector<1x16xf32>
      tpu.vector_store %arg8[%swap3A_70, %swap3A_71], %swap3A_74 {strides = array<i32>} : memref<128x256xf32, #tpu.memory_space<vmem>>, vector<1x16xf32>,
      %mul3A_75 = arith.mulf %sub3A, %sub3A : vector<16xf32>
      %add3A_76 = arith.addf %scan3A_61, %mul3A_75 : vector<16xf32>
      %get3A_77 = arith.index_cast %scan3A_60 : i32 to index
      %get3A_78 = arith.constant 16 : index
      %get3A_79 = tpu.vector_load %arg8[%get3A_77, %get3A_78] {strides = array<i32>} : memref<128x256xf32, #tpu.memory_space<vmem>>, vector<1x16xf32>,
      %get3A_80 = vector.shape_cast %get3A_79 : vector<1x16xf32> to vector<16xf32>
      %get3A_81 = arith.index_cast %scan3A_60 : i32 to index
      %get3A_82 = arith.constant 16 : index
      %get3A_83 = tpu.vector_load %arg9[%get3A_81, %get3A_82] {strides = array<i32>} : memref<128x256xf32, #tpu.memory_space<vmem>>, vector<1x16xf32>,
      %get3A_84 = vector.shape_cast %get3A_83 : vector<1x16xf32> to vector<16xf32>
      %sub3A_85 = arith.subf %get3A_80, %get3A_84 : vector<16xf32>
      %add3A_86 = arith.addf %get3A_84, %sub3A_85 : vector<16xf32>
      %swap3A_87 = arith.index_cast %scan3A_60 : i32 to index
      %swap3A_88 = arith.constant 16 : index
      %swap3A_89 = tpu.vector_load %arg8[%swap3A_87, %swap3A_88] {strides = array<i32>} : memref<128x256xf32, #tpu.memory_space<vmem>>, vector<1x16xf32>,
      %swap3A_90 = vector.shape_cast %swap3A_89 : vector<1x16xf32> to vector<16xf32>
      %swap3A_91 = vector.shape_cast %add3A_86 : vector<16xf32> to vector<1x16xf32>
      tpu.vector_store %arg8[%swap3A_87, %swap3A_88], %swap3A_91 {strides = array<i32>} : memref<128x256xf32, #tpu.memory_space<vmem>>, vector<1x16xf32>,
      %mul3A_92 = arith.mulf %sub3A_85, %sub3A_85 : vector<16xf32>
      %add3A_93 = arith.addf %add3A_76, %mul3A_92 : vector<16xf32>
      %get3A_94 = arith.index_cast %scan3A_60 : i32 to index
      %get3A_95 = arith.constant 32 : index
      %get3A_96 = tpu.vector_load %arg8[%get3A_94, %get3A_95] {strides = array<i32>} : memref<128x256xf32, #tpu.memory_space<vmem>>, vector<1x16xf32>,
      %get3A_97 = vector.shape_cast %get3A_96 : vector<1x16xf32> to vector<16xf32>
      %get3A_98 = arith.index_cast %scan3A_60 : i32 to index
      %get3A_99 = arith.constant 32 : index
      %get3A_100 = tpu.vector_load %arg9[%get3A_98, %get3A_99] {strides = array<i32>} : memref<128x256xf32, #tpu.memory_space<vmem>>, vector<1x16xf32>,
      %get3A_101 = vector.shape_cast %get3A_100 : vector<1x16xf32> to vector<16xf32>
      %sub3A_102 = arith.subf %get3A_97, %get3A_101 : vector<16xf32>
      %add3A_103 = arith.addf %get3A_101, %sub3A_102 : vector<16xf32>
      %swap3A_104 = arith.index_cast %scan3A_60 : i32 to index
      %swap3A_105 = arith.constant 32 : index
      %swap3A_106 = tpu.vector_load %arg8[%swap3A_104, %swap3A_105] {strides = array<i32>} : memref<128x256xf32, #tpu.memory_space<vmem>>, vector<1x16xf32>,
      %swap3A_107 = vector.shape_cast %swap3A_106 : vector<1x16xf32> to vector<16xf32>
      %swap3A_108 = vector.shape_cast %add3A_103 : vector<16xf32> to vector<1x16xf32>
      tpu.vector_store %arg8[%swap3A_104, %swap3A_105], %swap3A_108 {strides = array<i32>} : memref<128x256xf32, #tpu.memory_space<vmem>>, vector<1x16xf32>,
      %mul3A_109 = arith.mulf %sub3A_102, %sub3A_102 : vector<16xf32>
      %add3A_110 = arith.addf %add3A_93, %mul3A_109 : vector<16xf32>
      %get3A_111 = arith.index_cast %scan3A_60 : i32 to index
      %get3A_112 = arith.constant 48 : index
      %get3A_113 = tpu.vector_load %arg8[%get3A_111, %get3A_112] {strides = array<i32>} : memref<128x256xf32, #tpu.memory_space<vmem>>, vector<1x16xf32>,
      %get3A_114 = vector.shape_cast %get3A_113 : vector<1x16xf32> to vector<16xf32>
      %get3A_115 = arith.index_cast %scan3A_60 : i32 to index
      %get3A_116 = arith.constant 48 : index
      %get3A_117 = tpu.vector_load %arg9[%get3A_115, %get3A_116] {strides = array<i32>} : memref<128x256xf32, #tpu.memory_space<vmem>>, vector<1x16xf32>,
      %get3A_118 = vector.shape_cast %get3A_117 : vector<1x16xf32> to vector<16xf32>
      %sub3A_119 = arith.subf %get3A_114, %get3A_118 : vector<16xf32>
      %add3A_120 = arith.addf %get3A_118, %sub3A_119 : vector<16xf32>
      %swap3A_121 = arith.index_cast %scan3A_60 : i32 to index
      %swap3A_122 = arith.constant 48 : index
      %swap3A_123 = tpu.vector_load %arg8[%swap3A_121, %swap3A_122] {strides = array<i32>} : memref<128x256xf32, #tpu.memory_space<vmem>>, vector<1x16xf32>,
      %swap3A_124 = vector.shape_cast %swap3A_123 : vector<1x16xf32> to vector<16xf32>
      %swap3A_125 = vector.shape_cast %add3A_120 : vector<16xf32> to vector<1x16xf32>
      tpu.vector_store %arg8[%swap3A_121, %swap3A_122], %swap3A_125 {strides = array<i32>} : memref<128x256xf32, #tpu.memory_space<vmem>>, vector<1x16xf32>,
      %mul3A_126 = arith.mulf %sub3A_119, %sub3A_119 : vector<16xf32>
      %add3A_127 = arith.addf %add3A_110, %mul3A_126 : vector<16xf32>
      %get3A_128 = arith.index_cast %scan3A_60 : i32 to index
      %get3A_129 = arith.constant 64 : index
      %get3A_130 = tpu.vector_load %arg8[%get3A_128, %get3A_129] {strides = array<i32>} : memref<128x256xf32, #tpu.memory_space<vmem>>, vector<1x16xf32>,
      %get3A_131 = vector.shape_cast %get3A_130 : vector<1x16xf32> to vector<16xf32>
      %get3A_132 = arith.index_cast %scan3A_60 : i32 to index
      %get3A_133 = arith.constant 64 : index
      %get3A_134 = tpu.vector_load %arg9[%get3A_132, %get3A_133] {strides = array<i32>} : memref<128x256xf32, #tpu.memory_space<vmem>>, vector<1x16xf32>,
      %get3A_135 = vector.shape_cast %get3A_134 : vector<1x16xf32> to vector<16xf32>
      %sub3A_136 = arith.subf %get3A_131, %get3A_135 : vector<16xf32>
      %add3A_137 = arith.addf %get3A_135, %sub3A_136 : vector<16xf32>
      %swap3A_138 = arith.index_cast %scan3A_60 : i32 to index
      %swap3A_139 = arith.constant 64 : index
      %swap3A_140 = tpu.vector_load %arg8[%swap3A_138, %swap3A_139] {strides = array<i32>} : memref<128x256xf32, #tpu.memory_space<vmem>>, vector<1x16xf32>,
      %swap3A_141 = vector.shape_cast %swap3A_140 : vector<1x16xf32> to vector<16xf32>
      %swap3A_142 = vector.shape_cast %add3A_137 : vector<16xf32> to vector<1x16xf32>
      tpu.vector_store %arg8[%swap3A_138, %swap3A_139], %swap3A_142 {strides = array<i32>} : memref<128x256xf32, #tpu.memory_space<vmem>>, vector<1x16xf32>,
      %mul3A_143 = arith.mulf %sub3A_136, %sub3A_136 : vector<16xf32>
      %add3A_144 = arith.addf %add3A_127, %mul3A_143 : vector<16xf32>
      %get3A_145 = arith.index_cast %scan3A_60 : i32 to index
      %get3A_146 = arith.constant 80 : index
      %get3A_147 = tpu.vector_load %arg8[%get3A_145, %get3A_146] {strides = array<i32>} : memref<128x256xf32, #tpu.memory_space<vmem>>, vector<1x16xf32>,
      %get3A_148 = vector.shape_cast %get3A_147 : vector<1x16xf32> to vector<16xf32>
      %get3A_149 = arith.index_cast %scan3A_60 : i32 to index
      %get3A_150 = arith.constant 80 : index
      %get3A_151 = tpu.vector_load %arg9[%get3A_149, %get3A_150] {strides = array<i32>} : memref<128x256xf32, #tpu.memory_space<vmem>>, vector<1x16xf32>,
      %get3A_152 = vector.shape_cast %get3A_151 : vector<1x16xf32> to vector<16xf32>
      %sub3A_153 = arith.subf %get3A_148, %get3A_152 : vector<16xf32>
      %add3A_154 = arith.addf %get3A_152, %sub3A_153 : vector<16xf32>
      %swap3A_155 = arith.index_cast %scan3A_60 : i32 to index
      %swap3A_156 = arith.constant 80 : index
      %swap3A_157 = tpu.vector_load %arg8[%swap3A_155, %swap3A_156] {strides = array<i32>} : memref<128x256xf32, #tpu.memory_space<vmem>>, vector<1x16xf32>,
      %swap3A_158 = vector.shape_cast %swap3A_157 : vector<1x16xf32> to vector<16xf32>
      %swap3A_159 = vector.shape_cast %add3A_154 : vector<16xf32> to vector<1x16xf32>
      tpu.vector_store %arg8[%swap3A_155, %swap3A_156], %swap3A_159 {strides = array<i32>} : memref<128x256xf32, #tpu.memory_space<vmem>>, vector<1x16xf32>,
      %mul3A_160 = arith.mulf %sub3A_153, %sub3A_153 : vector<16xf32>
      %add3A_161 = arith.addf %add3A_144, %mul3A_160 : vector<16xf32>
      %get3A_162 = arith.index_cast %scan3A_60 : i32 to index
      %get3A_163 = arith.constant 96 : index
      %get3A_164 = tpu.vector_load %arg8[%get3A_162, %get3A_163] {strides = array<i32>} : memref<128x256xf32, #tpu.memory_space<vmem>>, vector<1x16xf32>,
      %get3A_165 = vector.shape_cast %get3A_164 : vector<1x16xf32> to vector<16xf32>
      %get3A_166 = arith.index_cast %scan3A_60 : i32 to index
      %get3A_167 = arith.constant 96 : index
      %get3A_168 = tpu.vector_load %arg9[%get3A_166, %get3A_167] {strides = array<i32>} : memref<128x256xf32, #tpu.memory_space<vmem>>, vector<1x16xf32>,
      %get3A_169 = vector.shape_cast %get3A_168 : vector<1x16xf32> to vector<16xf32>
      %sub3A_170 = arith.subf %get3A_165, %get3A_169 : vector<16xf32>
      %add3A_171 = arith.addf %get3A_169, %sub3A_170 : vector<16xf32>
      %swap3A_172 = arith.index_cast %scan3A_60 : i32 to index
      %swap3A_173 = arith.constant 96 : index
      %swap3A_174 = tpu.vector_load %arg8[%swap3A_172, %swap3A_173] {strides = array<i32>} : memref<128x256xf32, #tpu.memory_space<vmem>>, vector<1x16xf32>,
      %swap3A_175 = vector.shape_cast %swap3A_174 : vector<1x16xf32> to vector<16xf32>
      %swap3A_176 = vector.shape_cast %add3A_171 : vector<16xf32> to vector<1x16xf32>
      tpu.vector_store %arg8[%swap3A_172, %swap3A_173], %swap3A_176 {strides = array<i32>} : memref<128x256xf32, #tpu.memory_space<vmem>>, vector<1x16xf32>,
      %mul3A_177 = arith.mulf %sub3A_170, %sub3A_170 : vector<16xf32>
      %add3A_178 = arith.addf %add3A_161, %mul3A_177 : vector<16xf32>
      %get3A_179 = arith.index_cast %scan3A_60 : i32 to index
      %get3A_180 = arith.constant 112 : index
      %get3A_181 = tpu.vector_load %arg8[%get3A_179, %get3A_180] {strides = array<i32>} : memref<128x256xf32, #tpu.memory_space<vmem>>, vector<1x16xf32>,
      %get3A_182 = vector.shape_cast %get3A_181 : vector<1x16xf32> to vector<16xf32>
      %get3A_183 = arith.index_cast %scan3A_60 : i32 to index
      %get3A_184 = arith.constant 112 : index
      %get3A_185 = tpu.vector_load %arg9[%get3A_183, %get3A_184] {strides = array<i32>} : memref<128x256xf32, #tpu.memory_space<vmem>>, vector<1x16xf32>,
      %get3A_186 = vector.shape_cast %get3A_185 : vector<1x16xf32> to vector<16xf32>
      %sub3A_187 = arith.subf %get3A_182, %get3A_186 : vector<16xf32>
      %add3A_188 = arith.addf %get3A_186, %sub3A_187 : vector<16xf32>
      %swap3A_189 = arith.index_cast %scan3A_60 : i32 to index
      %swap3A_190 = arith.constant 112 : index
      %swap3A_191 = tpu.vector_load %arg8[%swap3A_189, %swap3A_190] {strides = array<i32>} : memref<128x256xf32, #tpu.memory_space<vmem>>, vector<1x16xf32>,
      %swap3A_192 = vector.shape_cast %swap3A_191 : vector<1x16xf32> to vector<16xf32>
      %swap3A_193 = vector.shape_cast %add3A_188 : vector<16xf32> to vector<1x16xf32>
      tpu.vector_store %arg8[%swap3A_189, %swap3A_190], %swap3A_193 {strides = array<i32>} : memref<128x256xf32, #tpu.memory_space<vmem>>, vector<1x16xf32>,
      %mul3A_194 = arith.mulf %sub3A_187, %sub3A_187 : vector<16xf32>
      %add3A_195 = arith.addf %add3A_178, %mul3A_194 : vector<16xf32>
      %get3A_196 = arith.index_cast %scan3A_60 : i32 to index
      %get3A_197 = arith.constant 128 : index
      %get3A_198 = tpu.vector_load %arg8[%get3A_196, %get3A_197] {strides = array<i32>} : memref<128x256xf32, #tpu.memory_space<vmem>>, vector<1x16xf32>,
      %get3A_199 = vector.shape_cast %get3A_198 : vector<1x16xf32> to vector<16xf32>
      %get3A_200 = arith.index_cast %scan3A_60 : i32 to index
      %get3A_201 = arith.constant 128 : index
      %get3A_202 = tpu.vector_load %arg9[%get3A_200, %get3A_201] {strides = array<i32>} : memref<128x256xf32, #tpu.memory_space<vmem>>, vector<1x16xf32>,
      %get3A_203 = vector.shape_cast %get3A_202 : vector<1x16xf32> to vector<16xf32>
      %sub3A_204 = arith.subf %get3A_199, %get3A_203 : vector<16xf32>
      %add3A_205 = arith.addf %get3A_203, %sub3A_204 : vector<16xf32>
      %swap3A_206 = arith.index_cast %scan3A_60 : i32 to index
      %swap3A_207 = arith.constant 128 : index
      %swap3A_208 = tpu.vector_load %arg8[%swap3A_206, %swap3A_207] {strides = array<i32>} : memref<128x256xf32, #tpu.memory_space<vmem>>, vector<1x16xf32>,
      %swap3A_209 = vector.shape_cast %swap3A_208 : vector<1x16xf32> to vector<16xf32>
      %swap3A_210 = vector.shape_cast %add3A_205 : vector<16xf32> to vector<1x16xf32>
      tpu.vector_store %arg8[%swap3A_206, %swap3A_207], %swap3A_210 {strides = array<i32>} : memref<128x256xf32, #tpu.memory_space<vmem>>, vector<1x16xf32>,
      %mul3A_211 = arith.mulf %sub3A_204, %sub3A_204 : vector<16xf32>
      %add3A_212 = arith.addf %add3A_195, %mul3A_211 : vector<16xf32>
      %get3A_213 = arith.index_cast %scan3A_60 : i32 to index
      %get3A_214 = arith.constant 144 : index
      %get3A_215 = tpu.vector_load %arg8[%get3A_213, %get3A_214] {strides = array<i32>} : memref<128x256xf32, #tpu.memory_space<vmem>>, vector<1x16xf32>,
      %get3A_216 = vector.shape_cast %get3A_215 : vector<1x16xf32> to vector<16xf32>
      %get3A_217 = arith.index_cast %scan3A_60 : i32 to index
      %get3A_218 = arith.constant 144 : index
      %get3A_219 = tpu.vector_load %arg9[%get3A_217, %get3A_218] {strides = array<i32>} : memref<128x256xf32, #tpu.memory_space<vmem>>, vector<1x16xf32>,
      %get3A_220 = vector.shape_cast %get3A_219 : vector<1x16xf32> to vector<16xf32>
      %sub3A_221 = arith.subf %get3A_216, %get3A_220 : vector<16xf32>
      %add3A_222 = arith.addf %get3A_220, %sub3A_221 : vector<16xf32>
      %swap3A_223 = arith.index_cast %scan3A_60 : i32 to index
      %swap3A_224 = arith.constant 144 : index
      %swap3A_225 = tpu.vector_load %arg8[%swap3A_223, %swap3A_224] {strides = array<i32>} : memref<128x256xf32, #tpu.memory_space<vmem>>, vector<1x16xf32>,
      %swap3A_226 = vector.shape_cast %swap3A_225 : vector<1x16xf32> to vector<16xf32>
      %swap3A_227 = vector.shape_cast %add3A_222 : vector<16xf32> to vector<1x16xf32>
      tpu.vector_store %arg8[%swap3A_223, %swap3A_224], %swap3A_227 {strides = array<i32>} : memref<128x256xf32, #tpu.memory_space<vmem>>, vector<1x16xf32>,
      %mul3A_228 = arith.mulf %sub3A_221, %sub3A_221 : vector<16xf32>
      %add3A_229 = arith.addf %add3A_212, %mul3A_228 : vector<16xf32>
      %get3A_230 = arith.index_cast %scan3A_60 : i32 to index
      %get3A_231 = arith.constant 160 : index
      %get3A_232 = tpu.vector_load %arg8[%get3A_230, %get3A_231] {strides = array<i32>} : memref<128x256xf32, #tpu.memory_space<vmem>>, vector<1x16xf32>,
      %get3A_233 = vector.shape_cast %get3A_232 : vector<1x16xf32> to vector<16xf32>
      %get3A_234 = arith.index_cast %scan3A_60 : i32 to index
      %get3A_235 = arith.constant 160 : index
      %get3A_236 = tpu.vector_load %arg9[%get3A_234, %get3A_235] {strides = array<i32>} : memref<128x256xf32, #tpu.memory_space<vmem>>, vector<1x16xf32>,
      %get3A_237 = vector.shape_cast %get3A_236 : vector<1x16xf32> to vector<16xf32>
      %sub3A_238 = arith.subf %get3A_233, %get3A_237 : vector<16xf32>
      %add3A_239 = arith.addf %get3A_237, %sub3A_238 : vector<16xf32>
      %swap3A_240 = arith.index_cast %scan3A_60 : i32 to index
      %swap3A_241 = arith.constant 160 : index
      %swap3A_242 = tpu.vector_load %arg8[%swap3A_240, %swap3A_241] {strides = array<i32>} : memref<128x256xf32, #tpu.memory_space<vmem>>, vector<1x16xf32>,
      %swap3A_243 = vector.shape_cast %swap3A_242 : vector<1x16xf32> to vector<16xf32>
      %swap3A_244 = vector.shape_cast %add3A_239 : vector<16xf32> to vector<1x16xf32>
      tpu.vector_store %arg8[%swap3A_240, %swap3A_241], %swap3A_244 {strides = array<i32>} : memref<128x256xf32, #tpu.memory_space<vmem>>, vector<1x16xf32>,
      %mul3A_245 = arith.mulf %sub3A_238, %sub3A_238 : vector<16xf32>
      %add3A_246 = arith.addf %add3A_229, %mul3A_245 : vector<16xf32>
      %get3A_247 = arith.index_cast %scan3A_60 : i32 to index
      %get3A_248 = arith.constant 176 : index
      %get3A_249 = tpu.vector_load %arg8[%get3A_247, %get3A_248] {strides = array<i32>} : memref<128x256xf32, #tpu.memory_space<vmem>>, vector<1x16xf32>,
      %get3A_250 = vector.shape_cast %get3A_249 : vector<1x16xf32> to vector<16xf32>
      %get3A_251 = arith.index_cast %scan3A_60 : i32 to index
      %get3A_252 = arith.constant 176 : index
      %get3A_253 = tpu.vector_load %arg9[%get3A_251, %get3A_252] {strides = array<i32>} : memref<128x256xf32, #tpu.memory_space<vmem>>, vector<1x16xf32>,
      %get3A_254 = vector.shape_cast %get3A_253 : vector<1x16xf32> to vector<16xf32>
      %sub3A_255 = arith.subf %get3A_250, %get3A_254 : vector<16xf32>
      %add3A_256 = arith.addf %get3A_254, %sub3A_255 : vector<16xf32>
      %swap3A_257 = arith.index_cast %scan3A_60 : i32 to index
      %swap3A_258 = arith.constant 176 : index
      %swap3A_259 = tpu.vector_load %arg8[%swap3A_257, %swap3A_258] {strides = array<i32>} : memref<128x256xf32, #tpu.memory_space<vmem>>, vector<1x16xf32>,
      %swap3A_260 = vector.shape_cast %swap3A_259 : vector<1x16xf32> to vector<16xf32>
      %swap3A_261 = vector.shape_cast %add3A_256 : vector<16xf32> to vector<1x16xf32>
      tpu.vector_store %arg8[%swap3A_257, %swap3A_258], %swap3A_261 {strides = array<i32>} : memref<128x256xf32, #tpu.memory_space<vmem>>, vector<1x16xf32>,
      %mul3A_262 = arith.mulf %sub3A_255, %sub3A_255 : vector<16xf32>
      %add3A_263 = arith.addf %add3A_246, %mul3A_262 : vector<16xf32>
      %get3A_264 = arith.index_cast %scan3A_60 : i32 to index
      %get3A_265 = arith.constant 192 : index
      %get3A_266 = tpu.vector_load %arg8[%get3A_264, %get3A_265] {strides = array<i32>} : memref<128x256xf32, #tpu.memory_space<vmem>>, vector<1x16xf32>,
      %get3A_267 = vector.shape_cast %get3A_266 : vector<1x16xf32> to vector<16xf32>
      %get3A_268 = arith.index_cast %scan3A_60 : i32 to index
      %get3A_269 = arith.constant 192 : index
      %get3A_270 = tpu.vector_load %arg9[%get3A_268, %get3A_269] {strides = array<i32>} : memref<128x256xf32, #tpu.memory_space<vmem>>, vector<1x16xf32>,
      %get3A_271 = vector.shape_cast %get3A_270 : vector<1x16xf32> to vector<16xf32>
      %sub3A_272 = arith.subf %get3A_267, %get3A_271 : vector<16xf32>
      %add3A_273 = arith.addf %get3A_271, %sub3A_272 : vector<16xf32>
      %swap3A_274 = arith.index_cast %scan3A_60 : i32 to index
      %swap3A_275 = arith.constant 192 : index
      %swap3A_276 = tpu.vector_load %arg8[%swap3A_274, %swap3A_275] {strides = array<i32>} : memref<128x256xf32, #tpu.memory_space<vmem>>, vector<1x16xf32>,
      %swap3A_277 = vector.shape_cast %swap3A_276 : vector<1x16xf32> to vector<16xf32>
      %swap3A_278 = vector.shape_cast %add3A_273 : vector<16xf32> to vector<1x16xf32>
      tpu.vector_store %arg8[%swap3A_274, %swap3A_275], %swap3A_278 {strides = array<i32>} : memref<128x256xf32, #tpu.memory_space<vmem>>, vector<1x16xf32>,
      %mul3A_279 = arith.mulf %sub3A_272, %sub3A_272 : vector<16xf32>
      %add3A_280 = arith.addf %add3A_263, %mul3A_279 : vector<16xf32>
      %get3A_281 = arith.index_cast %scan3A_60 : i32 to index
      %get3A_282 = arith.constant 208 : index
      %get3A_283 = tpu.vector_load %arg8[%get3A_281, %get3A_282] {strides = array<i32>} : memref<128x256xf32, #tpu.memory_space<vmem>>, vector<1x16xf32>,
      %get3A_284 = vector.shape_cast %get3A_283 : vector<1x16xf32> to vector<16xf32>
      %get3A_285 = arith.index_cast %scan3A_60 : i32 to index
      %get3A_286 = arith.constant 208 : index
      %get3A_287 = tpu.vector_load %arg9[%get3A_285, %get3A_286] {strides = array<i32>} : memref<128x256xf32, #tpu.memory_space<vmem>>, vector<1x16xf32>,
      %get3A_288 = vector.shape_cast %get3A_287 : vector<1x16xf32> to vector<16xf32>
      %sub3A_289 = arith.subf %get3A_284, %get3A_288 : vector<16xf32>
      %add3A_290 = arith.addf %get3A_288, %sub3A_289 : vector<16xf32>
      %swap3A_291 = arith.index_cast %scan3A_60 : i32 to index
      %swap3A_292 = arith.constant 208 : index
      %swap3A_293 = tpu.vector_load %arg8[%swap3A_291, %swap3A_292] {strides = array<i32>} : memref<128x256xf32, #tpu.memory_space<vmem>>, vector<1x16xf32>,
      %swap3A_294 = vector.shape_cast %swap3A_293 : vector<1x16xf32> to vector<16xf32>
      %swap3A_295 = vector.shape_cast %add3A_290 : vector<16xf32> to vector<1x16xf32>
      tpu.vector_store %arg8[%swap3A_291, %swap3A_292], %swap3A_295 {strides = array<i32>} : memref<128x256xf32, #tpu.memory_space<vmem>>, vector<1x16xf32>,
      %mul3A_296 = arith.mulf %sub3A_289, %sub3A_289 : vector<16xf32>
      %add3A_297 = arith.addf %add3A_280, %mul3A_296 : vector<16xf32>
      %get3A_298 = arith.index_cast %scan3A_60 : i32 to index
      %get3A_299 = arith.constant 224 : index
      %get3A_300 = tpu.vector_load %arg8[%get3A_298, %get3A_299] {strides = array<i32>} : memref<128x256xf32, #tpu.memory_space<vmem>>, vector<1x16xf32>,
      %get3A_301 = vector.shape_cast %get3A_300 : vector<1x16xf32> to vector<16xf32>
      %get3A_302 = arith.index_cast %scan3A_60 : i32 to index
      %get3A_303 = arith.constant 224 : index
      %get3A_304 = tpu.vector_load %arg9[%get3A_302, %get3A_303] {strides = array<i32>} : memref<128x256xf32, #tpu.memory_space<vmem>>, vector<1x16xf32>,
      %get3A_305 = vector.shape_cast %get3A_304 : vector<1x16xf32> to vector<16xf32>
      %sub3A_306 = arith.subf %get3A_301, %get3A_305 : vector<16xf32>
      %add3A_307 = arith.addf %get3A_305, %sub3A_306 : vector<16xf32>
      %swap3A_308 = arith.index_cast %scan3A_60 : i32 to index
      %swap3A_309 = arith.constant 224 : index
      %swap3A_310 = tpu.vector_load %arg8[%swap3A_308, %swap3A_309] {strides = array<i32>} : memref<128x256xf32, #tpu.memory_space<vmem>>, vector<1x16xf32>,
      %swap3A_311 = vector.shape_cast %swap3A_310 : vector<1x16xf32> to vector<16xf32>
      %swap3A_312 = vector.shape_cast %add3A_307 : vector<16xf32> to vector<1x16xf32>
      tpu.vector_store %arg8[%swap3A_308, %swap3A_309], %swap3A_312 {strides = array<i32>} : memref<128x256xf32, #tpu.memory_space<vmem>>, vector<1x16xf32>,
      %mul3A_313 = arith.mulf %sub3A_306, %sub3A_306 : vector<16xf32>
      %add3A_314 = arith.addf %add3A_297, %mul3A_313 : vector<16xf32>
      %get3A_315 = arith.index_cast %scan3A_60 : i32 to index
      %get3A_316 = arith.constant 240 : index
      %get3A_317 = tpu.vector_load %arg8[%get3A_315, %get3A_316] {strides = array<i32>} : memref<128x256xf32, #tpu.memory_space<vmem>>, vector<1x16xf32>,
      %get3A_318 = vector.shape_cast %get3A_317 : vector<1x16xf32> to vector<16xf32>
      %get3A_319 = arith.index_cast %scan3A_60 : i32 to index
      %get3A_320 = arith.constant 240 : index
      %get3A_321 = tpu.vector_load %arg9[%get3A_319, %get3A_320] {strides = array<i32>} : memref<128x256xf32, #tpu.memory_space<vmem>>, vector<1x16xf32>,
      %get3A_322 = vector.shape_cast %get3A_321 : vector<1x16xf32> to vector<16xf32>
      %sub3A_323 = arith.subf %get3A_318, %get3A_322 : vector<16xf32>
      %add3A_324 = arith.addf %get3A_322, %sub3A_323 : vector<16xf32>
      %swap3A_325 = arith.index_cast %scan3A_60 : i32 to index
      %swap3A_326 = arith.constant 240 : index
      %swap3A_327 = tpu.vector_load %arg8[%swap3A_325, %swap3A_326] {strides = array<i32>} : memref<128x256xf32, #tpu.memory_space<vmem>>, vector<1x16xf32>,
      %swap3A_328 = vector.shape_cast %swap3A_327 : vector<1x16xf32> to vector<16xf32>
      %swap3A_329 = vector.shape_cast %add3A_324 : vector<16xf32> to vector<1x16xf32>
      tpu.vector_store %arg8[%swap3A_325, %swap3A_326], %swap3A_329 {strides = array<i32>} : memref<128x256xf32, #tpu.memory_space<vmem>>, vector<1x16xf32>,
      %mul3A_330 = arith.mulf %sub3A_323, %sub3A_323 : vector<16xf32>
      %add3A_331 = arith.addf %add3A_314, %mul3A_330 : vector<16xf32>
      scf.yield %add3A_331 : vector<16xf32>
    }
    %scan3A_28 = arith.constant 128 : i32
    "tpu.region"() ({
      %run_scoped3A = tpu.sem_alloc : memref<!tpu.dma_semaphore, #tpu.memory_space<semaphore_mem>>
      %dma_start3A_60 = arith.constant 0 : i32
      %dma_start3A_61 = tpu.memref_slice %arg5[%add3A_16, %dma_start3A_60] : memref<16384x256xf32, #tpu.memory_space<hbm>> -> memref<128x256xf32, #tpu.memory_space<hbm>>
      %dma_start3A_62 = arith.constant 0 : i32
      %dma_start3A_63 = tpu.memref_slice %arg5[%add3A_16, %dma_start3A_62] : memref<16384x256xf32, #tpu.memory_space<hbm>> -> memref<128x256xf32, #tpu.memory_space<hbm>>
      tpu.enqueue_dma source(%arg8 : memref<128x256xf32, #tpu.memory_space<vmem>>) target(%dma_start3A_63 : memref<128x256xf32, #tpu.memory_space<hbm>>) target_semaphore(%run_scoped3A : memref<!tpu.dma_semaphore, #tpu.memory_space<semaphore_mem>>)
      %dma_wait3A_64 = arith.constant 0 : i32
      %dma_wait3A_65 = tpu.memref_slice %arg5[%add3A_16, %dma_wait3A_64] : memref<16384x256xf32, #tpu.memory_space<hbm>> -> memref<128x256xf32, #tpu.memory_space<hbm>>
      %dma_wait3A_66 = arith.constant 0 : i32
      %dma_wait3A_67 = tpu.memref_slice %arg5[%add3A_16, %dma_wait3A_66] : memref<16384x256xf32, #tpu.memory_space<hbm>> -> memref<128x256xf32, #tpu.memory_space<hbm>>
      tpu.wait_dma2 semaphore(%run_scoped3A : memref<!tpu.dma_semaphore, #tpu.memory_space<semaphore_mem>>) src(%arg8 : memref<128x256xf32, #tpu.memory_space<vmem>>) dst(%dma_wait3A_67 : memref<128x256xf32, #tpu.memory_space<hbm>>)
      tpu.yield
    }) : () -> ()
    %add3A_29 = arith.constant 256 : i32
    %add3A_30 = arith.addi %mul3A_2, %add3A_29 : i32
    "tpu.region"() ({
      %run_scoped3A = tpu.sem_alloc : memref<!tpu.dma_semaphore, #tpu.memory_space<semaphore_mem>>
      %dma_start3A_60 = tpu.memref_slice %arg3[%add3A_30] : memref<16384xi32, #tpu.memory_space<hbm>> -> memref<128xi32, #tpu.memory_space<hbm>>
      %dma_start3A_61 = tpu.memref_slice %arg3[%add3A_30] : memref<16384xi32, #tpu.memory_space<hbm>> -> memref<128xi32, #tpu.memory_space<hbm>>
      tpu.enqueue_dma source(%dma_start3A_61 : memref<128xi32, #tpu.memory_space<hbm>>) target(%arg7 : memref<128xi32, #tpu.memory_space<vmem>>) target_semaphore(%run_scoped3A : memref<!tpu.dma_semaphore, #tpu.memory_space<semaphore_mem>>)
      %dma_wait3A_62 = tpu.memref_slice %arg3[%add3A_30] : memref<16384xi32, #tpu.memory_space<hbm>> -> memref<128xi32, #tpu.memory_space<hbm>>
      %dma_wait3A_63 = tpu.memref_slice %arg3[%add3A_30] : memref<16384xi32, #tpu.memory_space<hbm>> -> memref<128xi32, #tpu.memory_space<hbm>>
      tpu.wait_dma2 semaphore(%run_scoped3A : memref<!tpu.dma_semaphore, #tpu.memory_space<semaphore_mem>>) src(%dma_wait3A_63 : memref<128xi32, #tpu.memory_space<hbm>>) dst(%arg7 : memref<128xi32, #tpu.memory_space<vmem>>)
      tpu.yield
    }) : () -> ()
    %dma_start3A_31 = arith.constant 0 : i32
    %dma_start3A_32 = arith.constant 0 : i32
    %dma_start3A_33 = tpu.memref_slice %arg2[%dma_start3A_31, %dma_start3A_32] : memref<8192x256xf32, #tpu.memory_space<hbm>> -> memref<8192x256xf32, #tpu.memory_space<hbm>>
    tpu.enqueue_indirect_dma source(%dma_start3A_33 : memref<8192x256xf32, #tpu.memory_space<hbm>>) target(%arg8 : memref<128x256xf32, #tpu.memory_space<vmem>>) offsets(%arg7 : memref<128xi32, #tpu.memory_space<vmem>>) semaphore(%arg11 : memref<!tpu.dma_semaphore, #tpu.memory_space<semaphore_mem>>)
    %dma_wait3A_34 = arith.constant 0 : i32
    %dma_wait3A_35 = arith.constant 0 : i32
    %dma_wait3A_36 = tpu.memref_slice %arg2[%dma_wait3A_34, %dma_wait3A_35] : memref<8192x256xf32, #tpu.memory_space<hbm>> -> memref<8192x256xf32, #tpu.memory_space<hbm>>
    tpu.wait_indirect_dma semaphore(%arg11 : memref<!tpu.dma_semaphore, #tpu.memory_space<semaphore_mem>>) src(%dma_wait3A_36 : memref<8192x256xf32, #tpu.memory_space<hbm>>) dst(%arg8 : memref<128x256xf32, #tpu.memory_space<vmem>>)
    "tpu.region"() ({
      %run_scoped3A = tpu.sem_alloc : memref<!tpu.dma_semaphore, #tpu.memory_space<semaphore_mem>>
      %dma_start3A_60 = arith.constant 0 : i32
      %dma_start3A_61 = tpu.memref_slice %arg4[%add3A_30, %dma_start3A_60] : memref<16384x256xf32, #tpu.memory_space<hbm>> -> memref<128x256xf32, #tpu.memory_space<hbm>>
      %dma_start3A_62 = arith.constant 0 : i32
      %dma_start3A_63 = tpu.memref_slice %arg4[%add3A_30, %dma_start3A_62] : memref<16384x256xf32, #tpu.memory_space<hbm>> -> memref<128x256xf32, #tpu.memory_space<hbm>>
      tpu.enqueue_dma source(%dma_start3A_63 : memref<128x256xf32, #tpu.memory_space<hbm>>) target(%arg9 : memref<128x256xf32, #tpu.memory_space<vmem>>) target_semaphore(%run_scoped3A : memref<!tpu.dma_semaphore, #tpu.memory_space<semaphore_mem>>)
      %dma_wait3A_64 = arith.constant 0 : i32
      %dma_wait3A_65 = tpu.memref_slice %arg4[%add3A_30, %dma_wait3A_64] : memref<16384x256xf32, #tpu.memory_space<hbm>> -> memref<128x256xf32, #tpu.memory_space<hbm>>
      %dma_wait3A_66 = arith.constant 0 : i32
      %dma_wait3A_67 = tpu.memref_slice %arg4[%add3A_30, %dma_wait3A_66] : memref<16384x256xf32, #tpu.memory_space<hbm>> -> memref<128x256xf32, #tpu.memory_space<hbm>>
      tpu.wait_dma2 semaphore(%run_scoped3A : memref<!tpu.dma_semaphore, #tpu.memory_space<semaphore_mem>>) src(%dma_wait3A_67 : memref<128x256xf32, #tpu.memory_space<hbm>>) dst(%arg9 : memref<128x256xf32, #tpu.memory_space<vmem>>)
      tpu.yield
    }) : () -> ()
    %scan3A_37 = arith.constant 0 : i32
    %scan3A_38 = arith.constant 128 : i32
    %scan3A_39 = arith.addi %scan3A_37, %scan3A_38 : i32
    %scan3A_40 = arith.constant 1 : i32
    %scan3A_41 = scf.for %scan3A_60 = %scan3A_37 to %scan3A_39 step %scan3A_40 iter_args(%scan3A_61 = %scan3A_27) -> (vector<16xf32>)  : i32 {
      %get3A = arith.index_cast %scan3A_60 : i32 to index
      %get3A_62 = arith.constant 0 : index
      %get3A_63 = tpu.vector_load %arg8[%get3A, %get3A_62] {strides = array<i32>} : memref<128x256xf32, #tpu.memory_space<vmem>>, vector<1x16xf32>,
      %get3A_64 = vector.shape_cast %get3A_63 : vector<1x16xf32> to vector<16xf32>
      %get3A_65 = arith.index_cast %scan3A_60 : i32 to index
      %get3A_66 = arith.constant 0 : index
      %get3A_67 = tpu.vector_load %arg9[%get3A_65, %get3A_66] {strides = array<i32>} : memref<128x256xf32, #tpu.memory_space<vmem>>, vector<1x16xf32>,
      %get3A_68 = vector.shape_cast %get3A_67 : vector<1x16xf32> to vector<16xf32>
      %sub3A = arith.subf %get3A_64, %get3A_68 : vector<16xf32>
      %add3A_69 = arith.addf %get3A_68, %sub3A : vector<16xf32>
      %swap3A_70 = arith.index_cast %scan3A_60 : i32 to index
      %swap3A_71 = arith.constant 0 : index
      %swap3A_72 = tpu.vector_load %arg8[%swap3A_70, %swap3A_71] {strides = array<i32>} : memref<128x256xf32, #tpu.memory_space<vmem>>, vector<1x16xf32>,
      %swap3A_73 = vector.shape_cast %swap3A_72 : vector<1x16xf32> to vector<16xf32>
      %swap3A_74 = vector.shape_cast %add3A_69 : vector<16xf32> to vector<1x16xf32>
      tpu.vector_store %arg8[%swap3A_70, %swap3A_71], %swap3A_74 {strides = array<i32>} : memref<128x256xf32, #tpu.memory_space<vmem>>, vector<1x16xf32>,
      %mul3A_75 = arith.mulf %sub3A, %sub3A : vector<16xf32>
      %add3A_76 = arith.addf %scan3A_61, %mul3A_75 : vector<16xf32>
      %get3A_77 = arith.index_cast %scan3A_60 : i32 to index
      %get3A_78 = arith.constant 16 : index
      %get3A_79 = tpu.vector_load %arg8[%get3A_77, %get3A_78] {strides = array<i32>} : memref<128x256xf32, #tpu.memory_space<vmem>>, vector<1x16xf32>,
      %get3A_80 = vector.shape_cast %get3A_79 : vector<1x16xf32> to vector<16xf32>
      %get3A_81 = arith.index_cast %scan3A_60 : i32 to index
      %get3A_82 = arith.constant 16 : index
      %get3A_83 = tpu.vector_load %arg9[%get3A_81, %get3A_82] {strides = array<i32>} : memref<128x256xf32, #tpu.memory_space<vmem>>, vector<1x16xf32>,
      %get3A_84 = vector.shape_cast %get3A_83 : vector<1x16xf32> to vector<16xf32>
      %sub3A_85 = arith.subf %get3A_80, %get3A_84 : vector<16xf32>
      %add3A_86 = arith.addf %get3A_84, %sub3A_85 : vector<16xf32>
      %swap3A_87 = arith.index_cast %scan3A_60 : i32 to index
      %swap3A_88 = arith.constant 16 : index
      %swap3A_89 = tpu.vector_load %arg8[%swap3A_87, %swap3A_88] {strides = array<i32>} : memref<128x256xf32, #tpu.memory_space<vmem>>, vector<1x16xf32>,
      %swap3A_90 = vector.shape_cast %swap3A_89 : vector<1x16xf32> to vector<16xf32>
      %swap3A_91 = vector.shape_cast %add3A_86 : vector<16xf32> to vector<1x16xf32>
      tpu.vector_store %arg8[%swap3A_87, %swap3A_88], %swap3A_91 {strides = array<i32>} : memref<128x256xf32, #tpu.memory_space<vmem>>, vector<1x16xf32>,
      %mul3A_92 = arith.mulf %sub3A_85, %sub3A_85 : vector<16xf32>
      %add3A_93 = arith.addf %add3A_76, %mul3A_92 : vector<16xf32>
      %get3A_94 = arith.index_cast %scan3A_60 : i32 to index
      %get3A_95 = arith.constant 32 : index
      %get3A_96 = tpu.vector_load %arg8[%get3A_94, %get3A_95] {strides = array<i32>} : memref<128x256xf32, #tpu.memory_space<vmem>>, vector<1x16xf32>,
      %get3A_97 = vector.shape_cast %get3A_96 : vector<1x16xf32> to vector<16xf32>
      %get3A_98 = arith.index_cast %scan3A_60 : i32 to index
      %get3A_99 = arith.constant 32 : index
      %get3A_100 = tpu.vector_load %arg9[%get3A_98, %get3A_99] {strides = array<i32>} : memref<128x256xf32, #tpu.memory_space<vmem>>, vector<1x16xf32>,
      %get3A_101 = vector.shape_cast %get3A_100 : vector<1x16xf32> to vector<16xf32>
      %sub3A_102 = arith.subf %get3A_97, %get3A_101 : vector<16xf32>
      %add3A_103 = arith.addf %get3A_101, %sub3A_102 : vector<16xf32>
      %swap3A_104 = arith.index_cast %scan3A_60 : i32 to index
      %swap3A_105 = arith.constant 32 : index
      %swap3A_106 = tpu.vector_load %arg8[%swap3A_104, %swap3A_105] {strides = array<i32>} : memref<128x256xf32, #tpu.memory_space<vmem>>, vector<1x16xf32>,
      %swap3A_107 = vector.shape_cast %swap3A_106 : vector<1x16xf32> to vector<16xf32>
      %swap3A_108 = vector.shape_cast %add3A_103 : vector<16xf32> to vector<1x16xf32>
      tpu.vector_store %arg8[%swap3A_104, %swap3A_105], %swap3A_108 {strides = array<i32>} : memref<128x256xf32, #tpu.memory_space<vmem>>, vector<1x16xf32>,
      %mul3A_109 = arith.mulf %sub3A_102, %sub3A_102 : vector<16xf32>
      %add3A_110 = arith.addf %add3A_93, %mul3A_109 : vector<16xf32>
      %get3A_111 = arith.index_cast %scan3A_60 : i32 to index
      %get3A_112 = arith.constant 48 : index
      %get3A_113 = tpu.vector_load %arg8[%get3A_111, %get3A_112] {strides = array<i32>} : memref<128x256xf32, #tpu.memory_space<vmem>>, vector<1x16xf32>,
      %get3A_114 = vector.shape_cast %get3A_113 : vector<1x16xf32> to vector<16xf32>
      %get3A_115 = arith.index_cast %scan3A_60 : i32 to index
      %get3A_116 = arith.constant 48 : index
      %get3A_117 = tpu.vector_load %arg9[%get3A_115, %get3A_116] {strides = array<i32>} : memref<128x256xf32, #tpu.memory_space<vmem>>, vector<1x16xf32>,
      %get3A_118 = vector.shape_cast %get3A_117 : vector<1x16xf32> to vector<16xf32>
      %sub3A_119 = arith.subf %get3A_114, %get3A_118 : vector<16xf32>
      %add3A_120 = arith.addf %get3A_118, %sub3A_119 : vector<16xf32>
      %swap3A_121 = arith.index_cast %scan3A_60 : i32 to index
      %swap3A_122 = arith.constant 48 : index
      %swap3A_123 = tpu.vector_load %arg8[%swap3A_121, %swap3A_122] {strides = array<i32>} : memref<128x256xf32, #tpu.memory_space<vmem>>, vector<1x16xf32>,
      %swap3A_124 = vector.shape_cast %swap3A_123 : vector<1x16xf32> to vector<16xf32>
      %swap3A_125 = vector.shape_cast %add3A_120 : vector<16xf32> to vector<1x16xf32>
      tpu.vector_store %arg8[%swap3A_121, %swap3A_122], %swap3A_125 {strides = array<i32>} : memref<128x256xf32, #tpu.memory_space<vmem>>, vector<1x16xf32>,
      %mul3A_126 = arith.mulf %sub3A_119, %sub3A_119 : vector<16xf32>
      %add3A_127 = arith.addf %add3A_110, %mul3A_126 : vector<16xf32>
      %get3A_128 = arith.index_cast %scan3A_60 : i32 to index
      %get3A_129 = arith.constant 64 : index
      %get3A_130 = tpu.vector_load %arg8[%get3A_128, %get3A_129] {strides = array<i32>} : memref<128x256xf32, #tpu.memory_space<vmem>>, vector<1x16xf32>,
      %get3A_131 = vector.shape_cast %get3A_130 : vector<1x16xf32> to vector<16xf32>
      %get3A_132 = arith.index_cast %scan3A_60 : i32 to index
      %get3A_133 = arith.constant 64 : index
      %get3A_134 = tpu.vector_load %arg9[%get3A_132, %get3A_133] {strides = array<i32>} : memref<128x256xf32, #tpu.memory_space<vmem>>, vector<1x16xf32>,
      %get3A_135 = vector.shape_cast %get3A_134 : vector<1x16xf32> to vector<16xf32>
      %sub3A_136 = arith.subf %get3A_131, %get3A_135 : vector<16xf32>
      %add3A_137 = arith.addf %get3A_135, %sub3A_136 : vector<16xf32>
      %swap3A_138 = arith.index_cast %scan3A_60 : i32 to index
      %swap3A_139 = arith.constant 64 : index
      %swap3A_140 = tpu.vector_load %arg8[%swap3A_138, %swap3A_139] {strides = array<i32>} : memref<128x256xf32, #tpu.memory_space<vmem>>, vector<1x16xf32>,
      %swap3A_141 = vector.shape_cast %swap3A_140 : vector<1x16xf32> to vector<16xf32>
      %swap3A_142 = vector.shape_cast %add3A_137 : vector<16xf32> to vector<1x16xf32>
      tpu.vector_store %arg8[%swap3A_138, %swap3A_139], %swap3A_142 {strides = array<i32>} : memref<128x256xf32, #tpu.memory_space<vmem>>, vector<1x16xf32>,
      %mul3A_143 = arith.mulf %sub3A_136, %sub3A_136 : vector<16xf32>
      %add3A_144 = arith.addf %add3A_127, %mul3A_143 : vector<16xf32>
      %get3A_145 = arith.index_cast %scan3A_60 : i32 to index
      %get3A_146 = arith.constant 80 : index
      %get3A_147 = tpu.vector_load %arg8[%get3A_145, %get3A_146] {strides = array<i32>} : memref<128x256xf32, #tpu.memory_space<vmem>>, vector<1x16xf32>,
      %get3A_148 = vector.shape_cast %get3A_147 : vector<1x16xf32> to vector<16xf32>
      %get3A_149 = arith.index_cast %scan3A_60 : i32 to index
      %get3A_150 = arith.constant 80 : index
      %get3A_151 = tpu.vector_load %arg9[%get3A_149, %get3A_150] {strides = array<i32>} : memref<128x256xf32, #tpu.memory_space<vmem>>, vector<1x16xf32>,
      %get3A_152 = vector.shape_cast %get3A_151 : vector<1x16xf32> to vector<16xf32>
      %sub3A_153 = arith.subf %get3A_148, %get3A_152 : vector<16xf32>
      %add3A_154 = arith.addf %get3A_152, %sub3A_153 : vector<16xf32>
      %swap3A_155 = arith.index_cast %scan3A_60 : i32 to index
      %swap3A_156 = arith.constant 80 : index
      %swap3A_157 = tpu.vector_load %arg8[%swap3A_155, %swap3A_156] {strides = array<i32>} : memref<128x256xf32, #tpu.memory_space<vmem>>, vector<1x16xf32>,
      %swap3A_158 = vector.shape_cast %swap3A_157 : vector<1x16xf32> to vector<16xf32>
      %swap3A_159 = vector.shape_cast %add3A_154 : vector<16xf32> to vector<1x16xf32>
      tpu.vector_store %arg8[%swap3A_155, %swap3A_156], %swap3A_159 {strides = array<i32>} : memref<128x256xf32, #tpu.memory_space<vmem>>, vector<1x16xf32>,
      %mul3A_160 = arith.mulf %sub3A_153, %sub3A_153 : vector<16xf32>
      %add3A_161 = arith.addf %add3A_144, %mul3A_160 : vector<16xf32>
      %get3A_162 = arith.index_cast %scan3A_60 : i32 to index
      %get3A_163 = arith.constant 96 : index
      %get3A_164 = tpu.vector_load %arg8[%get3A_162, %get3A_163] {strides = array<i32>} : memref<128x256xf32, #tpu.memory_space<vmem>>, vector<1x16xf32>,
      %get3A_165 = vector.shape_cast %get3A_164 : vector<1x16xf32> to vector<16xf32>
      %get3A_166 = arith.index_cast %scan3A_60 : i32 to index
      %get3A_167 = arith.constant 96 : index
      %get3A_168 = tpu.vector_load %arg9[%get3A_166, %get3A_167] {strides = array<i32>} : memref<128x256xf32, #tpu.memory_space<vmem>>, vector<1x16xf32>,
      %get3A_169 = vector.shape_cast %get3A_168 : vector<1x16xf32> to vector<16xf32>
      %sub3A_170 = arith.subf %get3A_165, %get3A_169 : vector<16xf32>
      %add3A_171 = arith.addf %get3A_169, %sub3A_170 : vector<16xf32>
      %swap3A_172 = arith.index_cast %scan3A_60 : i32 to index
      %swap3A_173 = arith.constant 96 : index
      %swap3A_174 = tpu.vector_load %arg8[%swap3A_172, %swap3A_173] {strides = array<i32>} : memref<128x256xf32, #tpu.memory_space<vmem>>, vector<1x16xf32>,
      %swap3A_175 = vector.shape_cast %swap3A_174 : vector<1x16xf32> to vector<16xf32>
      %swap3A_176 = vector.shape_cast %add3A_171 : vector<16xf32> to vector<1x16xf32>
      tpu.vector_store %arg8[%swap3A_172, %swap3A_173], %swap3A_176 {strides = array<i32>} : memref<128x256xf32, #tpu.memory_space<vmem>>, vector<1x16xf32>,
      %mul3A_177 = arith.mulf %sub3A_170, %sub3A_170 : vector<16xf32>
      %add3A_178 = arith.addf %add3A_161, %mul3A_177 : vector<16xf32>
      %get3A_179 = arith.index_cast %scan3A_60 : i32 to index
      %get3A_180 = arith.constant 112 : index
      %get3A_181 = tpu.vector_load %arg8[%get3A_179, %get3A_180] {strides = array<i32>} : memref<128x256xf32, #tpu.memory_space<vmem>>, vector<1x16xf32>,
      %get3A_182 = vector.shape_cast %get3A_181 : vector<1x16xf32> to vector<16xf32>
      %get3A_183 = arith.index_cast %scan3A_60 : i32 to index
      %get3A_184 = arith.constant 112 : index
      %get3A_185 = tpu.vector_load %arg9[%get3A_183, %get3A_184] {strides = array<i32>} : memref<128x256xf32, #tpu.memory_space<vmem>>, vector<1x16xf32>,
      %get3A_186 = vector.shape_cast %get3A_185 : vector<1x16xf32> to vector<16xf32>
      %sub3A_187 = arith.subf %get3A_182, %get3A_186 : vector<16xf32>
      %add3A_188 = arith.addf %get3A_186, %sub3A_187 : vector<16xf32>
      %swap3A_189 = arith.index_cast %scan3A_60 : i32 to index
      %swap3A_190 = arith.constant 112 : index
      %swap3A_191 = tpu.vector_load %arg8[%swap3A_189, %swap3A_190] {strides = array<i32>} : memref<128x256xf32, #tpu.memory_space<vmem>>, vector<1x16xf32>,
      %swap3A_192 = vector.shape_cast %swap3A_191 : vector<1x16xf32> to vector<16xf32>
      %swap3A_193 = vector.shape_cast %add3A_188 : vector<16xf32> to vector<1x16xf32>
      tpu.vector_store %arg8[%swap3A_189, %swap3A_190], %swap3A_193 {strides = array<i32>} : memref<128x256xf32, #tpu.memory_space<vmem>>, vector<1x16xf32>,
      %mul3A_194 = arith.mulf %sub3A_187, %sub3A_187 : vector<16xf32>
      %add3A_195 = arith.addf %add3A_178, %mul3A_194 : vector<16xf32>
      %get3A_196 = arith.index_cast %scan3A_60 : i32 to index
      %get3A_197 = arith.constant 128 : index
      %get3A_198 = tpu.vector_load %arg8[%get3A_196, %get3A_197] {strides = array<i32>} : memref<128x256xf32, #tpu.memory_space<vmem>>, vector<1x16xf32>,
      %get3A_199 = vector.shape_cast %get3A_198 : vector<1x16xf32> to vector<16xf32>
      %get3A_200 = arith.index_cast %scan3A_60 : i32 to index
      %get3A_201 = arith.constant 128 : index
      %get3A_202 = tpu.vector_load %arg9[%get3A_200, %get3A_201] {strides = array<i32>} : memref<128x256xf32, #tpu.memory_space<vmem>>, vector<1x16xf32>,
      %get3A_203 = vector.shape_cast %get3A_202 : vector<1x16xf32> to vector<16xf32>
      %sub3A_204 = arith.subf %get3A_199, %get3A_203 : vector<16xf32>
      %add3A_205 = arith.addf %get3A_203, %sub3A_204 : vector<16xf32>
      %swap3A_206 = arith.index_cast %scan3A_60 : i32 to index
      %swap3A_207 = arith.constant 128 : index
      %swap3A_208 = tpu.vector_load %arg8[%swap3A_206, %swap3A_207] {strides = array<i32>} : memref<128x256xf32, #tpu.memory_space<vmem>>, vector<1x16xf32>,
      %swap3A_209 = vector.shape_cast %swap3A_208 : vector<1x16xf32> to vector<16xf32>
      %swap3A_210 = vector.shape_cast %add3A_205 : vector<16xf32> to vector<1x16xf32>
      tpu.vector_store %arg8[%swap3A_206, %swap3A_207], %swap3A_210 {strides = array<i32>} : memref<128x256xf32, #tpu.memory_space<vmem>>, vector<1x16xf32>,
      %mul3A_211 = arith.mulf %sub3A_204, %sub3A_204 : vector<16xf32>
      %add3A_212 = arith.addf %add3A_195, %mul3A_211 : vector<16xf32>
      %get3A_213 = arith.index_cast %scan3A_60 : i32 to index
      %get3A_214 = arith.constant 144 : index
      %get3A_215 = tpu.vector_load %arg8[%get3A_213, %get3A_214] {strides = array<i32>} : memref<128x256xf32, #tpu.memory_space<vmem>>, vector<1x16xf32>,
      %get3A_216 = vector.shape_cast %get3A_215 : vector<1x16xf32> to vector<16xf32>
      %get3A_217 = arith.index_cast %scan3A_60 : i32 to index
      %get3A_218 = arith.constant 144 : index
      %get3A_219 = tpu.vector_load %arg9[%get3A_217, %get3A_218] {strides = array<i32>} : memref<128x256xf32, #tpu.memory_space<vmem>>, vector<1x16xf32>,
      %get3A_220 = vector.shape_cast %get3A_219 : vector<1x16xf32> to vector<16xf32>
      %sub3A_221 = arith.subf %get3A_216, %get3A_220 : vector<16xf32>
      %add3A_222 = arith.addf %get3A_220, %sub3A_221 : vector<16xf32>
      %swap3A_223 = arith.index_cast %scan3A_60 : i32 to index
      %swap3A_224 = arith.constant 144 : index
      %swap3A_225 = tpu.vector_load %arg8[%swap3A_223, %swap3A_224] {strides = array<i32>} : memref<128x256xf32, #tpu.memory_space<vmem>>, vector<1x16xf32>,
      %swap3A_226 = vector.shape_cast %swap3A_225 : vector<1x16xf32> to vector<16xf32>
      %swap3A_227 = vector.shape_cast %add3A_222 : vector<16xf32> to vector<1x16xf32>
      tpu.vector_store %arg8[%swap3A_223, %swap3A_224], %swap3A_227 {strides = array<i32>} : memref<128x256xf32, #tpu.memory_space<vmem>>, vector<1x16xf32>,
      %mul3A_228 = arith.mulf %sub3A_221, %sub3A_221 : vector<16xf32>
      %add3A_229 = arith.addf %add3A_212, %mul3A_228 : vector<16xf32>
      %get3A_230 = arith.index_cast %scan3A_60 : i32 to index
      %get3A_231 = arith.constant 160 : index
      %get3A_232 = tpu.vector_load %arg8[%get3A_230, %get3A_231] {strides = array<i32>} : memref<128x256xf32, #tpu.memory_space<vmem>>, vector<1x16xf32>,
      %get3A_233 = vector.shape_cast %get3A_232 : vector<1x16xf32> to vector<16xf32>
      %get3A_234 = arith.index_cast %scan3A_60 : i32 to index
      %get3A_235 = arith.constant 160 : index
      %get3A_236 = tpu.vector_load %arg9[%get3A_234, %get3A_235] {strides = array<i32>} : memref<128x256xf32, #tpu.memory_space<vmem>>, vector<1x16xf32>,
      %get3A_237 = vector.shape_cast %get3A_236 : vector<1x16xf32> to vector<16xf32>
      %sub3A_238 = arith.subf %get3A_233, %get3A_237 : vector<16xf32>
      %add3A_239 = arith.addf %get3A_237, %sub3A_238 : vector<16xf32>
      %swap3A_240 = arith.index_cast %scan3A_60 : i32 to index
      %swap3A_241 = arith.constant 160 : index
      %swap3A_242 = tpu.vector_load %arg8[%swap3A_240, %swap3A_241] {strides = array<i32>} : memref<128x256xf32, #tpu.memory_space<vmem>>, vector<1x16xf32>,
      %swap3A_243 = vector.shape_cast %swap3A_242 : vector<1x16xf32> to vector<16xf32>
      %swap3A_244 = vector.shape_cast %add3A_239 : vector<16xf32> to vector<1x16xf32>
      tpu.vector_store %arg8[%swap3A_240, %swap3A_241], %swap3A_244 {strides = array<i32>} : memref<128x256xf32, #tpu.memory_space<vmem>>, vector<1x16xf32>,
      %mul3A_245 = arith.mulf %sub3A_238, %sub3A_238 : vector<16xf32>
      %add3A_246 = arith.addf %add3A_229, %mul3A_245 : vector<16xf32>
      %get3A_247 = arith.index_cast %scan3A_60 : i32 to index
      %get3A_248 = arith.constant 176 : index
      %get3A_249 = tpu.vector_load %arg8[%get3A_247, %get3A_248] {strides = array<i32>} : memref<128x256xf32, #tpu.memory_space<vmem>>, vector<1x16xf32>,
      %get3A_250 = vector.shape_cast %get3A_249 : vector<1x16xf32> to vector<16xf32>
      %get3A_251 = arith.index_cast %scan3A_60 : i32 to index
      %get3A_252 = arith.constant 176 : index
      %get3A_253 = tpu.vector_load %arg9[%get3A_251, %get3A_252] {strides = array<i32>} : memref<128x256xf32, #tpu.memory_space<vmem>>, vector<1x16xf32>,
      %get3A_254 = vector.shape_cast %get3A_253 : vector<1x16xf32> to vector<16xf32>
      %sub3A_255 = arith.subf %get3A_250, %get3A_254 : vector<16xf32>
      %add3A_256 = arith.addf %get3A_254, %sub3A_255 : vector<16xf32>
      %swap3A_257 = arith.index_cast %scan3A_60 : i32 to index
      %swap3A_258 = arith.constant 176 : index
      %swap3A_259 = tpu.vector_load %arg8[%swap3A_257, %swap3A_258] {strides = array<i32>} : memref<128x256xf32, #tpu.memory_space<vmem>>, vector<1x16xf32>,
      %swap3A_260 = vector.shape_cast %swap3A_259 : vector<1x16xf32> to vector<16xf32>
      %swap3A_261 = vector.shape_cast %add3A_256 : vector<16xf32> to vector<1x16xf32>
      tpu.vector_store %arg8[%swap3A_257, %swap3A_258], %swap3A_261 {strides = array<i32>} : memref<128x256xf32, #tpu.memory_space<vmem>>, vector<1x16xf32>,
      %mul3A_262 = arith.mulf %sub3A_255, %sub3A_255 : vector<16xf32>
      %add3A_263 = arith.addf %add3A_246, %mul3A_262 : vector<16xf32>
      %get3A_264 = arith.index_cast %scan3A_60 : i32 to index
      %get3A_265 = arith.constant 192 : index
      %get3A_266 = tpu.vector_load %arg8[%get3A_264, %get3A_265] {strides = array<i32>} : memref<128x256xf32, #tpu.memory_space<vmem>>, vector<1x16xf32>,
      %get3A_267 = vector.shape_cast %get3A_266 : vector<1x16xf32> to vector<16xf32>
      %get3A_268 = arith.index_cast %scan3A_60 : i32 to index
      %get3A_269 = arith.constant 192 : index
      %get3A_270 = tpu.vector_load %arg9[%get3A_268, %get3A_269] {strides = array<i32>} : memref<128x256xf32, #tpu.memory_space<vmem>>, vector<1x16xf32>,
      %get3A_271 = vector.shape_cast %get3A_270 : vector<1x16xf32> to vector<16xf32>
      %sub3A_272 = arith.subf %get3A_267, %get3A_271 : vector<16xf32>
      %add3A_273 = arith.addf %get3A_271, %sub3A_272 : vector<16xf32>
      %swap3A_274 = arith.index_cast %scan3A_60 : i32 to index
      %swap3A_275 = arith.constant 192 : index
      %swap3A_276 = tpu.vector_load %arg8[%swap3A_274, %swap3A_275] {strides = array<i32>} : memref<128x256xf32, #tpu.memory_space<vmem>>, vector<1x16xf32>,
      %swap3A_277 = vector.shape_cast %swap3A_276 : vector<1x16xf32> to vector<16xf32>
      %swap3A_278 = vector.shape_cast %add3A_273 : vector<16xf32> to vector<1x16xf32>
      tpu.vector_store %arg8[%swap3A_274, %swap3A_275], %swap3A_278 {strides = array<i32>} : memref<128x256xf32, #tpu.memory_space<vmem>>, vector<1x16xf32>,
      %mul3A_279 = arith.mulf %sub3A_272, %sub3A_272 : vector<16xf32>
      %add3A_280 = arith.addf %add3A_263, %mul3A_279 : vector<16xf32>
      %get3A_281 = arith.index_cast %scan3A_60 : i32 to index
      %get3A_282 = arith.constant 208 : index
      %get3A_283 = tpu.vector_load %arg8[%get3A_281, %get3A_282] {strides = array<i32>} : memref<128x256xf32, #tpu.memory_space<vmem>>, vector<1x16xf32>,
      %get3A_284 = vector.shape_cast %get3A_283 : vector<1x16xf32> to vector<16xf32>
      %get3A_285 = arith.index_cast %scan3A_60 : i32 to index
      %get3A_286 = arith.constant 208 : index
      %get3A_287 = tpu.vector_load %arg9[%get3A_285, %get3A_286] {strides = array<i32>} : memref<128x256xf32, #tpu.memory_space<vmem>>, vector<1x16xf32>,
      %get3A_288 = vector.shape_cast %get3A_287 : vector<1x16xf32> to vector<16xf32>
      %sub3A_289 = arith.subf %get3A_284, %get3A_288 : vector<16xf32>
      %add3A_290 = arith.addf %get3A_288, %sub3A_289 : vector<16xf32>
      %swap3A_291 = arith.index_cast %scan3A_60 : i32 to index
      %swap3A_292 = arith.constant 208 : index
      %swap3A_293 = tpu.vector_load %arg8[%swap3A_291, %swap3A_292] {strides = array<i32>} : memref<128x256xf32, #tpu.memory_space<vmem>>, vector<1x16xf32>,
      %swap3A_294 = vector.shape_cast %swap3A_293 : vector<1x16xf32> to vector<16xf32>
      %swap3A_295 = vector.shape_cast %add3A_290 : vector<16xf32> to vector<1x16xf32>
      tpu.vector_store %arg8[%swap3A_291, %swap3A_292], %swap3A_295 {strides = array<i32>} : memref<128x256xf32, #tpu.memory_space<vmem>>, vector<1x16xf32>,
      %mul3A_296 = arith.mulf %sub3A_289, %sub3A_289 : vector<16xf32>
      %add3A_297 = arith.addf %add3A_280, %mul3A_296 : vector<16xf32>
      %get3A_298 = arith.index_cast %scan3A_60 : i32 to index
      %get3A_299 = arith.constant 224 : index
      %get3A_300 = tpu.vector_load %arg8[%get3A_298, %get3A_299] {strides = array<i32>} : memref<128x256xf32, #tpu.memory_space<vmem>>, vector<1x16xf32>,
      %get3A_301 = vector.shape_cast %get3A_300 : vector<1x16xf32> to vector<16xf32>
      %get3A_302 = arith.index_cast %scan3A_60 : i32 to index
      %get3A_303 = arith.constant 224 : index
      %get3A_304 = tpu.vector_load %arg9[%get3A_302, %get3A_303] {strides = array<i32>} : memref<128x256xf32, #tpu.memory_space<vmem>>, vector<1x16xf32>,
      %get3A_305 = vector.shape_cast %get3A_304 : vector<1x16xf32> to vector<16xf32>
      %sub3A_306 = arith.subf %get3A_301, %get3A_305 : vector<16xf32>
      %add3A_307 = arith.addf %get3A_305, %sub3A_306 : vector<16xf32>
      %swap3A_308 = arith.index_cast %scan3A_60 : i32 to index
      %swap3A_309 = arith.constant 224 : index
      %swap3A_310 = tpu.vector_load %arg8[%swap3A_308, %swap3A_309] {strides = array<i32>} : memref<128x256xf32, #tpu.memory_space<vmem>>, vector<1x16xf32>,
      %swap3A_311 = vector.shape_cast %swap3A_310 : vector<1x16xf32> to vector<16xf32>
      %swap3A_312 = vector.shape_cast %add3A_307 : vector<16xf32> to vector<1x16xf32>
      tpu.vector_store %arg8[%swap3A_308, %swap3A_309], %swap3A_312 {strides = array<i32>} : memref<128x256xf32, #tpu.memory_space<vmem>>, vector<1x16xf32>,
      %mul3A_313 = arith.mulf %sub3A_306, %sub3A_306 : vector<16xf32>
      %add3A_314 = arith.addf %add3A_297, %mul3A_313 : vector<16xf32>
      %get3A_315 = arith.index_cast %scan3A_60 : i32 to index
      %get3A_316 = arith.constant 240 : index
      %get3A_317 = tpu.vector_load %arg8[%get3A_315, %get3A_316] {strides = array<i32>} : memref<128x256xf32, #tpu.memory_space<vmem>>, vector<1x16xf32>,
      %get3A_318 = vector.shape_cast %get3A_317 : vector<1x16xf32> to vector<16xf32>
      %get3A_319 = arith.index_cast %scan3A_60 : i32 to index
      %get3A_320 = arith.constant 240 : index
      %get3A_321 = tpu.vector_load %arg9[%get3A_319, %get3A_320] {strides = array<i32>} : memref<128x256xf32, #tpu.memory_space<vmem>>, vector<1x16xf32>,
      %get3A_322 = vector.shape_cast %get3A_321 : vector<1x16xf32> to vector<16xf32>
      %sub3A_323 = arith.subf %get3A_318, %get3A_322 : vector<16xf32>
      %add3A_324 = arith.addf %get3A_322, %sub3A_323 : vector<16xf32>
      %swap3A_325 = arith.index_cast %scan3A_60 : i32 to index
      %swap3A_326 = arith.constant 240 : index
      %swap3A_327 = tpu.vector_load %arg8[%swap3A_325, %swap3A_326] {strides = array<i32>} : memref<128x256xf32, #tpu.memory_space<vmem>>, vector<1x16xf32>,
      %swap3A_328 = vector.shape_cast %swap3A_327 : vector<1x16xf32> to vector<16xf32>
      %swap3A_329 = vector.shape_cast %add3A_324 : vector<16xf32> to vector<1x16xf32>
      tpu.vector_store %arg8[%swap3A_325, %swap3A_326], %swap3A_329 {strides = array<i32>} : memref<128x256xf32, #tpu.memory_space<vmem>>, vector<1x16xf32>,
      %mul3A_330 = arith.mulf %sub3A_323, %sub3A_323 : vector<16xf32>
      %add3A_331 = arith.addf %add3A_314, %mul3A_330 : vector<16xf32>
      scf.yield %add3A_331 : vector<16xf32>
    }
    %scan3A_42 = arith.constant 128 : i32
    "tpu.region"() ({
      %run_scoped3A = tpu.sem_alloc : memref<!tpu.dma_semaphore, #tpu.memory_space<semaphore_mem>>
      %dma_start3A_60 = arith.constant 0 : i32
      %dma_start3A_61 = tpu.memref_slice %arg5[%add3A_30, %dma_start3A_60] : memref<16384x256xf32, #tpu.memory_space<hbm>> -> memref<128x256xf32, #tpu.memory_space<hbm>>
      %dma_start3A_62 = arith.constant 0 : i32
      %dma_start3A_63 = tpu.memref_slice %arg5[%add3A_30, %dma_start3A_62] : memref<16384x256xf32, #tpu.memory_space<hbm>> -> memref<128x256xf32, #tpu.memory_space<hbm>>
      tpu.enqueue_dma source(%arg8 : memref<128x256xf32, #tpu.memory_space<vmem>>) target(%dma_start3A_63 : memref<128x256xf32, #tpu.memory_space<hbm>>) target_semaphore(%run_scoped3A : memref<!tpu.dma_semaphore, #tpu.memory_space<semaphore_mem>>)
      %dma_wait3A_64 = arith.constant 0 : i32
      %dma_wait3A_65 = tpu.memref_slice %arg5[%add3A_30, %dma_wait3A_64] : memref<16384x256xf32, #tpu.memory_space<hbm>> -> memref<128x256xf32, #tpu.memory_space<hbm>>
      %dma_wait3A_66 = arith.constant 0 : i32
      %dma_wait3A_67 = tpu.memref_slice %arg5[%add3A_30, %dma_wait3A_66] : memref<16384x256xf32, #tpu.memory_space<hbm>> -> memref<128x256xf32, #tpu.memory_space<hbm>>
      tpu.wait_dma2 semaphore(%run_scoped3A : memref<!tpu.dma_semaphore, #tpu.memory_space<semaphore_mem>>) src(%arg8 : memref<128x256xf32, #tpu.memory_space<vmem>>) dst(%dma_wait3A_67 : memref<128x256xf32, #tpu.memory_space<hbm>>)
      tpu.yield
    }) : () -> ()
    %add3A_43 = arith.constant 384 : i32
    %add3A_44 = arith.addi %mul3A_2, %add3A_43 : i32
    "tpu.region"() ({
      %run_scoped3A = tpu.sem_alloc : memref<!tpu.dma_semaphore, #tpu.memory_space<semaphore_mem>>
      %dma_start3A_60 = tpu.memref_slice %arg3[%add3A_44] : memref<16384xi32, #tpu.memory_space<hbm>> -> memref<128xi32, #tpu.memory_space<hbm>>
      %dma_start3A_61 = tpu.memref_slice %arg3[%add3A_44] : memref<16384xi32, #tpu.memory_space<hbm>> -> memref<128xi32, #tpu.memory_space<hbm>>
      tpu.enqueue_dma source(%dma_start3A_61 : memref<128xi32, #tpu.memory_space<hbm>>) target(%arg7 : memref<128xi32, #tpu.memory_space<vmem>>) target_semaphore(%run_scoped3A : memref<!tpu.dma_semaphore, #tpu.memory_space<semaphore_mem>>)
      %dma_wait3A_62 = tpu.memref_slice %arg3[%add3A_44] : memref<16384xi32, #tpu.memory_space<hbm>> -> memref<128xi32, #tpu.memory_space<hbm>>
      %dma_wait3A_63 = tpu.memref_slice %arg3[%add3A_44] : memref<16384xi32, #tpu.memory_space<hbm>> -> memref<128xi32, #tpu.memory_space<hbm>>
      tpu.wait_dma2 semaphore(%run_scoped3A : memref<!tpu.dma_semaphore, #tpu.memory_space<semaphore_mem>>) src(%dma_wait3A_63 : memref<128xi32, #tpu.memory_space<hbm>>) dst(%arg7 : memref<128xi32, #tpu.memory_space<vmem>>)
      tpu.yield
    }) : () -> ()
    %dma_start3A_45 = arith.constant 0 : i32
    %dma_start3A_46 = arith.constant 0 : i32
    %dma_start3A_47 = tpu.memref_slice %arg2[%dma_start3A_45, %dma_start3A_46] : memref<8192x256xf32, #tpu.memory_space<hbm>> -> memref<8192x256xf32, #tpu.memory_space<hbm>>
    tpu.enqueue_indirect_dma source(%dma_start3A_47 : memref<8192x256xf32, #tpu.memory_space<hbm>>) target(%arg8 : memref<128x256xf32, #tpu.memory_space<vmem>>) offsets(%arg7 : memref<128xi32, #tpu.memory_space<vmem>>) semaphore(%arg11 : memref<!tpu.dma_semaphore, #tpu.memory_space<semaphore_mem>>)
    %dma_wait3A_48 = arith.constant 0 : i32
    %dma_wait3A_49 = arith.constant 0 : i32
    %dma_wait3A_50 = tpu.memref_slice %arg2[%dma_wait3A_48, %dma_wait3A_49] : memref<8192x256xf32, #tpu.memory_space<hbm>> -> memref<8192x256xf32, #tpu.memory_space<hbm>>
    tpu.wait_indirect_dma semaphore(%arg11 : memref<!tpu.dma_semaphore, #tpu.memory_space<semaphore_mem>>) src(%dma_wait3A_50 : memref<8192x256xf32, #tpu.memory_space<hbm>>) dst(%arg8 : memref<128x256xf32, #tpu.memory_space<vmem>>)
    "tpu.region"() ({
      %run_scoped3A = tpu.sem_alloc : memref<!tpu.dma_semaphore, #tpu.memory_space<semaphore_mem>>
      %dma_start3A_60 = arith.constant 0 : i32
      %dma_start3A_61 = tpu.memref_slice %arg4[%add3A_44, %dma_start3A_60] : memref<16384x256xf32, #tpu.memory_space<hbm>> -> memref<128x256xf32, #tpu.memory_space<hbm>>
      %dma_start3A_62 = arith.constant 0 : i32
      %dma_start3A_63 = tpu.memref_slice %arg4[%add3A_44, %dma_start3A_62] : memref<16384x256xf32, #tpu.memory_space<hbm>> -> memref<128x256xf32, #tpu.memory_space<hbm>>
      tpu.enqueue_dma source(%dma_start3A_63 : memref<128x256xf32, #tpu.memory_space<hbm>>) target(%arg9 : memref<128x256xf32, #tpu.memory_space<vmem>>) target_semaphore(%run_scoped3A : memref<!tpu.dma_semaphore, #tpu.memory_space<semaphore_mem>>)
      %dma_wait3A_64 = arith.constant 0 : i32
      %dma_wait3A_65 = tpu.memref_slice %arg4[%add3A_44, %dma_wait3A_64] : memref<16384x256xf32, #tpu.memory_space<hbm>> -> memref<128x256xf32, #tpu.memory_space<hbm>>
      %dma_wait3A_66 = arith.constant 0 : i32
      %dma_wait3A_67 = tpu.memref_slice %arg4[%add3A_44, %dma_wait3A_66] : memref<16384x256xf32, #tpu.memory_space<hbm>> -> memref<128x256xf32, #tpu.memory_space<hbm>>
      tpu.wait_dma2 semaphore(%run_scoped3A : memref<!tpu.dma_semaphore, #tpu.memory_space<semaphore_mem>>) src(%dma_wait3A_67 : memref<128x256xf32, #tpu.memory_space<hbm>>) dst(%arg9 : memref<128x256xf32, #tpu.memory_space<vmem>>)
      tpu.yield
    }) : () -> ()
    %scan3A_51 = arith.constant 0 : i32
    %scan3A_52 = arith.constant 128 : i32
    %scan3A_53 = arith.addi %scan3A_51, %scan3A_52 : i32
    %scan3A_54 = arith.constant 1 : i32
    %scan3A_55 = scf.for %scan3A_60 = %scan3A_51 to %scan3A_53 step %scan3A_54 iter_args(%scan3A_61 = %scan3A_41) -> (vector<16xf32>)  : i32 {
      %get3A = arith.index_cast %scan3A_60 : i32 to index
      %get3A_62 = arith.constant 0 : index
      %get3A_63 = tpu.vector_load %arg8[%get3A, %get3A_62] {strides = array<i32>} : memref<128x256xf32, #tpu.memory_space<vmem>>, vector<1x16xf32>,
      %get3A_64 = vector.shape_cast %get3A_63 : vector<1x16xf32> to vector<16xf32>
      %get3A_65 = arith.index_cast %scan3A_60 : i32 to index
      %get3A_66 = arith.constant 0 : index
      %get3A_67 = tpu.vector_load %arg9[%get3A_65, %get3A_66] {strides = array<i32>} : memref<128x256xf32, #tpu.memory_space<vmem>>, vector<1x16xf32>,
      %get3A_68 = vector.shape_cast %get3A_67 : vector<1x16xf32> to vector<16xf32>
      %sub3A = arith.subf %get3A_64, %get3A_68 : vector<16xf32>
      %add3A_69 = arith.addf %get3A_68, %sub3A : vector<16xf32>
      %swap3A_70 = arith.index_cast %scan3A_60 : i32 to index
      %swap3A_71 = arith.constant 0 : index
      %swap3A_72 = tpu.vector_load %arg8[%swap3A_70, %swap3A_71] {strides = array<i32>} : memref<128x256xf32, #tpu.memory_space<vmem>>, vector<1x16xf32>,
      %swap3A_73 = vector.shape_cast %swap3A_72 : vector<1x16xf32> to vector<16xf32>
      %swap3A_74 = vector.shape_cast %add3A_69 : vector<16xf32> to vector<1x16xf32>
      tpu.vector_store %arg8[%swap3A_70, %swap3A_71], %swap3A_74 {strides = array<i32>} : memref<128x256xf32, #tpu.memory_space<vmem>>, vector<1x16xf32>,
      %mul3A_75 = arith.mulf %sub3A, %sub3A : vector<16xf32>
      %add3A_76 = arith.addf %scan3A_61, %mul3A_75 : vector<16xf32>
      %get3A_77 = arith.index_cast %scan3A_60 : i32 to index
      %get3A_78 = arith.constant 16 : index
      %get3A_79 = tpu.vector_load %arg8[%get3A_77, %get3A_78] {strides = array<i32>} : memref<128x256xf32, #tpu.memory_space<vmem>>, vector<1x16xf32>,
      %get3A_80 = vector.shape_cast %get3A_79 : vector<1x16xf32> to vector<16xf32>
      %get3A_81 = arith.index_cast %scan3A_60 : i32 to index
      %get3A_82 = arith.constant 16 : index
      %get3A_83 = tpu.vector_load %arg9[%get3A_81, %get3A_82] {strides = array<i32>} : memref<128x256xf32, #tpu.memory_space<vmem>>, vector<1x16xf32>,
      %get3A_84 = vector.shape_cast %get3A_83 : vector<1x16xf32> to vector<16xf32>
      %sub3A_85 = arith.subf %get3A_80, %get3A_84 : vector<16xf32>
      %add3A_86 = arith.addf %get3A_84, %sub3A_85 : vector<16xf32>
      %swap3A_87 = arith.index_cast %scan3A_60 : i32 to index
      %swap3A_88 = arith.constant 16 : index
      %swap3A_89 = tpu.vector_load %arg8[%swap3A_87, %swap3A_88] {strides = array<i32>} : memref<128x256xf32, #tpu.memory_space<vmem>>, vector<1x16xf32>,
      %swap3A_90 = vector.shape_cast %swap3A_89 : vector<1x16xf32> to vector<16xf32>
      %swap3A_91 = vector.shape_cast %add3A_86 : vector<16xf32> to vector<1x16xf32>
      tpu.vector_store %arg8[%swap3A_87, %swap3A_88], %swap3A_91 {strides = array<i32>} : memref<128x256xf32, #tpu.memory_space<vmem>>, vector<1x16xf32>,
      %mul3A_92 = arith.mulf %sub3A_85, %sub3A_85 : vector<16xf32>
      %add3A_93 = arith.addf %add3A_76, %mul3A_92 : vector<16xf32>
      %get3A_94 = arith.index_cast %scan3A_60 : i32 to index
      %get3A_95 = arith.constant 32 : index
      %get3A_96 = tpu.vector_load %arg8[%get3A_94, %get3A_95] {strides = array<i32>} : memref<128x256xf32, #tpu.memory_space<vmem>>, vector<1x16xf32>,
      %get3A_97 = vector.shape_cast %get3A_96 : vector<1x16xf32> to vector<16xf32>
      %get3A_98 = arith.index_cast %scan3A_60 : i32 to index
      %get3A_99 = arith.constant 32 : index
      %get3A_100 = tpu.vector_load %arg9[%get3A_98, %get3A_99] {strides = array<i32>} : memref<128x256xf32, #tpu.memory_space<vmem>>, vector<1x16xf32>,
      %get3A_101 = vector.shape_cast %get3A_100 : vector<1x16xf32> to vector<16xf32>
      %sub3A_102 = arith.subf %get3A_97, %get3A_101 : vector<16xf32>
      %add3A_103 = arith.addf %get3A_101, %sub3A_102 : vector<16xf32>
      %swap3A_104 = arith.index_cast %scan3A_60 : i32 to index
      %swap3A_105 = arith.constant 32 : index
      %swap3A_106 = tpu.vector_load %arg8[%swap3A_104, %swap3A_105] {strides = array<i32>} : memref<128x256xf32, #tpu.memory_space<vmem>>, vector<1x16xf32>,
      %swap3A_107 = vector.shape_cast %swap3A_106 : vector<1x16xf32> to vector<16xf32>
      %swap3A_108 = vector.shape_cast %add3A_103 : vector<16xf32> to vector<1x16xf32>
      tpu.vector_store %arg8[%swap3A_104, %swap3A_105], %swap3A_108 {strides = array<i32>} : memref<128x256xf32, #tpu.memory_space<vmem>>, vector<1x16xf32>,
      %mul3A_109 = arith.mulf %sub3A_102, %sub3A_102 : vector<16xf32>
      %add3A_110 = arith.addf %add3A_93, %mul3A_109 : vector<16xf32>
      %get3A_111 = arith.index_cast %scan3A_60 : i32 to index
      %get3A_112 = arith.constant 48 : index
      %get3A_113 = tpu.vector_load %arg8[%get3A_111, %get3A_112] {strides = array<i32>} : memref<128x256xf32, #tpu.memory_space<vmem>>, vector<1x16xf32>,
      %get3A_114 = vector.shape_cast %get3A_113 : vector<1x16xf32> to vector<16xf32>
      %get3A_115 = arith.index_cast %scan3A_60 : i32 to index
      %get3A_116 = arith.constant 48 : index
      %get3A_117 = tpu.vector_load %arg9[%get3A_115, %get3A_116] {strides = array<i32>} : memref<128x256xf32, #tpu.memory_space<vmem>>, vector<1x16xf32>,
      %get3A_118 = vector.shape_cast %get3A_117 : vector<1x16xf32> to vector<16xf32>
      %sub3A_119 = arith.subf %get3A_114, %get3A_118 : vector<16xf32>
      %add3A_120 = arith.addf %get3A_118, %sub3A_119 : vector<16xf32>
      %swap3A_121 = arith.index_cast %scan3A_60 : i32 to index
      %swap3A_122 = arith.constant 48 : index
      %swap3A_123 = tpu.vector_load %arg8[%swap3A_121, %swap3A_122] {strides = array<i32>} : memref<128x256xf32, #tpu.memory_space<vmem>>, vector<1x16xf32>,
      %swap3A_124 = vector.shape_cast %swap3A_123 : vector<1x16xf32> to vector<16xf32>
      %swap3A_125 = vector.shape_cast %add3A_120 : vector<16xf32> to vector<1x16xf32>
      tpu.vector_store %arg8[%swap3A_121, %swap3A_122], %swap3A_125 {strides = array<i32>} : memref<128x256xf32, #tpu.memory_space<vmem>>, vector<1x16xf32>,
      %mul3A_126 = arith.mulf %sub3A_119, %sub3A_119 : vector<16xf32>
      %add3A_127 = arith.addf %add3A_110, %mul3A_126 : vector<16xf32>
      %get3A_128 = arith.index_cast %scan3A_60 : i32 to index
      %get3A_129 = arith.constant 64 : index
      %get3A_130 = tpu.vector_load %arg8[%get3A_128, %get3A_129] {strides = array<i32>} : memref<128x256xf32, #tpu.memory_space<vmem>>, vector<1x16xf32>,
      %get3A_131 = vector.shape_cast %get3A_130 : vector<1x16xf32> to vector<16xf32>
      %get3A_132 = arith.index_cast %scan3A_60 : i32 to index
      %get3A_133 = arith.constant 64 : index
      %get3A_134 = tpu.vector_load %arg9[%get3A_132, %get3A_133] {strides = array<i32>} : memref<128x256xf32, #tpu.memory_space<vmem>>, vector<1x16xf32>,
      %get3A_135 = vector.shape_cast %get3A_134 : vector<1x16xf32> to vector<16xf32>
      %sub3A_136 = arith.subf %get3A_131, %get3A_135 : vector<16xf32>
      %add3A_137 = arith.addf %get3A_135, %sub3A_136 : vector<16xf32>
      %swap3A_138 = arith.index_cast %scan3A_60 : i32 to index
      %swap3A_139 = arith.constant 64 : index
      %swap3A_140 = tpu.vector_load %arg8[%swap3A_138, %swap3A_139] {strides = array<i32>} : memref<128x256xf32, #tpu.memory_space<vmem>>, vector<1x16xf32>,
      %swap3A_141 = vector.shape_cast %swap3A_140 : vector<1x16xf32> to vector<16xf32>
      %swap3A_142 = vector.shape_cast %add3A_137 : vector<16xf32> to vector<1x16xf32>
      tpu.vector_store %arg8[%swap3A_138, %swap3A_139], %swap3A_142 {strides = array<i32>} : memref<128x256xf32, #tpu.memory_space<vmem>>, vector<1x16xf32>,
      %mul3A_143 = arith.mulf %sub3A_136, %sub3A_136 : vector<16xf32>
      %add3A_144 = arith.addf %add3A_127, %mul3A_143 : vector<16xf32>
      %get3A_145 = arith.index_cast %scan3A_60 : i32 to index
      %get3A_146 = arith.constant 80 : index
      %get3A_147 = tpu.vector_load %arg8[%get3A_145, %get3A_146] {strides = array<i32>} : memref<128x256xf32, #tpu.memory_space<vmem>>, vector<1x16xf32>,
      %get3A_148 = vector.shape_cast %get3A_147 : vector<1x16xf32> to vector<16xf32>
      %get3A_149 = arith.index_cast %scan3A_60 : i32 to index
      %get3A_150 = arith.constant 80 : index
      %get3A_151 = tpu.vector_load %arg9[%get3A_149, %get3A_150] {strides = array<i32>} : memref<128x256xf32, #tpu.memory_space<vmem>>, vector<1x16xf32>,
      %get3A_152 = vector.shape_cast %get3A_151 : vector<1x16xf32> to vector<16xf32>
      %sub3A_153 = arith.subf %get3A_148, %get3A_152 : vector<16xf32>
      %add3A_154 = arith.addf %get3A_152, %sub3A_153 : vector<16xf32>
      %swap3A_155 = arith.index_cast %scan3A_60 : i32 to index
      %swap3A_156 = arith.constant 80 : index
      %swap3A_157 = tpu.vector_load %arg8[%swap3A_155, %swap3A_156] {strides = array<i32>} : memref<128x256xf32, #tpu.memory_space<vmem>>, vector<1x16xf32>,
      %swap3A_158 = vector.shape_cast %swap3A_157 : vector<1x16xf32> to vector<16xf32>
      %swap3A_159 = vector.shape_cast %add3A_154 : vector<16xf32> to vector<1x16xf32>
      tpu.vector_store %arg8[%swap3A_155, %swap3A_156], %swap3A_159 {strides = array<i32>} : memref<128x256xf32, #tpu.memory_space<vmem>>, vector<1x16xf32>,
      %mul3A_160 = arith.mulf %sub3A_153, %sub3A_153 : vector<16xf32>
      %add3A_161 = arith.addf %add3A_144, %mul3A_160 : vector<16xf32>
      %get3A_162 = arith.index_cast %scan3A_60 : i32 to index
      %get3A_163 = arith.constant 96 : index
      %get3A_164 = tpu.vector_load %arg8[%get3A_162, %get3A_163] {strides = array<i32>} : memref<128x256xf32, #tpu.memory_space<vmem>>, vector<1x16xf32>,
      %get3A_165 = vector.shape_cast %get3A_164 : vector<1x16xf32> to vector<16xf32>
      %get3A_166 = arith.index_cast %scan3A_60 : i32 to index
      %get3A_167 = arith.constant 96 : index
      %get3A_168 = tpu.vector_load %arg9[%get3A_166, %get3A_167] {strides = array<i32>} : memref<128x256xf32, #tpu.memory_space<vmem>>, vector<1x16xf32>,
      %get3A_169 = vector.shape_cast %get3A_168 : vector<1x16xf32> to vector<16xf32>
      %sub3A_170 = arith.subf %get3A_165, %get3A_169 : vector<16xf32>
      %add3A_171 = arith.addf %get3A_169, %sub3A_170 : vector<16xf32>
      %swap3A_172 = arith.index_cast %scan3A_60 : i32 to index
      %swap3A_173 = arith.constant 96 : index
      %swap3A_174 = tpu.vector_load %arg8[%swap3A_172, %swap3A_173] {strides = array<i32>} : memref<128x256xf32, #tpu.memory_space<vmem>>, vector<1x16xf32>,
      %swap3A_175 = vector.shape_cast %swap3A_174 : vector<1x16xf32> to vector<16xf32>
      %swap3A_176 = vector.shape_cast %add3A_171 : vector<16xf32> to vector<1x16xf32>
      tpu.vector_store %arg8[%swap3A_172, %swap3A_173], %swap3A_176 {strides = array<i32>} : memref<128x256xf32, #tpu.memory_space<vmem>>, vector<1x16xf32>,
      %mul3A_177 = arith.mulf %sub3A_170, %sub3A_170 : vector<16xf32>
      %add3A_178 = arith.addf %add3A_161, %mul3A_177 : vector<16xf32>
      %get3A_179 = arith.index_cast %scan3A_60 : i32 to index
      %get3A_180 = arith.constant 112 : index
      %get3A_181 = tpu.vector_load %arg8[%get3A_179, %get3A_180] {strides = array<i32>} : memref<128x256xf32, #tpu.memory_space<vmem>>, vector<1x16xf32>,
      %get3A_182 = vector.shape_cast %get3A_181 : vector<1x16xf32> to vector<16xf32>
      %get3A_183 = arith.index_cast %scan3A_60 : i32 to index
      %get3A_184 = arith.constant 112 : index
      %get3A_185 = tpu.vector_load %arg9[%get3A_183, %get3A_184] {strides = array<i32>} : memref<128x256xf32, #tpu.memory_space<vmem>>, vector<1x16xf32>,
      %get3A_186 = vector.shape_cast %get3A_185 : vector<1x16xf32> to vector<16xf32>
      %sub3A_187 = arith.subf %get3A_182, %get3A_186 : vector<16xf32>
      %add3A_188 = arith.addf %get3A_186, %sub3A_187 : vector<16xf32>
      %swap3A_189 = arith.index_cast %scan3A_60 : i32 to index
      %swap3A_190 = arith.constant 112 : index
      %swap3A_191 = tpu.vector_load %arg8[%swap3A_189, %swap3A_190] {strides = array<i32>} : memref<128x256xf32, #tpu.memory_space<vmem>>, vector<1x16xf32>,
      %swap3A_192 = vector.shape_cast %swap3A_191 : vector<1x16xf32> to vector<16xf32>
      %swap3A_193 = vector.shape_cast %add3A_188 : vector<16xf32> to vector<1x16xf32>
      tpu.vector_store %arg8[%swap3A_189, %swap3A_190], %swap3A_193 {strides = array<i32>} : memref<128x256xf32, #tpu.memory_space<vmem>>, vector<1x16xf32>,
      %mul3A_194 = arith.mulf %sub3A_187, %sub3A_187 : vector<16xf32>
      %add3A_195 = arith.addf %add3A_178, %mul3A_194 : vector<16xf32>
      %get3A_196 = arith.index_cast %scan3A_60 : i32 to index
      %get3A_197 = arith.constant 128 : index
      %get3A_198 = tpu.vector_load %arg8[%get3A_196, %get3A_197] {strides = array<i32>} : memref<128x256xf32, #tpu.memory_space<vmem>>, vector<1x16xf32>,
      %get3A_199 = vector.shape_cast %get3A_198 : vector<1x16xf32> to vector<16xf32>
      %get3A_200 = arith.index_cast %scan3A_60 : i32 to index
      %get3A_201 = arith.constant 128 : index
      %get3A_202 = tpu.vector_load %arg9[%get3A_200, %get3A_201] {strides = array<i32>} : memref<128x256xf32, #tpu.memory_space<vmem>>, vector<1x16xf32>,
      %get3A_203 = vector.shape_cast %get3A_202 : vector<1x16xf32> to vector<16xf32>
      %sub3A_204 = arith.subf %get3A_199, %get3A_203 : vector<16xf32>
      %add3A_205 = arith.addf %get3A_203, %sub3A_204 : vector<16xf32>
      %swap3A_206 = arith.index_cast %scan3A_60 : i32 to index
      %swap3A_207 = arith.constant 128 : index
      %swap3A_208 = tpu.vector_load %arg8[%swap3A_206, %swap3A_207] {strides = array<i32>} : memref<128x256xf32, #tpu.memory_space<vmem>>, vector<1x16xf32>,
      %swap3A_209 = vector.shape_cast %swap3A_208 : vector<1x16xf32> to vector<16xf32>
      %swap3A_210 = vector.shape_cast %add3A_205 : vector<16xf32> to vector<1x16xf32>
      tpu.vector_store %arg8[%swap3A_206, %swap3A_207], %swap3A_210 {strides = array<i32>} : memref<128x256xf32, #tpu.memory_space<vmem>>, vector<1x16xf32>,
      %mul3A_211 = arith.mulf %sub3A_204, %sub3A_204 : vector<16xf32>
      %add3A_212 = arith.addf %add3A_195, %mul3A_211 : vector<16xf32>
      %get3A_213 = arith.index_cast %scan3A_60 : i32 to index
      %get3A_214 = arith.constant 144 : index
      %get3A_215 = tpu.vector_load %arg8[%get3A_213, %get3A_214] {strides = array<i32>} : memref<128x256xf32, #tpu.memory_space<vmem>>, vector<1x16xf32>,
      %get3A_216 = vector.shape_cast %get3A_215 : vector<1x16xf32> to vector<16xf32>
      %get3A_217 = arith.index_cast %scan3A_60 : i32 to index
      %get3A_218 = arith.constant 144 : index
      %get3A_219 = tpu.vector_load %arg9[%get3A_217, %get3A_218] {strides = array<i32>} : memref<128x256xf32, #tpu.memory_space<vmem>>, vector<1x16xf32>,
      %get3A_220 = vector.shape_cast %get3A_219 : vector<1x16xf32> to vector<16xf32>
      %sub3A_221 = arith.subf %get3A_216, %get3A_220 : vector<16xf32>
      %add3A_222 = arith.addf %get3A_220, %sub3A_221 : vector<16xf32>
      %swap3A_223 = arith.index_cast %scan3A_60 : i32 to index
      %swap3A_224 = arith.constant 144 : index
      %swap3A_225 = tpu.vector_load %arg8[%swap3A_223, %swap3A_224] {strides = array<i32>} : memref<128x256xf32, #tpu.memory_space<vmem>>, vector<1x16xf32>,
      %swap3A_226 = vector.shape_cast %swap3A_225 : vector<1x16xf32> to vector<16xf32>
      %swap3A_227 = vector.shape_cast %add3A_222 : vector<16xf32> to vector<1x16xf32>
      tpu.vector_store %arg8[%swap3A_223, %swap3A_224], %swap3A_227 {strides = array<i32>} : memref<128x256xf32, #tpu.memory_space<vmem>>, vector<1x16xf32>,
      %mul3A_228 = arith.mulf %sub3A_221, %sub3A_221 : vector<16xf32>
      %add3A_229 = arith.addf %add3A_212, %mul3A_228 : vector<16xf32>
      %get3A_230 = arith.index_cast %scan3A_60 : i32 to index
      %get3A_231 = arith.constant 160 : index
      %get3A_232 = tpu.vector_load %arg8[%get3A_230, %get3A_231] {strides = array<i32>} : memref<128x256xf32, #tpu.memory_space<vmem>>, vector<1x16xf32>,
      %get3A_233 = vector.shape_cast %get3A_232 : vector<1x16xf32> to vector<16xf32>
      %get3A_234 = arith.index_cast %scan3A_60 : i32 to index
      %get3A_235 = arith.constant 160 : index
      %get3A_236 = tpu.vector_load %arg9[%get3A_234, %get3A_235] {strides = array<i32>} : memref<128x256xf32, #tpu.memory_space<vmem>>, vector<1x16xf32>,
      %get3A_237 = vector.shape_cast %get3A_236 : vector<1x16xf32> to vector<16xf32>
      %sub3A_238 = arith.subf %get3A_233, %get3A_237 : vector<16xf32>
      %add3A_239 = arith.addf %get3A_237, %sub3A_238 : vector<16xf32>
      %swap3A_240 = arith.index_cast %scan3A_60 : i32 to index
      %swap3A_241 = arith.constant 160 : index
      %swap3A_242 = tpu.vector_load %arg8[%swap3A_240, %swap3A_241] {strides = array<i32>} : memref<128x256xf32, #tpu.memory_space<vmem>>, vector<1x16xf32>,
      %swap3A_243 = vector.shape_cast %swap3A_242 : vector<1x16xf32> to vector<16xf32>
      %swap3A_244 = vector.shape_cast %add3A_239 : vector<16xf32> to vector<1x16xf32>
      tpu.vector_store %arg8[%swap3A_240, %swap3A_241], %swap3A_244 {strides = array<i32>} : memref<128x256xf32, #tpu.memory_space<vmem>>, vector<1x16xf32>,
      %mul3A_245 = arith.mulf %sub3A_238, %sub3A_238 : vector<16xf32>
      %add3A_246 = arith.addf %add3A_229, %mul3A_245 : vector<16xf32>
      %get3A_247 = arith.index_cast %scan3A_60 : i32 to index
      %get3A_248 = arith.constant 176 : index
      %get3A_249 = tpu.vector_load %arg8[%get3A_247, %get3A_248] {strides = array<i32>} : memref<128x256xf32, #tpu.memory_space<vmem>>, vector<1x16xf32>,
      %get3A_250 = vector.shape_cast %get3A_249 : vector<1x16xf32> to vector<16xf32>
      %get3A_251 = arith.index_cast %scan3A_60 : i32 to index
      %get3A_252 = arith.constant 176 : index
      %get3A_253 = tpu.vector_load %arg9[%get3A_251, %get3A_252] {strides = array<i32>} : memref<128x256xf32, #tpu.memory_space<vmem>>, vector<1x16xf32>,
      %get3A_254 = vector.shape_cast %get3A_253 : vector<1x16xf32> to vector<16xf32>
      %sub3A_255 = arith.subf %get3A_250, %get3A_254 : vector<16xf32>
      %add3A_256 = arith.addf %get3A_254, %sub3A_255 : vector<16xf32>
      %swap3A_257 = arith.index_cast %scan3A_60 : i32 to index
      %swap3A_258 = arith.constant 176 : index
      %swap3A_259 = tpu.vector_load %arg8[%swap3A_257, %swap3A_258] {strides = array<i32>} : memref<128x256xf32, #tpu.memory_space<vmem>>, vector<1x16xf32>,
      %swap3A_260 = vector.shape_cast %swap3A_259 : vector<1x16xf32> to vector<16xf32>
      %swap3A_261 = vector.shape_cast %add3A_256 : vector<16xf32> to vector<1x16xf32>
      tpu.vector_store %arg8[%swap3A_257, %swap3A_258], %swap3A_261 {strides = array<i32>} : memref<128x256xf32, #tpu.memory_space<vmem>>, vector<1x16xf32>,
      %mul3A_262 = arith.mulf %sub3A_255, %sub3A_255 : vector<16xf32>
      %add3A_263 = arith.addf %add3A_246, %mul3A_262 : vector<16xf32>
      %get3A_264 = arith.index_cast %scan3A_60 : i32 to index
      %get3A_265 = arith.constant 192 : index
      %get3A_266 = tpu.vector_load %arg8[%get3A_264, %get3A_265] {strides = array<i32>} : memref<128x256xf32, #tpu.memory_space<vmem>>, vector<1x16xf32>,
      %get3A_267 = vector.shape_cast %get3A_266 : vector<1x16xf32> to vector<16xf32>
      %get3A_268 = arith.index_cast %scan3A_60 : i32 to index
      %get3A_269 = arith.constant 192 : index
      %get3A_270 = tpu.vector_load %arg9[%get3A_268, %get3A_269] {strides = array<i32>} : memref<128x256xf32, #tpu.memory_space<vmem>>, vector<1x16xf32>,
      %get3A_271 = vector.shape_cast %get3A_270 : vector<1x16xf32> to vector<16xf32>
      %sub3A_272 = arith.subf %get3A_267, %get3A_271 : vector<16xf32>
      %add3A_273 = arith.addf %get3A_271, %sub3A_272 : vector<16xf32>
      %swap3A_274 = arith.index_cast %scan3A_60 : i32 to index
      %swap3A_275 = arith.constant 192 : index
      %swap3A_276 = tpu.vector_load %arg8[%swap3A_274, %swap3A_275] {strides = array<i32>} : memref<128x256xf32, #tpu.memory_space<vmem>>, vector<1x16xf32>,
      %swap3A_277 = vector.shape_cast %swap3A_276 : vector<1x16xf32> to vector<16xf32>
      %swap3A_278 = vector.shape_cast %add3A_273 : vector<16xf32> to vector<1x16xf32>
      tpu.vector_store %arg8[%swap3A_274, %swap3A_275], %swap3A_278 {strides = array<i32>} : memref<128x256xf32, #tpu.memory_space<vmem>>, vector<1x16xf32>,
      %mul3A_279 = arith.mulf %sub3A_272, %sub3A_272 : vector<16xf32>
      %add3A_280 = arith.addf %add3A_263, %mul3A_279 : vector<16xf32>
      %get3A_281 = arith.index_cast %scan3A_60 : i32 to index
      %get3A_282 = arith.constant 208 : index
      %get3A_283 = tpu.vector_load %arg8[%get3A_281, %get3A_282] {strides = array<i32>} : memref<128x256xf32, #tpu.memory_space<vmem>>, vector<1x16xf32>,
      %get3A_284 = vector.shape_cast %get3A_283 : vector<1x16xf32> to vector<16xf32>
      %get3A_285 = arith.index_cast %scan3A_60 : i32 to index
      %get3A_286 = arith.constant 208 : index
      %get3A_287 = tpu.vector_load %arg9[%get3A_285, %get3A_286] {strides = array<i32>} : memref<128x256xf32, #tpu.memory_space<vmem>>, vector<1x16xf32>,
      %get3A_288 = vector.shape_cast %get3A_287 : vector<1x16xf32> to vector<16xf32>
      %sub3A_289 = arith.subf %get3A_284, %get3A_288 : vector<16xf32>
      %add3A_290 = arith.addf %get3A_288, %sub3A_289 : vector<16xf32>
      %swap3A_291 = arith.index_cast %scan3A_60 : i32 to index
      %swap3A_292 = arith.constant 208 : index
      %swap3A_293 = tpu.vector_load %arg8[%swap3A_291, %swap3A_292] {strides = array<i32>} : memref<128x256xf32, #tpu.memory_space<vmem>>, vector<1x16xf32>,
      %swap3A_294 = vector.shape_cast %swap3A_293 : vector<1x16xf32> to vector<16xf32>
      %swap3A_295 = vector.shape_cast %add3A_290 : vector<16xf32> to vector<1x16xf32>
      tpu.vector_store %arg8[%swap3A_291, %swap3A_292], %swap3A_295 {strides = array<i32>} : memref<128x256xf32, #tpu.memory_space<vmem>>, vector<1x16xf32>,
      %mul3A_296 = arith.mulf %sub3A_289, %sub3A_289 : vector<16xf32>
      %add3A_297 = arith.addf %add3A_280, %mul3A_296 : vector<16xf32>
      %get3A_298 = arith.index_cast %scan3A_60 : i32 to index
      %get3A_299 = arith.constant 224 : index
      %get3A_300 = tpu.vector_load %arg8[%get3A_298, %get3A_299] {strides = array<i32>} : memref<128x256xf32, #tpu.memory_space<vmem>>, vector<1x16xf32>,
      %get3A_301 = vector.shape_cast %get3A_300 : vector<1x16xf32> to vector<16xf32>
      %get3A_302 = arith.index_cast %scan3A_60 : i32 to index
      %get3A_303 = arith.constant 224 : index
      %get3A_304 = tpu.vector_load %arg9[%get3A_302, %get3A_303] {strides = array<i32>} : memref<128x256xf32, #tpu.memory_space<vmem>>, vector<1x16xf32>,
      %get3A_305 = vector.shape_cast %get3A_304 : vector<1x16xf32> to vector<16xf32>
      %sub3A_306 = arith.subf %get3A_301, %get3A_305 : vector<16xf32>
      %add3A_307 = arith.addf %get3A_305, %sub3A_306 : vector<16xf32>
      %swap3A_308 = arith.index_cast %scan3A_60 : i32 to index
      %swap3A_309 = arith.constant 224 : index
      %swap3A_310 = tpu.vector_load %arg8[%swap3A_308, %swap3A_309] {strides = array<i32>} : memref<128x256xf32, #tpu.memory_space<vmem>>, vector<1x16xf32>,
      %swap3A_311 = vector.shape_cast %swap3A_310 : vector<1x16xf32> to vector<16xf32>
      %swap3A_312 = vector.shape_cast %add3A_307 : vector<16xf32> to vector<1x16xf32>
      tpu.vector_store %arg8[%swap3A_308, %swap3A_309], %swap3A_312 {strides = array<i32>} : memref<128x256xf32, #tpu.memory_space<vmem>>, vector<1x16xf32>,
      %mul3A_313 = arith.mulf %sub3A_306, %sub3A_306 : vector<16xf32>
      %add3A_314 = arith.addf %add3A_297, %mul3A_313 : vector<16xf32>
      %get3A_315 = arith.index_cast %scan3A_60 : i32 to index
      %get3A_316 = arith.constant 240 : index
      %get3A_317 = tpu.vector_load %arg8[%get3A_315, %get3A_316] {strides = array<i32>} : memref<128x256xf32, #tpu.memory_space<vmem>>, vector<1x16xf32>,
      %get3A_318 = vector.shape_cast %get3A_317 : vector<1x16xf32> to vector<16xf32>
      %get3A_319 = arith.index_cast %scan3A_60 : i32 to index
      %get3A_320 = arith.constant 240 : index
      %get3A_321 = tpu.vector_load %arg9[%get3A_319, %get3A_320] {strides = array<i32>} : memref<128x256xf32, #tpu.memory_space<vmem>>, vector<1x16xf32>,
      %get3A_322 = vector.shape_cast %get3A_321 : vector<1x16xf32> to vector<16xf32>
      %sub3A_323 = arith.subf %get3A_318, %get3A_322 : vector<16xf32>
      %add3A_324 = arith.addf %get3A_322, %sub3A_323 : vector<16xf32>
      %swap3A_325 = arith.index_cast %scan3A_60 : i32 to index
      %swap3A_326 = arith.constant 240 : index
      %swap3A_327 = tpu.vector_load %arg8[%swap3A_325, %swap3A_326] {strides = array<i32>} : memref<128x256xf32, #tpu.memory_space<vmem>>, vector<1x16xf32>,
      %swap3A_328 = vector.shape_cast %swap3A_327 : vector<1x16xf32> to vector<16xf32>
      %swap3A_329 = vector.shape_cast %add3A_324 : vector<16xf32> to vector<1x16xf32>
      tpu.vector_store %arg8[%swap3A_325, %swap3A_326], %swap3A_329 {strides = array<i32>} : memref<128x256xf32, #tpu.memory_space<vmem>>, vector<1x16xf32>,
      %mul3A_330 = arith.mulf %sub3A_323, %sub3A_323 : vector<16xf32>
      %add3A_331 = arith.addf %add3A_314, %mul3A_330 : vector<16xf32>
      scf.yield %add3A_331 : vector<16xf32>
    }
    %scan3A_56 = arith.constant 128 : i32
    "tpu.region"() ({
      %run_scoped3A = tpu.sem_alloc : memref<!tpu.dma_semaphore, #tpu.memory_space<semaphore_mem>>
      %dma_start3A_60 = arith.constant 0 : i32
      %dma_start3A_61 = tpu.memref_slice %arg5[%add3A_44, %dma_start3A_60] : memref<16384x256xf32, #tpu.memory_space<hbm>> -> memref<128x256xf32, #tpu.memory_space<hbm>>
      %dma_start3A_62 = arith.constant 0 : i32
      %dma_start3A_63 = tpu.memref_slice %arg5[%add3A_44, %dma_start3A_62] : memref<16384x256xf32, #tpu.memory_space<hbm>> -> memref<128x256xf32, #tpu.memory_space<hbm>>
      tpu.enqueue_dma source(%arg8 : memref<128x256xf32, #tpu.memory_space<vmem>>) target(%dma_start3A_63 : memref<128x256xf32, #tpu.memory_space<hbm>>) target_semaphore(%run_scoped3A : memref<!tpu.dma_semaphore, #tpu.memory_space<semaphore_mem>>)
      %dma_wait3A_64 = arith.constant 0 : i32
      %dma_wait3A_65 = tpu.memref_slice %arg5[%add3A_44, %dma_wait3A_64] : memref<16384x256xf32, #tpu.memory_space<hbm>> -> memref<128x256xf32, #tpu.memory_space<hbm>>
      %dma_wait3A_66 = arith.constant 0 : i32
      %dma_wait3A_67 = tpu.memref_slice %arg5[%add3A_44, %dma_wait3A_66] : memref<16384x256xf32, #tpu.memory_space<hbm>> -> memref<128x256xf32, #tpu.memory_space<hbm>>
      tpu.wait_dma2 semaphore(%run_scoped3A : memref<!tpu.dma_semaphore, #tpu.memory_space<semaphore_mem>>) src(%arg8 : memref<128x256xf32, #tpu.memory_space<vmem>>) dst(%dma_wait3A_67 : memref<128x256xf32, #tpu.memory_space<hbm>>)
      tpu.yield
    }) : () -> ()
    %swap3A = arith.constant 0 : index
    %swap3A_57 = tpu.vector_load %arg10[%swap3A] {strides = array<i32>} : memref<16xf32, #tpu.memory_space<vmem>>, vector<16xf32>,
    %swap3A_58 = vector.shape_cast %swap3A_57 : vector<16xf32> to vector<16xf32>
    %swap3A_59 = vector.shape_cast %scan3A_55 : vector<16xf32> to vector<16xf32>
    tpu.vector_store %arg10[%swap3A], %swap3A_59 {strides = array<i32>} : memref<16xf32, #tpu.memory_space<vmem>>, vector<16xf32>,
    "tpu.region"() ({
      %run_scoped3A = tpu.sem_alloc : memref<!tpu.dma_semaphore, #tpu.memory_space<semaphore_mem>>
      %dma_start3A_60 = arith.constant 0 : i32
      %dma_start3A_61 = tpu.memref_slice %arg6[%add3A, %dma_start3A_60] : memref<32x16xf32, #tpu.memory_space<hbm>> -> memref<1x16xf32, #tpu.memory_space<hbm>>
      %dma_start3A_62 = tpu.memref_squeeze %dma_start3A_61 : memref<1x16xf32, #tpu.memory_space<hbm>> -> memref<16xf32, #tpu.memory_space<hbm>>
      %dma_start3A_63 = arith.constant 0 : i32
      %dma_start3A_64 = tpu.memref_slice %arg6[%add3A, %dma_start3A_63] : memref<32x16xf32, #tpu.memory_space<hbm>> -> memref<1x16xf32, #tpu.memory_space<hbm>>
      %dma_start3A_65 = tpu.memref_squeeze %dma_start3A_64 : memref<1x16xf32, #tpu.memory_space<hbm>> -> memref<16xf32, #tpu.memory_space<hbm>>
      tpu.enqueue_dma source(%arg10 : memref<16xf32, #tpu.memory_space<vmem>>) target(%dma_start3A_65 : memref<16xf32, #tpu.memory_space<hbm>>) target_semaphore(%run_scoped3A : memref<!tpu.dma_semaphore, #tpu.memory_space<semaphore_mem>>)
      %dma_wait3A_66 = arith.constant 0 : i32
      %dma_wait3A_67 = tpu.memref_slice %arg6[%add3A, %dma_wait3A_66] : memref<32x16xf32, #tpu.memory_space<hbm>> -> memref<1x16xf32, #tpu.memory_space<hbm>>
      %dma_wait3A_68 = tpu.memref_squeeze %dma_wait3A_67 : memref<1x16xf32, #tpu.memory_space<hbm>> -> memref<16xf32, #tpu.memory_space<hbm>>
      %dma_wait3A_69 = arith.constant 0 : i32
      %dma_wait3A_70 = tpu.memref_slice %arg6[%add3A, %dma_wait3A_69] : memref<32x16xf32, #tpu.memory_space<hbm>> -> memref<1x16xf32, #tpu.memory_space<hbm>>
      %dma_wait3A_71 = tpu.memref_squeeze %dma_wait3A_70 : memref<1x16xf32, #tpu.memory_space<hbm>> -> memref<16xf32, #tpu.memory_space<hbm>>
      tpu.wait_dma2 semaphore(%run_scoped3A : memref<!tpu.dma_semaphore, #tpu.memory_space<semaphore_mem>>) src(%arg10 : memref<16xf32, #tpu.memory_space<vmem>>) dst(%dma_wait3A_71 : memref<16xf32, #tpu.memory_space<hbm>>)
      tpu.yield
    }) : () -> ()
    return
  }
}

module attributes {stable_mosaic.version = 14 : i64} {
  func.func @_argmin_body(%arg0: i32, %arg1: memref<512x256xf32, #tpu.memory_space<vmem>>, %arg2: memref<256x8192xf32, #tpu.memory_space<vmem>>, %arg3: memref<256x8192xbf16, #tpu.memory_space<vmem>>, %arg4: memref<512x1xf32, #tpu.memory_space<vmem>>, %arg5: memref<1x8192xf32, #tpu.memory_space<vmem>>, %arg6: memref<512x1xi32, #tpu.memory_space<vmem>>, %arg7: memref<8192x256xf32, #tpu.memory_space<vmem>>) attributes {dimension_semantics = [#tpu.dimension_semantics<arbitrary>], iteration_bounds = array<i64: 32>, scalar_prefetch = 0 : i64, scratch_operands = 0 : i64, tpu.core_type = #tpu.core_type<tc>, window_params = [{transform_indices = @transform_0, window_bounds = array<i64: 512, 256>}, {pipeline_mode = #tpu.pipeline_mode<synchronous>, transform_indices = @transform_1, window_bounds = array<i64: 256, 8192>}, {pipeline_mode = #tpu.pipeline_mode<synchronous>, transform_indices = @transform_2, window_bounds = array<i64: 256, 8192>}, {transform_indices = @transform_3, window_bounds = array<i64: 512, 1>}, {pipeline_mode = #tpu.pipeline_mode<synchronous>, transform_indices = @transform_4, window_bounds = array<i64: 1, 8192>}, {transform_indices = @transform_5, window_bounds = array<i64: 512, 1>}, {pipeline_mode = #tpu.pipeline_mode<synchronous>, transform_indices = @transform_6, window_bounds = array<i64: 8192, 256>}]} {
    %eq3A = arith.constant 0 : i32
    %eq3A_0 = arith.cmpi eq, %arg0, %eq3A : i32
    %convert_element_type3A = arith.extui %eq3A_0 : i1 to i32
    %cond3A = arith.constant 0 : i32
    %cond3A_1 = arith.cmpi ne, %convert_element_type3A, %cond3A : i32
    scf.if %cond3A_1 {
      %get3A_105 = arith.constant 0 : index
      %get3A_106 = arith.constant 0 : index
      %get3A_107 = vector.load %arg2[%get3A_105, %get3A_106] : memref<256x8192xf32, #tpu.memory_space<vmem>>, vector<256x8192xf32>
      %transpose3A = tpu.transpose %get3A_107, [1, 0] : vector<256x8192xf32> -> vector<8192x256xf32>
      %swap3A_108 = arith.constant 0 : index
      %swap3A_109 = arith.constant 0 : index
      %swap3A_110 = vector.load %arg7[%swap3A_108, %swap3A_109] : memref<8192x256xf32, #tpu.memory_space<vmem>>, vector<8192x256xf32>
      tpu.vector_store %arg7[%swap3A_108, %swap3A_109], %transpose3A {strides = array<i32>} : memref<8192x256xf32, #tpu.memory_space<vmem>>, vector<8192x256xf32>,
    } else {
    }
    %get3A = arith.constant 0 : index
    %get3A_2 = arith.constant 0 : index
    %get3A_3 = vector.load %arg1[%get3A, %get3A_2] : memref<512x256xf32, #tpu.memory_space<vmem>>, vector<512x256xf32>
    %convert_element_type3A_4 = arith.truncf %get3A_3 : vector<512x256xf32> to vector<512x256xbf16>
    %get3A_5 = arith.constant 0 : index
    %get3A_6 = arith.constant 0 : index
    %get3A_7 = vector.load %arg4[%get3A_5, %get3A_6] : memref<512x1xf32, #tpu.memory_space<vmem>>, vector<512x1xf32>
    %get3A_8 = arith.constant 0 : index
    %get3A_9 = arith.constant 0 : index
    %get3A_10 = vector.load %arg3[%get3A_8, %get3A_9] : memref<256x8192xbf16, #tpu.memory_space<vmem>>, vector<256x2816xbf16>
    %dot_general3A = arith.constant dense<0.000000e+00> : vector<512x2816xf32>
    %dot_general3A_11 = tpu.matmul %convert_element_type3A_4, %get3A_10, %dot_general3A {dimension_numbers = #tpu.dot_dimension_numbers<[1], [0], [0], [1], [0, 0, 1, 1], [], []>, transpose_lhs_hint = false} : vector<512x256xbf16>, vector<256x2816xbf16>, vector<512x2816xf32> -> vector<512x2816xf32>
    %get3A_12 = arith.constant 0 : index
    %get3A_13 = arith.constant 0 : index
    %get3A_14 = vector.load %arg5[%get3A_12, %get3A_13] : memref<1x8192xf32, #tpu.memory_space<vmem>>, vector<1x2816xf32>
    %mul3A = arith.constant 2.000000e+00 : f32
    %mul3A_15 = vector.broadcast %mul3A : f32 to vector<512x2816xf32>
    %mul3A_16 = arith.mulf %mul3A_15, %dot_general3A_11 : vector<512x2816xf32>
    %sub3A = vector.broadcast %get3A_7 : vector<512x1xf32> to vector<512x2816xf32>
    %sub3A_17 = arith.subf %sub3A, %mul3A_16 : vector<512x2816xf32>
    %add3A = vector.broadcast %get3A_14 : vector<1x2816xf32> to vector<512x2816xf32>
    %add3A_18 = arith.addf %sub3A_17, %add3A : vector<512x2816xf32>
    %reduce_min3A = arith.constant dense<0x7F800000> : vector<512xf32>
    %reduce_min3A_19 = vector.multi_reduction <minimumf>, %add3A_18, %reduce_min3A [1] : vector<512x2816xf32> to vector<512xf32>
    %broadcast_in_dim3A = vector.shape_cast %reduce_min3A_19 : vector<512xf32> to vector<512x1xf32>
    %iota3A = tpu.iota {dimensions = array<i32: 1>} : vector<1x2816xi32>
    %eq3A_20 = vector.broadcast %broadcast_in_dim3A : vector<512x1xf32> to vector<512x2816xf32>
    %eq3A_21 = arith.cmpf oeq, %add3A_18, %eq3A_20 : vector<512x2816xf32>
    %jit3A = arith.constant 1073741824 : i32
    %broadcast_in_dim3A_22 = vector.shape_cast %iota3A : vector<1x2816xi32> to vector<1x2816xi32>
    %broadcast_in_dim3A_23 = vector.broadcast %broadcast_in_dim3A_22 : vector<1x2816xi32> to vector<512x2816xi32>
    %broadcast_in_dim3A_24 = vector.broadcast %jit3A : i32 to vector<512x2816xi32>
    %select_n3A = arith.select %eq3A_21, %broadcast_in_dim3A_23, %broadcast_in_dim3A_24 : vector<512x2816xi1>, vector<512x2816xi32>
    %reduce_min3A_25 = arith.constant dense<2147483647> : vector<512xi32>
    %reduce_min3A_26 = vector.multi_reduction <minsi>, %select_n3A, %reduce_min3A_25 [1] : vector<512x2816xi32> to vector<512xi32>
    %broadcast_in_dim3A_27 = vector.shape_cast %reduce_min3A_26 : vector<512xi32> to vector<512x1xi32>
    %add3A_28 = arith.constant 0 : i32
    %add3A_29 = vector.broadcast %add3A_28 : i32 to vector<512x1xi32>
    %add3A_30 = arith.addi %broadcast_in_dim3A_27, %add3A_29 : vector<512x1xi32>
    %convert_element_type3A_31 = arith.truncf %broadcast_in_dim3A : vector<512x1xf32> to vector<512x1xbf16>
    %convert_element_type3A_32 = arith.extf %convert_element_type3A_31 : vector<512x1xbf16> to vector<512x1xf32>
    %get3A_33 = arith.constant 0 : index
    %get3A_34 = arith.constant 2816 : index
    %get3A_35 = vector.load %arg3[%get3A_33, %get3A_34] : memref<256x8192xbf16, #tpu.memory_space<vmem>>, vector<256x2816xbf16>
    %dot_general3A_36 = arith.constant dense<0.000000e+00> : vector<512x2816xf32>
    %dot_general3A_37 = tpu.matmul %convert_element_type3A_4, %get3A_35, %dot_general3A_36 {dimension_numbers = #tpu.dot_dimension_numbers<[1], [0], [0], [1], [0, 0, 1, 1], [], []>, transpose_lhs_hint = false} : vector<512x256xbf16>, vector<256x2816xbf16>, vector<512x2816xf32> -> vector<512x2816xf32>
    %get3A_38 = arith.constant 0 : index
    %get3A_39 = arith.constant 2816 : index
    %get3A_40 = vector.load %arg5[%get3A_38, %get3A_39] : memref<1x8192xf32, #tpu.memory_space<vmem>>, vector<1x2816xf32>
    %mul3A_41 = arith.constant 2.000000e+00 : f32
    %mul3A_42 = vector.broadcast %mul3A_41 : f32 to vector<512x2816xf32>
    %mul3A_43 = arith.mulf %mul3A_42, %dot_general3A_37 : vector<512x2816xf32>
    %sub3A_44 = vector.broadcast %get3A_7 : vector<512x1xf32> to vector<512x2816xf32>
    %sub3A_45 = arith.subf %sub3A_44, %mul3A_43 : vector<512x2816xf32>
    %add3A_46 = vector.broadcast %get3A_40 : vector<1x2816xf32> to vector<512x2816xf32>
    %add3A_47 = arith.addf %sub3A_45, %add3A_46 : vector<512x2816xf32>
    %reduce_min3A_48 = arith.constant dense<0x7F800000> : vector<512xf32>
    %reduce_min3A_49 = vector.multi_reduction <minimumf>, %add3A_47, %reduce_min3A_48 [1] : vector<512x2816xf32> to vector<512xf32>
    %broadcast_in_dim3A_50 = vector.shape_cast %reduce_min3A_49 : vector<512xf32> to vector<512x1xf32>
    %iota3A_51 = tpu.iota {dimensions = array<i32: 1>} : vector<1x2816xi32>
    %eq3A_52 = vector.broadcast %broadcast_in_dim3A_50 : vector<512x1xf32> to vector<512x2816xf32>
    %eq3A_53 = arith.cmpf oeq, %add3A_47, %eq3A_52 : vector<512x2816xf32>
    %jit3A_54 = arith.constant 1073741824 : i32
    %broadcast_in_dim3A_55 = vector.shape_cast %iota3A_51 : vector<1x2816xi32> to vector<1x2816xi32>
    %broadcast_in_dim3A_56 = vector.broadcast %broadcast_in_dim3A_55 : vector<1x2816xi32> to vector<512x2816xi32>
    %broadcast_in_dim3A_57 = vector.broadcast %jit3A_54 : i32 to vector<512x2816xi32>
    %select_n3A_58 = arith.select %eq3A_53, %broadcast_in_dim3A_56, %broadcast_in_dim3A_57 : vector<512x2816xi1>, vector<512x2816xi32>
    %reduce_min3A_59 = arith.constant dense<2147483647> : vector<512xi32>
    %reduce_min3A_60 = vector.multi_reduction <minsi>, %select_n3A_58, %reduce_min3A_59 [1] : vector<512x2816xi32> to vector<512xi32>
    %broadcast_in_dim3A_61 = vector.shape_cast %reduce_min3A_60 : vector<512xi32> to vector<512x1xi32>
    %add3A_62 = arith.constant 2816 : i32
    %add3A_63 = vector.broadcast %add3A_62 : i32 to vector<512x1xi32>
    %add3A_64 = arith.addi %broadcast_in_dim3A_61, %add3A_63 : vector<512x1xi32>
    %convert_element_type3A_65 = arith.truncf %broadcast_in_dim3A_50 : vector<512x1xf32> to vector<512x1xbf16>
    %convert_element_type3A_66 = arith.extf %convert_element_type3A_65 : vector<512x1xbf16> to vector<512x1xf32>
    %lt3A = arith.cmpf olt, %broadcast_in_dim3A_50, %convert_element_type3A_32 : vector<512x1xf32>
    %select_n3A_67 = arith.select %lt3A, %convert_element_type3A_66, %convert_element_type3A_32 : vector<512x1xi1>, vector<512x1xf32>
    %select_n3A_68 = arith.select %lt3A, %add3A_64, %add3A_30 : vector<512x1xi1>, vector<512x1xi32>
    %get3A_69 = arith.constant 0 : index
    %get3A_70 = arith.constant 5632 : index
    %get3A_71 = vector.load %arg3[%get3A_69, %get3A_70] : memref<256x8192xbf16, #tpu.memory_space<vmem>>, vector<256x2560xbf16>
    %dot_general3A_72 = arith.constant dense<0.000000e+00> : vector<512x2560xf32>
    %dot_general3A_73 = tpu.matmul %convert_element_type3A_4, %get3A_71, %dot_general3A_72 {dimension_numbers = #tpu.dot_dimension_numbers<[1], [0], [0], [1], [0, 0, 1, 1], [], []>, transpose_lhs_hint = false} : vector<512x256xbf16>, vector<256x2560xbf16>, vector<512x2560xf32> -> vector<512x2560xf32>
    %get3A_74 = arith.constant 0 : index
    %get3A_75 = arith.constant 5632 : index
    %get3A_76 = vector.load %arg5[%get3A_74, %get3A_75] : memref<1x8192xf32, #tpu.memory_space<vmem>>, vector<1x2560xf32>
    %mul3A_77 = arith.constant 2.000000e+00 : f32
    %mul3A_78 = vector.broadcast %mul3A_77 : f32 to vector<512x2560xf32>
    %mul3A_79 = arith.mulf %mul3A_78, %dot_general3A_73 : vector<512x2560xf32>
    %sub3A_80 = vector.broadcast %get3A_7 : vector<512x1xf32> to vector<512x2560xf32>
    %sub3A_81 = arith.subf %sub3A_80, %mul3A_79 : vector<512x2560xf32>
    %add3A_82 = vector.broadcast %get3A_76 : vector<1x2560xf32> to vector<512x2560xf32>
    %add3A_83 = arith.addf %sub3A_81, %add3A_82 : vector<512x2560xf32>
    %reduce_min3A_84 = arith.constant dense<0x7F800000> : vector<512xf32>
    %reduce_min3A_85 = vector.multi_reduction <minimumf>, %add3A_83, %reduce_min3A_84 [1] : vector<512x2560xf32> to vector<512xf32>
    %broadcast_in_dim3A_86 = vector.shape_cast %reduce_min3A_85 : vector<512xf32> to vector<512x1xf32>
    %iota3A_87 = tpu.iota {dimensions = array<i32: 1>} : vector<1x2560xi32>
    %eq3A_88 = vector.broadcast %broadcast_in_dim3A_86 : vector<512x1xf32> to vector<512x2560xf32>
    %eq3A_89 = arith.cmpf oeq, %add3A_83, %eq3A_88 : vector<512x2560xf32>
    %jit3A_90 = arith.constant 1073741824 : i32
    %broadcast_in_dim3A_91 = vector.shape_cast %iota3A_87 : vector<1x2560xi32> to vector<1x2560xi32>
    %broadcast_in_dim3A_92 = vector.broadcast %broadcast_in_dim3A_91 : vector<1x2560xi32> to vector<512x2560xi32>
    %broadcast_in_dim3A_93 = vector.broadcast %jit3A_90 : i32 to vector<512x2560xi32>
    %select_n3A_94 = arith.select %eq3A_89, %broadcast_in_dim3A_92, %broadcast_in_dim3A_93 : vector<512x2560xi1>, vector<512x2560xi32>
    %reduce_min3A_95 = arith.constant dense<2147483647> : vector<512xi32>
    %reduce_min3A_96 = vector.multi_reduction <minsi>, %select_n3A_94, %reduce_min3A_95 [1] : vector<512x2560xi32> to vector<512xi32>
    %broadcast_in_dim3A_97 = vector.shape_cast %reduce_min3A_96 : vector<512xi32> to vector<512x1xi32>
    %add3A_98 = arith.constant 5632 : i32
    %add3A_99 = vector.broadcast %add3A_98 : i32 to vector<512x1xi32>
    %add3A_100 = arith.addi %broadcast_in_dim3A_97, %add3A_99 : vector<512x1xi32>
    %lt3A_101 = arith.cmpf olt, %broadcast_in_dim3A_86, %select_n3A_67 : vector<512x1xf32>
    %select_n3A_102 = arith.select %lt3A_101, %add3A_100, %select_n3A_68 : vector<512x1xi1>, vector<512x1xi32>
    %swap3A = arith.constant 0 : index
    %swap3A_103 = arith.constant 0 : index
    %swap3A_104 = vector.load %arg6[%swap3A, %swap3A_103] : memref<512x1xi32, #tpu.memory_space<vmem>>, vector<512x1xi32>
    tpu.vector_store %arg6[%swap3A, %swap3A_103], %select_n3A_102 {strides = array<i32>} : memref<512x1xi32, #tpu.memory_space<vmem>>, vector<512x1xi32>,
    return
  }
  func.func @transform_0(%arg0: i32) -> (i32, i32) {
    %c0_i32 = arith.constant 0 : i32
    %c0_i32_0 = arith.constant 0 : i32
    return %arg0, %c0_i32 : i32, i32
  }
  func.func @transform_1(%arg0: i32) -> (i32, i32) {
    %c0_i32 = arith.constant 0 : i32
    %c0_i32_0 = arith.constant 0 : i32
    %c0_i32_1 = arith.constant 0 : i32
    return %c0_i32, %c0_i32_0 : i32, i32
  }
  func.func @transform_2(%arg0: i32) -> (i32, i32) {
    %c0_i32 = arith.constant 0 : i32
    %c0_i32_0 = arith.constant 0 : i32
    %c0_i32_1 = arith.constant 0 : i32
    return %c0_i32, %c0_i32_0 : i32, i32
  }
  func.func @transform_3(%arg0: i32) -> (i32, i32) {
    %c0_i32 = arith.constant 0 : i32
    %c0_i32_0 = arith.constant 0 : i32
    return %arg0, %c0_i32 : i32, i32
  }
  func.func @transform_4(%arg0: i32) -> (i32, i32) {
    %c0_i32 = arith.constant 0 : i32
    %c0_i32_0 = arith.constant 0 : i32
    %c0_i32_1 = arith.constant 0 : i32
    return %c0_i32, %c0_i32_0 : i32, i32
  }
  func.func @transform_5(%arg0: i32) -> (i32, i32) {
    %c0_i32 = arith.constant 0 : i32
    %c0_i32_0 = arith.constant 0 : i32
    return %arg0, %c0_i32 : i32, i32
  }
  func.func @transform_6(%arg0: i32) -> (i32, i32) {
    %c0_i32 = arith.constant 0 : i32
    %c0_i32_0 = arith.constant 0 : i32
    %c0_i32_1 = arith.constant 0 : i32
    return %c0_i32, %c0_i32_0 : i32, i32
  }
}

</mosaic_0001>

<sc_bundles>
// kernel: kernel.4.cloned.1.call-start
scs
__scs_entry_jumppad:
0x0: {  	(pc) =	sbr.rel $0x88, $3  }
0x1: {  	(tag) =	ssettag $0x0;
	lr =	simm.s32 $0x1  }
0x2: {  	[smem:$0x3F9F] =	sst lr;
	_ =	strace $0xD0000000  }
0x3: {  	_ = 	snop  }
0x4: {  	_ = 	snop  }
0x5: {  	_ = 	snop  }
0x6: {  	_ = 	snop  }
0x7: {  	_ = 	snop  }
__scs_overlays_trampoline_lowered:
0x8: {  	[smem:$0x3FAE] =	sst s0  }
0x9: {  	[smem:$0x3FAF] =	sst s1  }
0xa: {  	[smem:$0x3FB0] =	sst s2  }
0xb: {  	[smem:$0x3FB1] =	sst s3  }
0xc: {  	[smem:$0x3FB2] =	sst s4  }
0xd: {  	[smem:$0x3FB3] =	sst s5  }
0xe: {  	[smem:$0x3FB4] =	sst s6  }
0xf: {  	[smem:$0x3FB5] =	sst s7  }
0x10: {  	[smem:$0x3FB6] =	sst s8  }
0x11: {  	[smem:$0x3FB7] =	sst s9;
	s0 =	simm.s32 @!p0 $0x0  }
0x12: {  	s1 =	sld [smem:$0x3F9D];
	s0 =	simm.s32 @p0 $0x1  }
0x13: {  	[smem:$0x3FB8] =	sst s0;
	s0 =	simm.s32 @!p1 $0x0  }
0x14: {  	s2 =	sld [smem:$0x3F9C];
	s0 =	simm.s32 @p1 $0x1  }
0x15: {  	[smem:$0x3FB9] =	sst s0;
	s0 =	simm.s32 @!p2 $0x0  }
0x16: {  	s3 =	sld [smem:$0x3FDB];
	s0 =	simm.s32 @p2 $0x1  }
0x17: {  	s4 =	simm.s32 $0x1BF5;
	[smem:$0x3FBB] =	sst s0  }
0x18: {  	s0 =	sld [smem:$0x3F9E];
	_ =	swait.ge [sflag:s4], $0x0  }
0x19: {  	s7 =	sld [smem:$0x3F9F]  }
0x1a: {  	s8 =	sadd.s32 $0xFFFFE003, lr  }
0x1b: {  	s9 =	sadd.s32 $0xFFFFFEF7, lr;
	s5 =	simm.s32 $0xFFFFFFFF;
	p2 =	slt.u32 s8, $0xFFFFF086  }
0x1c: {  	p1 =	slt.u32 s9, $0xF7A;
	s5 =	simm.s32 @!p2 $0x0  }
0x1d: {  	s5 =	simm.s32 @p1 $0x1;
	p0 =	seq.s32 s7, s2  }
0x1e: {  	s7 =	smul.u32 @!p0 $0xF7A, s2;
	p2 =	seq.s32 @!p0 s5, $0x0  }
0x1f: {  	s9 =	smul.u32 $0xF7A, s1;
	s8 =	simm.s32 @!p0 $0x1BF5;
	p2 =	por !p2, p0  }
0x20: {  	[sflag:s8] =	ssyncset.s32 @!p0 $0xFFFFF086;
	s6 =	sadd.s32 @!p0 s3, s7;
	s7 =	simm.s32 @!p0 $0x108  }
0x21: {  	s3 =	sadd.s32 s3, s9;
	s6 =	sadd.s32 @!p0 $0x88, s6;
	s7 =	simm.s32 @p2 $0x1082  }
0x22: {  	[simem:s7], [sflag:s8] =	dma.local @!p0 [hbm:s6], $0xF7A  }
0x23: {  	s9 =	sor.u32 $0xD0000000, s2;
	s6 =	simm.s32 $0x108;
	_ =	swait.ge @!p0 [sflag:s8], $0x0  }
0x24: {  	s3 =	sadd.s32 $0x88, s3;
	s6 =	simm.s32 @!p1 $0x1082;
	[sflag:s4] =	ssyncset.s32 $0xFFFFF086  }
0x25: {  	[simem:s6], [sflag:s4] =	dma.local [hbm:s3], $0xF7A  }
0x26: {  	[smem:$0x3F9F] =	sst s1;
	(tag) =	ssettag s2;
	_ =	strace s9  }
0x27: {  	s1 =	sld [smem:$0x3FAF]  }
0x28: {  	s2 =	sld [smem:$0x3FB0]  }
0x29: {  	s4 =	sld [smem:$0x3FB2]  }
0x2a: {  	p0 =	seq.s32 s5, $0x0;
	s5 =	sld [smem:$0x3FB3]  }
0x2b: {  	s6 =	sld [smem:$0x3FB4]  }
0x2c: {  	s7 =	sld [smem:$0x3FB5]  }
0x2d: {  	s3 =	simm.s32 $0x108;
	s8 =	sld [smem:$0x3FB6]  }
0x2e: {  	s3 =	simm.s32 @!p0 $0x1082;
	s9 =	sld [smem:$0x3FB7]  }
0x2f: {  	lr =	sadd.s32 s0, s3;
	s0 =	sld [smem:$0x3FAE]  }
0x30: {  	s3 =	sld [smem:$0x3FB1]  }
0x31: {  	[smem:$0x3FBA] =	sst s10  }
0x32: {  	s10 =	sld [smem:$0x3FB8];
	_ =	sdelay $0x3  }
0x33: {  	p0 =	seq.s32 s10, $0x1;
	s10 =	sld [smem:$0x3FBA];
	_ =	sdelay $0x3  }
0x34: {  	[smem:$0x3FBA] =	sst s10  }
0x35: {  	s10 =	sld [smem:$0x3FB9];
	_ =	sdelay $0x3  }
0x36: {  	p1 =	seq.s32 s10, $0x1;
	s10 =	sld [smem:$0x3FBA];
	_ =	sdelay $0x3  }
0x37: {  	[smem:$0x3FBA] =	sst s10  }
0x38: {  	s10 =	sld [smem:$0x3FBB]  }
0x39: {  	_ = 	snop;
	(pc) =	sbr.ind lr, $3  }
0x3a: {  	_ = 	snop  }
0x3b: {  	_ = 	snop  }
0x3c: {  	p2 =	seq.s32 s10, $0x1;
	s10 =	sld [smem:$0x3FBA]  }
0x3d: {  	_ =	shalt  }
0x3e: {  	_ =	shalt  }
0x3f: {  	_ =	shalt  }
0x40: {  	_ =	shalt  }
0x41: {  	_ =	shalt  }
0x42: {  	_ =	shalt  }
0x43: {  	_ =	shalt  }
0x44: {  	_ =	shalt  }
0x45: {  	_ =	shalt  }
0x46: {  	_ =	shalt  }
0x47: {  	_ =	shalt  }
0x48: {  	_ =	shalt  }
0x49: {  	_ =	shalt  }
0x4a: {  	_ =	shalt  }
0x4b: {  	_ =	shalt  }
0x4c: {  	_ =	shalt  }
0x4d: {  	_ =	shalt  }
0x4e: {  	_ =	shalt  }
0x4f: {  	_ =	shalt  }
0x50: {  	_ =	shalt  }
0x51: {  	_ =	shalt  }
0x52: {  	_ =	shalt  }
0x53: {  	_ =	shalt  }
0x54: {  	_ =	shalt  }
0x55: {  	_ =	shalt  }
0x56: {  	_ =	shalt  }
0x57: {  	_ =	shalt  }
0x58: {  	_ =	shalt  }
0x59: {  	_ =	shalt  }
0x5a: {  	_ =	shalt  }
0x5b: {  	_ =	shalt  }
0x5c: {  	_ =	shalt  }
0x5d: {  	_ =	shalt  }
0x5e: {  	_ =	shalt  }
0x5f: {  	_ =	shalt  }
0x60: {  	_ =	shalt  }
0x61: {  	_ =	shalt  }
0x62: {  	_ =	shalt  }
0x63: {  	_ =	shalt  }
0x64: {  	_ =	shalt  }
0x65: {  	_ =	shalt  }
0x66: {  	_ =	shalt  }
0x67: {  	_ =	shalt  }
0x68: {  	_ =	shalt  }
0x69: {  	_ =	shalt  }
0x6a: {  	_ =	shalt  }
0x6b: {  	_ =	shalt  }
0x6c: {  	_ =	shalt  }
0x6d: {  	_ =	shalt  }
0x6e: {  	_ =	shalt  }
0x6f: {  	_ =	shalt  }
0x70: {  	_ =	shalt  }
0x71: {  	_ =	shalt  }
0x72: {  	_ =	shalt  }
0x73: {  	_ =	shalt  }
0x74: {  	_ =	shalt  }
0x75: {  	_ =	shalt  }
0x76: {  	_ =	shalt  }
0x77: {  	_ =	shalt  }
0x78: {  	_ =	shalt  }
0x79: {  	_ =	shalt  }
0x7a: {  	_ =	shalt  }
0x7b: {  	_ =	shalt  }
0x7c: {  	_ =	shalt  }
0x7d: {  	_ =	shalt  }
0x7e: {  	_ =	shalt  }
0x7f: {  	_ =	shalt  }
0x80: {  	_ =	shalt  }
0x81: {  	_ =	shalt  }
0x82: {  	_ =	shalt  }
0x83: {  	_ =	shalt  }
0x84: {  	_ =	shalt  }
0x85: {  	_ =	shalt  }
0x86: {  	_ =	shalt  }
0x87: {  	_ =	shalt  }
.Lfunc_end0:
.L_simem_size_0:
called_computation_lowered:
.L_overlay_start_0:
0x88: {  	s2 =	sld [smem:$0x3FD9]  }
0x89: {  	s3 =	sld [smem:$0x3FFE];
	_ =	sdelay $0x1  }
0x8a: {  	s1 =	srdreg.scid  }
0x8b: {  	s0 =	sand.u32 $0x1, s1  }
0x8c: {  	s14 =	sshll.u32 s0, $0xA;
	s2 =	sadd.s32 s3, s2  }
0x8d: {  	s2 =	sadd.s32 s2, s14  }
0x8e: {  	[smem:$0x3FC6] =	sst s2  }
0x8f: {  	_ = 	snop  }
0x90: {  	s2 =	sld [smem:$0x3FD0];
	_ =	sdelay $0x2  }
0x91: {  	s4 =	simm.s32 $0xA;
	s5 =	simm.s32 $0x10;
	s15 =	sld [smem:$0x3FC9]  }
0x92: {  	[smem:s5], [sflag:s4] =	dma.local [hbm:s2], $0x1  }
0x93: {  	_ =	swait.eq [sflag:s4], $0x1  }
0x94: {  	[sflag:s4] =	ssyncset.done $0x0  }
0x95: {  	s16 =	sld [smem:$0x10];
	[sflag:s4] =	ssyncadd.s32 $0xFFFFFFFF  }
0x96: {  	s17 =	sld [smem:$0x12];
	(tm) =	ssettm $0x1  }
0x97: {  	s18 =	sld [smem:$0x3FFB];
	_ =	sdelay $0x3  }
0x98: {  	_ =	strace s18  }
0x99: {  	s5 =	sld [smem:$0x3FFC];
	_ =	sdelay $0x3  }
0x9a: {  	_ =	strace s5  }
0x9b: {  	s5 =	sld [smem:$0x3FFD];
	_ =	sdelay $0x3  }
0x9c: {  	_ =	strace s5  }
0x9d: {  	_ =	strace $0x8FFFFFFF  }
0x9e: {  	s19 =	sld [smem:$0x3FDB];
	_ =	sdelay $0x1  }
0x9f: {  	s6 =	simm.s32 $_scs_section_size  }
0xa0: {  	s7 =	simm.s32 $_size__tile_overlayer_lowered;
	s8 =	simm.s32 $_tile_overlayer_lowered  }
0xa1: {  	s22 =	simm.s32 $0x1BFF;
	s21 =	sshll.u32 s8, $0x1;
	s5 =	sadd.s32 s6, s19  }
0xa2: {  	s9 =	simm.s32 $0x0;
	s20 =	sshll.u32 s7, $0x1;
	s7 =	sadd.s32 s21, s5  }
0xa3: {  	[timem:s9], [sflag:s22] =	dma.local [hbm:s7], s20  }
0xa4: {  	_ =	swait.ge [sflag:s22], s20  }
0xa5: {  	s6 =	ssub.s32 $0x0, s20;
	[sflag:s22] =	ssyncset.done $0x0  }
0xa6: {  	[sflag:s22] =	ssyncadd.s32 s6;
	_ =	sdelay $0x1  }
0xa7: {  	s23 =	simm.s32 $0x1B8B  }
0xa8: {  	_ =	swait.ge [sflag:s23], $0x1  }
0xa9: {  	[sflag:s23] =	ssyncset.done $0x0  }
0xaa: {  	s25 =	simm.s32 $0x1B8E;
	s24 =	sld [smem:$0x3FFE];
	[sflag:s23] =	ssyncadd.s32 $0xFFFFFFFF  }
0xab: {  	s26 =	simm.s32 $execute0_lowered;
	[smem:$0x3FD2] =	sst s25  }
0xac: {  	s7 =	sshll.u32 s26, $0x1;
	_ =	strace $0x80000046;
	[dreg:$0x1] =	wrdreg $0xFFFFFFFF  }
0xad: {  	s28 =	simm.s32 $_size_execute0_lowered;
	s5 =	sadd.s32 s5, s7;
	[dreg:$0x0] =	wrdreg $0x0  }
0xae: {  	s7 =	sshll.u32 s28, $0x1;
	[dreg:$0x2] =	wrdreg s5  }
0xaf: {  	[dreg:$0x3] =	wrdreg s7  }
0xb0: {  	[dreg:$0x4] =	wrdreg $0xC0  }
0xb1: {  	_ =	task [dreg:s9], $0x5FFFF  }
0xb2: {  	[dreg:$0x1] =	wrdreg $0xFFFFFFFF  }
0xb3: {  	[dreg:$0x0] =	wrdreg $0x60  }
0xb4: {  	[dreg:$0x2] =	wrdreg s24  }
0xb5: {  	[dreg:$0x3] =	wrdreg s17  }
0xb6: {  	[dreg:$0x4] =	wrdreg s15  }
0xb7: {  	[dreg:$0x5] =	wrdreg s16  }
0xb8: {  	[dreg:$0x6] =	wrdreg $0x9  }
0xb9: {  	_ =	task.clear_ibuf [dreg:s9], $0x7FFFF;
	_ =	strace $0x90000046  }
0xba: {  	s29 =	simm.s32 $0x9;
	_ =	strace $0x80000048  }
0xbb: {  	_ =	swait.ge [sflag:s29], $0x1  }
0xbc: {  	[sflag:s29] =	ssyncadd.s32 $0xFFFFFFFF  }
0xbd: {  	_ =	strace $0x90000048  }
0xbe: {  	_ =	sfence  }
0xbf: {  	s30 =	sld [smem:$0x0];
	_ =	sdelay $0x2  }
0xc0: {  	s31 =	sshll.u32 s1, $0xD;
	s1 =	sshrl.u32 s1, $0x2  }
0xc1: {  	s3 =	sand.u32 $0x4000, s31;
	s1 =	sadd.s32 s1, s30  }
0xc2: {  	s0 =	sor.u32 s3, s0;
	s1 =	sshll.u32 s1, $0x11  }
0xc3: {  	s0 =	sor.u32 s1, s0  }
0xc4: {  	s0 =	sadd.s32 $0x8F2B, s0  }
0xc5: {  	[sflag:s0] =	ssyncadd.remote.s32 $0x1  }
0xc6: {  	_ =	sfence.sel $0xFFFF  }
0xc7: {  	[dreg:$0x0] =	wrdreg $0xFFFFFFFF;
	(pc) =	sbr.abs _section_cstart, $3  }
0xc8: {  	[dreg:$0x1] =	wrdreg $0xFFFFFFFF  }
0xc9: {  	_ =	task.clear_ibuf [dreg:s9], $0x2FFFF;
	_ =	strace $0x9FFFFFFF  }
0xca: {  	(tm) =	ssettm $0x7FFFFFFF  }
0xcb: {  	_ =	shalt  }
tec
execute0_lowered:
.L_overlay_start_1:
0x0: {  	(tag) =	ssettag $0x1  }
0x1: {  	s1 =	rddreg [dreg:$0x0]  }
0x2: {  	s0 =	rddreg [dreg:$0x1]  }
0x3: {  	s2 =	rddreg [dreg:$0x2]  }
0x4: {  	s3 =	srdreg.scid;
	s6 =	stileid.u32  }
0x5: {  	s4 =	rddreg [dreg:$0x3];
	s28 =	simm.s32 $0x4080;
	s29 =	simm.s32 $0x4880  }
0x6: {  	s30 =	simm.s32 $0x5080;
	s5 =	sand.u32 $0x1, s3;
	s6 =	sshll.u32 s6, $0x1  }
0x7: {  	s31 =	simm.s32 $0x5880;
	s3 =	simm.s32 $0x0;
	s6 =	sor.u32 s5, s6  }
0x8: {  	[smem:$0x7FF] =	sst s3;
	s5 =	ssub.s32 $0x2, s5;
	s7 =	sshll.u32 s6, $0x4  }
0x9: {  	_ =	strace $0x80000047;
	s8 =	sshrl.u32 s5, $0x1;
	s17 =	sshll.u32 s6, $0x9  }
0xa: {  	s9 =	sshll.u32 s6, $0x6;
	s6 =	sshll.u32 s6, $0xE;
	s7 =	sadd.s32 s7, s1  }
0xb: {  	s5 =	ssub.s32 s5, s8;
	s9 =	sadd.s32 s0, s9;
	s18 =	sor.u32 $0x80, s17  }
0xc: {  	s10 =	sadd.s32 s2, s6;
	s6 =	sadd.s32 s4, s6;
	[dreg:$0x5] =	wrdreg s9  }
0xd: {  	s21 =	sor.u32 $0x100, s17;
	s8 =	sor.u32 $0x180, s17;
	[dreg:$0x6] =	wrdreg s10  }
0xe: {  	[dreg:$0x7] =	wrdreg s6;
	s19 =	sshrl.u32 s18, $0x3;
	s20 =	sshll.u32 s18, $0x5  }
0xf: {  	s23 =	sshrl.u32 s21, $0x3;
	s24 =	sshll.u32 s21, $0x5;
	s25 =	sshrl.u32 s8, $0x3  }
0x10: {  	s8 =	sshll.u32 s8, $0x5;
	s16 =	sadd.s32 $0x40000, s7;
	s17 =	smax.u32 s5, $0x1  }
0x11: {  	s18 =	simm.s32 $0x2;
	s21 =	simm.s32 $0x1080;
	s5 =	simm.s32 $0x7880  }
0x12: {  	s7 =	simm.s32 $0x8080;
	s6 =	sadd.s32 s0, s19;
	s22 =	sadd.s32 s2, s20  }
0x13: {  	s9 =	sadd.s32 s2, s24;
	s26 =	sadd.s32 s2, s8;
	[dreg:$0x8] =	wrdreg s6  }
0x14: {  	s15 =	sadd.s32 s4, s8;
	s19 =	simm.s32 $0x80;
	[dreg:$0x9] =	wrdreg s22  }
0x15: {  	s2 =	simm.s32 $0x6080;
	s8 =	simm.s32 $0x0;
	[dreg:$0xc] =	wrdreg s9  }
0x16: {  	s6 =	sadd.s32 s4, s20;
	[dreg:$0xf] =	wrdreg s26;
	s20 =	simm.s32 $0x880  }
0x17: {  	s22 =	simm.s32 $0x1880;
	s26 =	simm.s32 $0x3880;
	[dreg:$0xa] =	wrdreg s6  }
0x18: {  	s6 =	sadd.s32 s0, s23;
	s0 =	sadd.s32 s0, s25;
	s23 =	simm.s32 $0x2080  }
0x19: {  	v2 =	vlaneseq.u32;
	s25 =	simm.s32 $0x3080;
	[dreg:$0xb] =	wrdreg s6;
	s6 =	sadd.s32 s4, s24  }
0x1a: {  	vm0 =	vmmov $0xffff;
	v1 =	vshrl.u32 v2, $0x3;
	[dreg:$0xe] =	wrdreg s0;
	s24 =	simm.s32 $0x2880;
	s0 =	simm.s32 $0x6880  }
0x1b: {  	v0 =	vand.u32 $0x7, v2;
	v2 =	vor.u32 $0x8, v2;
	v1 =	vmul.u32 $0x8, v1;
	s4 =	simm.s32 $0x7080;
	[dreg:$0xd] =	wrdreg s6;
	s6 =	simm.s32 $0x1  }
.LBB2_1:
0x1c: {  	s9 =	rddreg [dreg:$0x5]  }
0x1d: {  	[tilespmem:s3], [sflag:$0x2] =	stream.linear.gather [hbm4b:s9+s3], $0x80, $0x38;
	[tilespmem:$0x10100] =	vst v63  }
0x1e: {  	_ =	swait.ge [sflag:s18], $0x80  }
0x1f: {  	[sflag:s18] =	ssyncset.done $0x0  }
0x20: {  	[sflag:s18] =	ssyncadd.s32 $0xFFFFFF80  }
0x21: {  	v3 =	vld [tilespmem:$0x0];
	_ =	sdelay $0x4  }
0x22: {  	v4 =	vshll.u32 v3, $0x1  }
0x23: {  	v3 =	vand.u32 $0x7, v3;
	v4 =	vand.u32 $0xFFFFFFF0, v4  }
0x24: {  	v3 =	vor.u32 v3, v4  }
0x25: {  	v4 =	vperm.xlane v3, v0;
	_ =	sdelay $0x1  }
0x26: {  	v3 =	vperm.xlane v3, v2;
	v4 =	vadd.s32 v1, v4;
	_ =	sdelay $0x1  }
0x27: {  	v3 =	vadd.s32 v1, v3;
	_ =	sdelay $0x2  }
0x28: {  	[tilespmem:s19], [sflag:$0x1] =	stream.indirect_vreg.gather [hbm4b:s1+s3], $0x80, v4, vm0, $0xb8;
	[tilespmem:$0x10100] =	vst v63  }
0x29: {  	_ = 	snop  }
0x2a: {  	[tilespmem:s20], [sflag:$0x1] =	stream.indirect_vreg.gather [hbm4b:s1+s3], $0x80, v3, vm0, $0xb8;
	[tilespmem:$0x10100] =	vst v63  }
0x2b: {  	v3 =	vld [tilespmem:$0x10];
	_ =	sdelay $0x4  }
0x2c: {  	v4 =	vshll.u32 v3, $0x1  }
0x2d: {  	v3 =	vand.u32 $0x7, v3;
	v4 =	vand.u32 $0xFFFFFFF0, v4  }
0x2e: {  	v3 =	vor.u32 v3, v4  }
0x2f: {  	v4 =	vperm.xlane v3, v0;
	_ =	sdelay $0x1  }
0x30: {  	v3 =	vperm.xlane v3, v2;
	v4 =	vadd.s32 v1, v4;
	_ =	sdelay $0x1  }
0x31: {  	v3 =	vadd.s32 v1, v3;
	_ =	sdelay $0x2  }
0x32: {  	[tilespmem:s21], [sflag:$0x1] =	stream.indirect_vreg.gather [hbm4b:s1+s3], $0x80, v4, vm0, $0xb8;
	[tilespmem:$0x10100] =	vst v63  }
0x33: {  	_ = 	snop  }
0x34: {  	[tilespmem:s22], [sflag:$0x1] =	stream.indirect_vreg.gather [hbm4b:s1+s3], $0x80, v3, vm0, $0xb8;
	[tilespmem:$0x10100] =	vst v63  }
0x35: {  	v3 =	vld [tilespmem:$0x20];
	_ =	sdelay $0x4  }
0x36: {  	v4 =	vshll.u32 v3, $0x1  }
0x37: {  	v3 =	vand.u32 $0x7, v3;
	v4 =	vand.u32 $0xFFFFFFF0, v4  }
0x38: {  	v3 =	vor.u32 v3, v4  }
0x39: {  	v4 =	vperm.xlane v3, v0;
	_ =	sdelay $0x1  }
0x3a: {  	v3 =	vperm.xlane v3, v2;
	v4 =	vadd.s32 v1, v4;
	_ =	sdelay $0x1  }
0x3b: {  	v3 =	vadd.s32 v1, v3;
	_ =	sdelay $0x2  }
0x3c: {  	[tilespmem:s23], [sflag:$0x1] =	stream.indirect_vreg.gather [hbm4b:s1+s3], $0x80, v4, vm0, $0xb8;
	[tilespmem:$0x10100] =	vst v63  }
0x3d: {  	_ = 	snop  }
0x3e: {  	[tilespmem:s24], [sflag:$0x1] =	stream.indirect_vreg.gather [hbm4b:s1+s3], $0x80, v3, vm0, $0xb8;
	[tilespmem:$0x10100] =	vst v63  }
0x3f: {  	v3 =	vld [tilespmem:$0x30];
	_ =	sdelay $0x4  }
0x40: {  	v4 =	vshll.u32 v3, $0x1  }
0x41: {  	v3 =	vand.u32 $0x7, v3;
	v4 =	vand.u32 $0xFFFFFFF0, v4  }
0x42: {  	v3 =	vor.u32 v3, v4  }
0x43: {  	v4 =	vperm.xlane v3, v0;
	_ =	sdelay $0x1  }
0x44: {  	v3 =	vperm.xlane v3, v2;
	v4 =	vadd.s32 v1, v4;
	_ =	sdelay $0x1  }
0x45: {  	v3 =	vadd.s32 v1, v3;
	_ =	sdelay $0x2  }
0x46: {  	[tilespmem:s25], [sflag:$0x1] =	stream.indirect_vreg.gather [hbm4b:s1+s3], $0x80, v4, vm0, $0xb8;
	[tilespmem:$0x10100] =	vst v63  }
0x47: {  	_ = 	snop  }
0x48: {  	[tilespmem:s26], [sflag:$0x1] =	stream.indirect_vreg.gather [hbm4b:s1+s3], $0x80, v3, vm0, $0xb8;
	[tilespmem:$0x10100] =	vst v63  }
0x49: {  	v3 =	vld [tilespmem:$0x40];
	_ =	sdelay $0x4  }
0x4a: {  	v4 =	vshll.u32 v3, $0x1  }
0x4b: {  	v3 =	vand.u32 $0x7, v3;
	v4 =	vand.u32 $0xFFFFFFF0, v4  }
0x4c: {  	v3 =	vor.u32 v3, v4  }
0x4d: {  	v4 =	vperm.xlane v3, v0;
	_ =	sdelay $0x1  }
0x4e: {  	v3 =	vperm.xlane v3, v2;
	v4 =	vadd.s32 v1, v4;
	_ =	sdelay $0x1  }
0x4f: {  	v3 =	vadd.s32 v1, v3;
	_ =	sdelay $0x2  }
0x50: {  	[tilespmem:s28], [sflag:$0x1] =	stream.indirect_vreg.gather [hbm4b:s1+s3], $0x80, v4, vm0, $0xb8;
	[tilespmem:$0x10100] =	vst v63  }
0x51: {  	_ = 	snop  }
0x52: {  	[tilespmem:s29], [sflag:$0x1] =	stream.indirect_vreg.gather [hbm4b:s1+s3], $0x80, v3, vm0, $0xb8;
	[tilespmem:$0x10100] =	vst v63  }
0x53: {  	v3 =	vld [tilespmem:$0x50];
	_ =	sdelay $0x4  }
0x54: {  	v4 =	vshll.u32 v3, $0x1  }
0x55: {  	v3 =	vand.u32 $0x7, v3;
	v4 =	vand.u32 $0xFFFFFFF0, v4  }
0x56: {  	v3 =	vor.u32 v3, v4  }
0x57: {  	v4 =	vperm.xlane v3, v0;
	_ =	sdelay $0x1  }
0x58: {  	v3 =	vperm.xlane v3, v2;
	v4 =	vadd.s32 v1, v4;
	_ =	sdelay $0x1  }
0x59: {  	v3 =	vadd.s32 v1, v3;
	_ =	sdelay $0x2  }
0x5a: {  	[tilespmem:s30], [sflag:$0x1] =	stream.indirect_vreg.gather [hbm4b:s1+s3], $0x80, v4, vm0, $0xb8;
	[tilespmem:$0x10100] =	vst v63  }
0x5b: {  	_ = 	snop  }
0x5c: {  	[tilespmem:s31], [sflag:$0x1] =	stream.indirect_vreg.gather [hbm4b:s1+s3], $0x80, v3, vm0, $0xb8;
	[tilespmem:$0x10100] =	vst v63  }
0x5d: {  	v3 =	vld [tilespmem:$0x60];
	_ =	sdelay $0x4  }
0x5e: {  	v4 =	vshll.u32 v3, $0x1  }
0x5f: {  	v3 =	vand.u32 $0x7, v3;
	v4 =	vand.u32 $0xFFFFFFF0, v4  }
0x60: {  	v3 =	vor.u32 v3, v4  }
0x61: {  	v4 =	vperm.xlane v3, v0;
	_ =	sdelay $0x1  }
0x62: {  	v3 =	vperm.xlane v3, v2;
	v4 =	vadd.s32 v1, v4;
	_ =	sdelay $0x1  }
0x63: {  	v3 =	vadd.s32 v1, v3;
	_ =	sdelay $0x2  }
0x64: {  	[tilespmem:s2], [sflag:$0x1] =	stream.indirect_vreg.gather [hbm4b:s1+s3], $0x80, v4, vm0, $0xb8;
	[tilespmem:$0x10100] =	vst v63  }
0x65: {  	_ = 	snop  }
0x66: {  	[tilespmem:s0], [sflag:$0x1] =	stream.indirect_vreg.gather [hbm4b:s1+s3], $0x80, v3, vm0, $0xb8;
	[tilespmem:$0x10100] =	vst v63  }
0x67: {  	v3 =	vld [tilespmem:$0x70];
	_ =	sdelay $0x4  }
0x68: {  	v4 =	vshll.u32 v3, $0x1  }
0x69: {  	v3 =	vand.u32 $0x7, v3;
	v4 =	vand.u32 $0xFFFFFFF0, v4  }
0x6a: {  	v3 =	vor.u32 v3, v4  }
0x6b: {  	v4 =	vperm.xlane v3, v0;
	_ =	sdelay $0x1  }
0x6c: {  	v3 =	vperm.xlane v3, v2;
	v4 =	vadd.s32 v1, v4;
	_ =	sdelay $0x1  }
0x6d: {  	v3 =	vadd.s32 v1, v3;
	_ =	sdelay $0x2  }
0x6e: {  	[tilespmem:s4], [sflag:$0x1] =	stream.indirect_vreg.gather [hbm4b:s1+s3], $0x80, v4, vm0, $0xb8;
	[tilespmem:$0x10100] =	vst v63  }
0x6f: {  	_ = 	snop  }
0x70: {  	[tilespmem:s5], [sflag:$0x1] =	stream.indirect_vreg.gather [hbm4b:s1+s3], $0x80, v3, vm0, $0xb8;
	[tilespmem:$0x10100] =	vst v63  }
0x71: {  	_ =	swait.ge [sflag:s6], $0x8000  }
0x72: {  	[sflag:s6] =	ssyncset.done $0x0  }
0x73: {  	s13 =	rddreg [dreg:$0x6];
	[sflag:s6] =	ssyncadd.s32 $0xFFFF8000  }
0x74: {  	[tilespmem:s7], [sflag:$0x2] =	stream.linear.gather [hbm4b:s13+s3], $0x8000, $0x38;
	[tilespmem:$0x10100] =	vst v63  }
0x75: {  	_ =	swait.ge [sflag:s18], $0x8000  }
0x76: {  	s14 =	sand.u32 $0x7800, s3;
	s10 =	sand.u32 $0x380, s3;
	[sflag:s18] =	ssyncset.done $0x0  }
0x77: {  	s9 =	sor.u32 s10, s14;
	[sflag:s18] =	ssyncadd.s32 $0xFFFF8000  }
0x78: {  	v3 =	vld [tilespmem:s9+$0x80]  }
0x79: {  	v4 =	vld [tilespmem:s9+$0x8080]  }
0x7a: {  	v5 =	vld [tilespmem:s9+$0x90]  }
0x7b: {  	v6 =	vld [tilespmem:s9+$0x8090]  }
0x7c: {  	v7 =	vld [tilespmem:s9+$0xA0]  }
0x7d: {  	v8 =	vld [tilespmem:s9+$0x80A0]  }
0x7e: {  	v9 =	vld [tilespmem:s9+$0xB0];
	v3 =	vsub.f32 v3, v4  }
0x7f: {  	v10 =	vld [tilespmem:s9+$0x80B0]  }
0x80: {  	v11 =	vld [tilespmem:s9+$0xC0];
	v5 =	vsub.f32 v5, v6;
	v4 =	vadd.f32 v3, v4  }
0x81: {  	v12 =	vld [tilespmem:s9+$0x80C0];
	v3 =	vmul.f32 v3, v3  }
0x82: {  	v13 =	vimm.f32 $0.0e+00;
	[tilespmem:s9+$0x80] =	vst v4;
	v4 =	vadd.f32 v5, v6;
	v6 =	vsub.f32 v7, v8;
	v7 =	vld [tilespmem:s9+$0xD0]  }
0x83: {  	v5 =	vmul.f32 v5, v5;
	v3 =	vadd.f32 v3, v13;
	v13 =	vld [tilespmem:s9+$0x80D0]  }
0x84: {  	[tilespmem:s9+$0x90] =	vst v4;
	v4 =	vadd.f32 v6, v8;
	v8 =	vsub.f32 v9, v10;
	v9 =	vld [tilespmem:s9+$0xE0]  }
0x85: {  	v6 =	vmul.f32 v6, v6;
	v3 =	vadd.f32 v5, v3;
	v5 =	vld [tilespmem:s9+$0x80E0]  }
0x86: {  	[tilespmem:s9+$0xA0] =	vst v4;
	v4 =	vadd.f32 v8, v10;
	v10 =	vsub.f32 v11, v12;
	v11 =	vld [tilespmem:s9+$0xF0]  }
0x87: {  	v8 =	vmul.f32 v8, v8;
	v3 =	vadd.f32 v6, v3;
	v6 =	vld [tilespmem:s9+$0x80F0]  }
0x88: {  	[tilespmem:s9+$0xB0] =	vst v4;
	v4 =	vadd.f32 v10, v12;
	v12 =	vld [tilespmem:s9+$0x480]  }
0x89: {  	v7 =	vsub.f32 v7, v13;
	v10 =	vmul.f32 v10, v10;
	v3 =	vadd.f32 v8, v3;
	v8 =	vld [tilespmem:s9+$0x8480]  }
0x8a: {  	[tilespmem:s9+$0xC0] =	vst v4;
	v4 =	vsub.f32 v9, v5;
	v9 =	vld [tilespmem:s9+$0x490]  }
0x8b: {  	v13 =	vadd.f32 v7, v13;
	v7 =	vmul.f32 v7, v7;
	v3 =	vadd.f32 v10, v3;
	v10 =	vld [tilespmem:s9+$0x8490]  }
0x8c: {  	v14 =	vld [tilespmem:s9+$0x4A0];
	v11 =	vsub.f32 v11, v6;
	v5 =	vadd.f32 v4, v5  }
0x8d: {  	v4 =	vmul.f32 v4, v4;
	v3 =	vadd.f32 v7, v3;
	v7 =	vld [tilespmem:s9+$0x84A0]  }
0x8e: {  	[tilespmem:s9+$0xE0] =	vst v5;
	v5 =	vadd.f32 v11, v6;
	v6 =	vsub.f32 v12, v8;
	v12 =	vld [tilespmem:s9+$0x4B0]  }
0x8f: {  	v11 =	vmul.f32 v11, v11;
	v3 =	vadd.f32 v4, v3;
	v4 =	vld [tilespmem:s9+$0x84B0]  }
0x90: {  	[tilespmem:s9+$0xD0] =	vst v13;
	v13 =	vsub.f32 v9, v10;
	v9 =	vld [tilespmem:s9+$0x4C0]  }
0x91: {  	[tilespmem:s9+$0xF0] =	vst v5;
	v5 =	vadd.f32 v6, v8;
	v6 =	vmul.f32 v6, v6;
	v3 =	vadd.f32 v11, v3;
	v8 =	vld [tilespmem:s9+$0x84C0]  }
0x92: {  	v11 =	vld [tilespmem:s9+$0x4D0];
	v14 =	vsub.f32 v14, v7  }
0x93: {  	v15 =	vmul.f32 v13, v13;
	[tilespmem:s9+$0x480] =	vst v5;
	v5 =	vadd.f32 v13, v10;
	v6 =	vadd.f32 v6, v3;
	v10 =	vld [tilespmem:s9+$0x84D0]  }
0x94: {  	v13 =	vld [tilespmem:s9+$0x4E0];
	v7 =	vadd.f32 v14, v7  }
0x95: {  	s11 =	simm.s32 $0x100;
	s10 =	simm.s32 $0x80;
	v3 =	vsub.f32 v12, v4;
	v12 =	vld [tilespmem:s9+$0x84E0];
	[tilespmem:s9+$0x490] =	vst v5;
	v5 =	vmul.f32 v14, v14;
	v6 =	vadd.f32 v15, v6  }
.LBB2_2:
0x96: {  	s13 =	smov.u32 s11  }
0x97: {  	s12 =	sand.u32 $0x7800, s11;
	s14 =	sand.u32 $0x380, s10;
	v14 =	vmul.f32 v3, v3;
	v9 =	vsub.f32 v9, v8;
	v15 =	vld [tilespmem:s9+$0x4F0];
	s13 =	sadd.s32 $0x100, s11  }
0x98: {  	p0 =	sne.s32 s11, $0x7F00;
	s12 =	sor.u32 s14, s12;
	v5 =	vadd.f32 v5, v6;
	v6 =	vld [tilespmem:s9+$0x84F0]  }
0x99: {  	v8 =	vadd.f32 v9, v8;
	v9 =	vmul.f32 v9, v9;
	v11 =	vsub.f32 v11, v10;
	v16 =	vld [tilespmem:s12+$0x80]  }
0x9a: {  	v5 =	vadd.f32 v14, v5;
	v17 =	vld [tilespmem:s12+$0x8080]  }
0x9b: {  	v14 =	vld [tilespmem:s12+$0x90];
	[tilespmem:s9+$0x4C0] =	vst v8;
	v8 =	vadd.f32 v11, v10;
	v10 =	vmul.f32 v11, v11;
	v11 =	vsub.f32 v13, v12  }
0x9c: {  	v5 =	vadd.f32 v9, v5;
	v13 =	vld [tilespmem:s12+$0x8090]  }
0x9d: {  	v9 =	vld [tilespmem:s12+$0xA0];
	[tilespmem:s9+$0x4D0] =	vst v8;
	v8 =	vadd.f32 v11, v12;
	v11 =	vmul.f32 v11, v11;
	v12 =	vsub.f32 v15, v6  }
0x9e: {  	v5 =	vadd.f32 v10, v5;
	v15 =	vld [tilespmem:s12+$0x80A0]  }
0x9f: {  	v10 =	vsub.f32 v16, v17;
	v16 =	vld [tilespmem:s12+$0xB0];
	[tilespmem:s9+$0x4E0] =	vst v8;
	v6 =	vadd.f32 v12, v6;
	v8 =	vmul.f32 v12, v12  }
0xa0: {  	v5 =	vadd.f32 v11, v5;
	v12 =	vld [tilespmem:s12+$0x80B0]  }
0xa1: {  	v11 =	vadd.f32 v10, v17;
	v10 =	vmul.f32 v10, v10;
	v14 =	vsub.f32 v14, v13;
	v17 =	vld [tilespmem:s12+$0xC0];
	[tilespmem:s9+$0x4F0] =	vst v6  }
0xa2: {  	v5 =	vadd.f32 v8, v5;
	v6 =	vld [tilespmem:s12+$0x80C0]  }
0xa3: {  	[tilespmem:s12+$0x80] =	vst v11;
	v8 =	vadd.f32 v14, v13;
	v11 =	vmul.f32 v14, v14;
	v9 =	vsub.f32 v9, v15;
	v13 =	vld [tilespmem:s12+$0xD0]  }
0xa4: {  	v5 =	vadd.f32 v10, v5;
	v10 =	vld [tilespmem:s12+$0x80D0]  }
0xa5: {  	[tilespmem:s12+$0x90] =	vst v8;
	v8 =	vadd.f32 v9, v15;
	v9 =	vmul.f32 v9, v9;
	v14 =	vsub.f32 v16, v12;
	v15 =	vld [tilespmem:s12+$0xE0]  }
0xa6: {  	v5 =	vadd.f32 v11, v5;
	v11 =	vld [tilespmem:s12+$0x80E0]  }
0xa7: {  	[tilespmem:s12+$0xA0] =	vst v8;
	v8 =	vadd.f32 v14, v12;
	v12 =	vmul.f32 v14, v14;
	v14 =	vsub.f32 v17, v6;
	v16 =	vld [tilespmem:s12+$0xF0]  }
0xa8: {  	v5 =	vadd.f32 v9, v5;
	v9 =	vld [tilespmem:s12+$0x80F0]  }
0xa9: {  	[tilespmem:s12+$0xB0] =	vst v8;
	v6 =	vadd.f32 v14, v6;
	v8 =	vmul.f32 v14, v14;
	v14 =	vld [tilespmem:s12+$0x480]  }
0xaa: {  	v5 =	vadd.f32 v12, v5;
	v12 =	vsub.f32 v13, v10;
	v13 =	vld [tilespmem:s12+$0x8480]  }
0xab: {  	v3 =	vadd.f32 v3, v4;
	[tilespmem:s12+$0xC0] =	vst v6;
	v6 =	vsub.f32 v15, v11;
	v15 =	vld [tilespmem:s12+$0x490]  }
0xac: {  	v4 =	vadd.f32 v8, v5;
	v5 =	vadd.f32 v12, v10;
	v8 =	vmul.f32 v12, v12;
	v10 =	vld [tilespmem:s12+$0x8490];
	[tilespmem:s9+$0x4A0] =	vst v7  }
0xad: {  	v7 =	vadd.f32 v6, v11;
	v6 =	vmul.f32 v6, v6;
	v11 =	vsub.f32 v16, v9;
	v12 =	vld [tilespmem:s12+$0x4A0];
	[tilespmem:s9+$0x4B0] =	vst v3;
	s9 =	smov.u32 s12  }
0xae: {  	v3 =	vadd.f32 v8, v4;
	[tilespmem:s9+$0xD0] =	vst v5;
	v5 =	vld [tilespmem:s9+$0x84A0]  }
0xaf: {  	[tilespmem:s9+$0xE0] =	vst v7;
	v7 =	vadd.f32 v11, v9;
	v8 =	vmul.f32 v11, v11;
	v9 =	vsub.f32 v14, v13;
	v14 =	vld [tilespmem:s9+$0x4B0]  }
0xb0: {  	v3 =	vadd.f32 v6, v3;
	v4 =	vld [tilespmem:s9+$0x84B0]  }
0xb1: {  	[tilespmem:s9+$0xF0] =	vst v7;
	v6 =	vadd.f32 v9, v13;
	v7 =	vmul.f32 v9, v9;
	v11 =	vsub.f32 v15, v10;
	v9 =	vld [tilespmem:s9+$0x4C0]  }
.Ltmp0:
0xb2: {  	v3 =	vadd.f32 v8, v3;
	v8 =	vld [tilespmem:s9+$0x84C0];
	(pc) =	sbr.rel @p0 .LBB2_2-.Ltmp0, $4  }
0xb3: {  	[tilespmem:s9+$0x480] =	vst v6;
	v6 =	vadd.f32 v11, v10;
	v15 =	vmul.f32 v11, v11;
	v12 =	vsub.f32 v12, v5;
	v11 =	vld [tilespmem:s9+$0x4D0]  }
0xb4: {  	v16 =	vadd.f32 v7, v3;
	v10 =	vld [tilespmem:s9+$0x84D0]  }
0xb5: {  	[tilespmem:s9+$0x490] =	vst v6;
	v7 =	vadd.f32 v12, v5;
	v5 =	vmul.f32 v12, v12;
	v3 =	vsub.f32 v14, v4;
	v13 =	vld [tilespmem:s9+$0x4E0]  }
0xb6: {  	s10 =	sadd.s32 $0x80, s10;
	s11 =	smov.u32 s13;
	v6 =	vadd.f32 v15, v16;
	v12 =	vld [tilespmem:s9+$0x84E0]  }
0xb7: {  	v14 =	vld [tilespmem:s9+$0x4F0]  }
0xb8: {  	v15 =	vld [tilespmem:s9+$0x84F0];
	_ =	sdelay $0x1  }
0xb9: {  	v16 =	vsub.f32 v9, v8  }
0xba: {  	v4 =	vadd.f32 v3, v4;
	v11 =	vsub.f32 v11, v10  }
0xbb: {  	[tilespmem:s9+$0x4A0] =	vst v7;
	v17 =	vadd.f32 v16, v8;
	v9 =	vsub.f32 v13, v12  }
0xbc: {  	[tilespmem:s9+$0x4B0] =	vst v4;
	v10 =	vadd.f32 v11, v10;
	v8 =	vsub.f32 v14, v15  }
0xbd: {  	[tilespmem:s9+$0x4C0] =	vst v17;
	v12 =	vadd.f32 v9, v12  }
0xbe: {  	[tilespmem:s9+$0x4D0] =	vst v10;
	v10 =	vadd.f32 v8, v15  }
0xbf: {  	[tilespmem:s9+$0x4E0] =	vst v12  }
0xc0: {  	s11 =	simm.s32 $0x0;
	s10 =	rddreg [dreg:$0x7];
	[tilespmem:s9+$0x4F0] =	vst v10  }
0xc1: {  	[hbm4b:s10+s11] =	stream.linear.scatter [tilespmem:s19], [sflag:$0x2], $0x8000, $0x38;
	[tilespmem:$0x10100] =	vst v63  }
0xc2: {  	_ =	swait.ge [sflag:s18], $0x8000  }
0xc3: {  	[sflag:s18] =	ssyncset.done $0x0  }
0xc4: {  	s12 =	rddreg [dreg:$0x8];
	[sflag:s18] =	ssyncadd.s32 $0xFFFF8000  }
0xc5: {  	[tilespmem:s11], [sflag:$0x2] =	stream.linear.gather [hbm4b:s12+s11], $0x80, $0x38;
	[tilespmem:$0x10100] =	vst v63  }
0xc6: {  	_ =	swait.ge [sflag:s18], $0x80  }
0xc7: {  	[sflag:s18] =	ssyncset.done $0x0  }
0xc8: {  	[sflag:s18] =	ssyncadd.s32 $0xFFFFFF80  }
0xc9: {  	v4 =	vld [tilespmem:$0x0];
	_ =	sdelay $0x4  }
0xca: {  	v7 =	vshll.u32 v4, $0x1  }
0xcb: {  	v4 =	vand.u32 $0x7, v4;
	v7 =	vand.u32 $0xFFFFFFF0, v7  }
0xcc: {  	v4 =	vor.u32 v4, v7  }
0xcd: {  	v7 =	vperm.xlane v4, v0;
	_ =	sdelay $0x1  }
0xce: {  	v4 =	vperm.xlane v4, v2;
	v7 =	vadd.s32 v1, v7;
	_ =	sdelay $0x1  }
0xcf: {  	v4 =	vadd.s32 v1, v4;
	_ =	sdelay $0x2  }
0xd0: {  	[tilespmem:s19], [sflag:$0x1] =	stream.indirect_vreg.gather [hbm4b:s1+s11], $0x80, v7, vm0, $0xb8;
	[tilespmem:$0x10100] =	vst v63  }
0xd1: {  	_ = 	snop  }
0xd2: {  	[tilespmem:s20], [sflag:$0x1] =	stream.indirect_vreg.gather [hbm4b:s1+s11], $0x80, v4, vm0, $0xb8;
	[tilespmem:$0x10100] =	vst v63  }
0xd3: {  	v4 =	vld [tilespmem:$0x10];
	_ =	sdelay $0x4  }
0xd4: {  	v7 =	vshll.u32 v4, $0x1  }
0xd5: {  	v4 =	vand.u32 $0x7, v4;
	v7 =	vand.u32 $0xFFFFFFF0, v7  }
0xd6: {  	v4 =	vor.u32 v4, v7  }
0xd7: {  	v7 =	vperm.xlane v4, v0;
	_ =	sdelay $0x1  }
0xd8: {  	v4 =	vperm.xlane v4, v2;
	v7 =	vadd.s32 v1, v7;
	_ =	sdelay $0x1  }
0xd9: {  	v4 =	vadd.s32 v1, v4;
	_ =	sdelay $0x2  }
0xda: {  	[tilespmem:s21], [sflag:$0x1] =	stream.indirect_vreg.gather [hbm4b:s1+s11], $0x80, v7, vm0, $0xb8;
	[tilespmem:$0x10100] =	vst v63  }
0xdb: {  	_ = 	snop  }
0xdc: {  	[tilespmem:s22], [sflag:$0x1] =	stream.indirect_vreg.gather [hbm4b:s1+s11], $0x80, v4, vm0, $0xb8;
	[tilespmem:$0x10100] =	vst v63  }
0xdd: {  	v4 =	vld [tilespmem:$0x20];
	_ =	sdelay $0x4  }
0xde: {  	v7 =	vshll.u32 v4, $0x1  }
0xdf: {  	v4 =	vand.u32 $0x7, v4;
	v7 =	vand.u32 $0xFFFFFFF0, v7  }
0xe0: {  	v4 =	vor.u32 v4, v7  }
0xe1: {  	v7 =	vperm.xlane v4, v0;
	_ =	sdelay $0x1  }
0xe2: {  	v4 =	vperm.xlane v4, v2;
	v7 =	vadd.s32 v1, v7;
	_ =	sdelay $0x1  }
0xe3: {  	v4 =	vadd.s32 v1, v4;
	_ =	sdelay $0x2  }
0xe4: {  	[tilespmem:s23], [sflag:$0x1] =	stream.indirect_vreg.gather [hbm4b:s1+s11], $0x80, v7, vm0, $0xb8;
	[tilespmem:$0x10100] =	vst v63  }
0xe5: {  	_ = 	snop  }
0xe6: {  	[tilespmem:s24], [sflag:$0x1] =	stream.indirect_vreg.gather [hbm4b:s1+s11], $0x80, v4, vm0, $0xb8;
	[tilespmem:$0x10100] =	vst v63  }
0xe7: {  	v4 =	vld [tilespmem:$0x30];
	_ =	sdelay $0x4  }
0xe8: {  	v7 =	vshll.u32 v4, $0x1  }
0xe9: {  	v4 =	vand.u32 $0x7, v4;
	v7 =	vand.u32 $0xFFFFFFF0, v7  }
0xea: {  	v4 =	vor.u32 v4, v7  }
0xeb: {  	v7 =	vperm.xlane v4, v0;
	_ =	sdelay $0x1  }
0xec: {  	v4 =	vperm.xlane v4, v2;
	v7 =	vadd.s32 v1, v7;
	_ =	sdelay $0x1  }
0xed: {  	v4 =	vadd.s32 v1, v4;
	_ =	sdelay $0x2  }
0xee: {  	[tilespmem:s25], [sflag:$0x1] =	stream.indirect_vreg.gather [hbm4b:s1+s11], $0x80, v7, vm0, $0xb8;
	[tilespmem:$0x10100] =	vst v63  }
0xef: {  	_ = 	snop  }
0xf0: {  	[tilespmem:s26], [sflag:$0x1] =	stream.indirect_vreg.gather [hbm4b:s1+s11], $0x80, v4, vm0, $0xb8;
	[tilespmem:$0x10100] =	vst v63  }
0xf1: {  	v4 =	vld [tilespmem:$0x40];
	_ =	sdelay $0x4  }
0xf2: {  	v7 =	vshll.u32 v4, $0x1  }
0xf3: {  	v4 =	vand.u32 $0x7, v4;
	v7 =	vand.u32 $0xFFFFFFF0, v7  }
0xf4: {  	v4 =	vor.u32 v4, v7  }
0xf5: {  	v7 =	vperm.xlane v4, v0;
	_ =	sdelay $0x1  }
0xf6: {  	v4 =	vperm.xlane v4, v2;
	v7 =	vadd.s32 v1, v7;
	_ =	sdelay $0x1  }
0xf7: {  	v4 =	vadd.s32 v1, v4;
	_ =	sdelay $0x2  }
0xf8: {  	[tilespmem:s28], [sflag:$0x1] =	stream.indirect_vreg.gather [hbm4b:s1+s11], $0x80, v7, vm0, $0xb8;
	[tilespmem:$0x10100] =	vst v63  }
0xf9: {  	_ = 	snop  }
0xfa: {  	[tilespmem:s29], [sflag:$0x1] =	stream.indirect_vreg.gather [hbm4b:s1+s11], $0x80, v4, vm0, $0xb8;
	[tilespmem:$0x10100] =	vst v63  }
0xfb: {  	v4 =	vld [tilespmem:$0x50];
	_ =	sdelay $0x4  }
0xfc: {  	v7 =	vshll.u32 v4, $0x1  }
0xfd: {  	v4 =	vand.u32 $0x7, v4;
	v7 =	vand.u32 $0xFFFFFFF0, v7  }
0xfe: {  	v4 =	vor.u32 v4, v7  }
0xff: {  	v7 =	vperm.xlane v4, v0;
	_ =	sdelay $0x1  }
0x100: {  	v4 =	vperm.xlane v4, v2;
	v7 =	vadd.s32 v1, v7;
	_ =	sdelay $0x1  }
0x101: {  	v4 =	vadd.s32 v1, v4;
	_ =	sdelay $0x2  }
0x102: {  	[tilespmem:s30], [sflag:$0x1] =	stream.indirect_vreg.gather [hbm4b:s1+s11], $0x80, v7, vm0, $0xb8;
	[tilespmem:$0x10100] =	vst v63  }
0x103: {  	_ = 	snop  }
0x104: {  	[tilespmem:s31], [sflag:$0x1] =	stream.indirect_vreg.gather [hbm4b:s1+s11], $0x80, v4, vm0, $0xb8;
	[tilespmem:$0x10100] =	vst v63  }
0x105: {  	v4 =	vld [tilespmem:$0x60];
	_ =	sdelay $0x4  }
0x106: {  	v7 =	vshll.u32 v4, $0x1  }
0x107: {  	v4 =	vand.u32 $0x7, v4;
	v7 =	vand.u32 $0xFFFFFFF0, v7  }
0x108: {  	v4 =	vor.u32 v4, v7  }
0x109: {  	v7 =	vperm.xlane v4, v0;
	_ =	sdelay $0x1  }
0x10a: {  	v4 =	vperm.xlane v4, v2;
	v7 =	vadd.s32 v1, v7;
	_ =	sdelay $0x1  }
0x10b: {  	v4 =	vadd.s32 v1, v4;
	_ =	sdelay $0x2  }
0x10c: {  	[tilespmem:s2], [sflag:$0x1] =	stream.indirect_vreg.gather [hbm4b:s1+s11], $0x80, v7, vm0, $0xb8;
	[tilespmem:$0x10100] =	vst v63  }
0x10d: {  	_ = 	snop  }
0x10e: {  	[tilespmem:s0], [sflag:$0x1] =	stream.indirect_vreg.gather [hbm4b:s1+s11], $0x80, v4, vm0, $0xb8;
	[tilespmem:$0x10100] =	vst v63  }
0x10f: {  	v4 =	vld [tilespmem:$0x70];
	_ =	sdelay $0x4  }
0x110: {  	v7 =	vshll.u32 v4, $0x1  }
0x111: {  	v4 =	vand.u32 $0x7, v4;
	v7 =	vand.u32 $0xFFFFFFF0, v7  }
0x112: {  	v4 =	vor.u32 v4, v7  }
0x113: {  	v7 =	vperm.xlane v4, v0;
	_ =	sdelay $0x1  }
0x114: {  	v4 =	vperm.xlane v4, v2;
	v7 =	vadd.s32 v1, v7;
	_ =	sdelay $0x1  }
0x115: {  	v4 =	vadd.s32 v1, v4;
	_ =	sdelay $0x2  }
0x116: {  	[tilespmem:s4], [sflag:$0x1] =	stream.indirect_vreg.gather [hbm4b:s1+s11], $0x80, v7, vm0, $0xb8;
	[tilespmem:$0x10100] =	vst v63  }
0x117: {  	_ = 	snop  }
0x118: {  	[tilespmem:s5], [sflag:$0x1] =	stream.indirect_vreg.gather [hbm4b:s1+s11], $0x80, v4, vm0, $0xb8;
	[tilespmem:$0x10100] =	vst v63  }
0x119: {  	_ =	swait.ge [sflag:s6], $0x8000  }
0x11a: {  	[sflag:s6] =	ssyncset.done $0x0  }
0x11b: {  	s13 =	rddreg [dreg:$0x9];
	[sflag:s6] =	ssyncadd.s32 $0xFFFF8000  }
0x11c: {  	[tilespmem:s7], [sflag:$0x2] =	stream.linear.gather [hbm4b:s13+s11], $0x8000, $0x38;
	[tilespmem:$0x10100] =	vst v63  }
0x11d: {  	_ =	swait.ge [sflag:s18], $0x8000  }
0x11e: {  	s14 =	sand.u32 $0x7800, s11;
	s9 =	sand.u32 $0x380, s11;
	[sflag:s18] =	ssyncset.done $0x0  }
0x11f: {  	v3 =	vmul.f32 v3, v3;
	s9 =	sor.u32 s9, s14;
	v4 =	vadd.f32 v5, v6;
	[sflag:s18] =	ssyncadd.s32 $0xFFFF8000  }
0x120: {  	v5 =	vld [tilespmem:s9+$0x80]  }
0x121: {  	v6 =	vmul.f32 v16, v16;
	v3 =	vadd.f32 v3, v4;
	v4 =	vld [tilespmem:s9+$0x8080]  }
0x122: {  	v7 =	vld [tilespmem:s9+$0x90]  }
0x123: {  	v10 =	vmul.f32 v11, v11;
	v3 =	vadd.f32 v6, v3;
	v6 =	vld [tilespmem:s9+$0x8090]  }
0x124: {  	v11 =	vld [tilespmem:s9+$0xA0]  }
0x125: {  	v9 =	vmul.f32 v9, v9;
	v3 =	vadd.f32 v10, v3;
	v10 =	vld [tilespmem:s9+$0x80A0]  }
0x126: {  	v12 =	vld [tilespmem:s9+$0xB0];
	v5 =	vsub.f32 v5, v4  }
0x127: {  	v8 =	vmul.f32 v8, v8;
	v3 =	vadd.f32 v9, v3;
	v9 =	vld [tilespmem:s9+$0x80B0]  }
0x128: {  	v13 =	vld [tilespmem:s9+$0xC0];
	v7 =	vsub.f32 v7, v6;
	v4 =	vadd.f32 v5, v4  }
0x129: {  	v3 =	vadd.f32 v8, v3;
	v8 =	vld [tilespmem:s9+$0x80C0];
	v5 =	vmul.f32 v5, v5  }
0x12a: {  	[tilespmem:s9+$0x80] =	vst v4;
	v4 =	vadd.f32 v7, v6;
	v6 =	vsub.f32 v11, v10;
	v11 =	vld [tilespmem:s9+$0xD0]  }
0x12b: {  	v7 =	vmul.f32 v7, v7;
	v3 =	vadd.f32 v5, v3;
	v5 =	vld [tilespmem:s9+$0x80D0]  }
0x12c: {  	[tilespmem:s9+$0x90] =	vst v4;
	v4 =	vadd.f32 v6, v10;
	v10 =	vsub.f32 v12, v9;
	v12 =	vld [tilespmem:s9+$0xE0]  }
0x12d: {  	v6 =	vmul.f32 v6, v6;
	v3 =	vadd.f32 v7, v3;
	v7 =	vld [tilespmem:s9+$0x80E0]  }
0x12e: {  	[tilespmem:s9+$0xA0] =	vst v4;
	v4 =	vadd.f32 v10, v9;
	v9 =	vsub.f32 v13, v8;
	v13 =	vld [tilespmem:s9+$0xF0]  }
0x12f: {  	v10 =	vmul.f32 v10, v10;
	v3 =	vadd.f32 v6, v3;
	v6 =	vld [tilespmem:s9+$0x80F0]  }
0x130: {  	[tilespmem:s9+$0xB0] =	vst v4;
	v4 =	vadd.f32 v9, v8;
	v8 =	vld [tilespmem:s9+$0x480]  }
0x131: {  	v11 =	vsub.f32 v11, v5;
	v9 =	vmul.f32 v9, v9;
	v3 =	vadd.f32 v10, v3;
	v10 =	vld [tilespmem:s9+$0x8480]  }
0x132: {  	v14 =	vld [tilespmem:s9+$0x4A0];
	[tilespmem:s9+$0xC0] =	vst v4;
	v4 =	vsub.f32 v12, v7  }
0x133: {  	v5 =	vadd.f32 v11, v5;
	v12 =	vld [tilespmem:s9+$0x490];
	v3 =	vadd.f32 v9, v3;
	v9 =	vmul.f32 v11, v11  }
0x134: {  	v11 =	vld [tilespmem:s9+$0x8490];
	v13 =	vsub.f32 v13, v6;
	v7 =	vadd.f32 v4, v7  }
0x135: {  	[tilespmem:s9+$0xD0] =	vst v5;
	v5 =	vld [tilespmem:s9+$0x84A0];
	v4 =	vmul.f32 v4, v4;
	v3 =	vadd.f32 v9, v3  }
0x136: {  	v15 =	vld [tilespmem:s9+$0x4B0];
	v6 =	vadd.f32 v13, v6;
	[tilespmem:s9+$0xE0] =	vst v7;
	v7 =	vsub.f32 v8, v10  }
0x137: {  	v9 =	vld [tilespmem:s9+$0x4C0];
	v8 =	vmul.f32 v13, v13;
	v3 =	vadd.f32 v4, v3  }
0x138: {  	v4 =	vld [tilespmem:s9+$0x84B0];
	[tilespmem:s9+$0xF0] =	vst v6;
	v6 =	vadd.f32 v7, v10  }
0x139: {  	v13 =	vld [tilespmem:s9+$0x4E0];
	v10 =	vsub.f32 v12, v11;
	v7 =	vmul.f32 v7, v7;
	v3 =	vadd.f32 v8, v3  }
0x13a: {  	v8 =	vld [tilespmem:s9+$0x84C0];
	v12 =	vsub.f32 v14, v5  }
0x13b: {  	[tilespmem:s9+$0x480] =	vst v6;
	v6 =	vadd.f32 v10, v11;
	v11 =	vld [tilespmem:s9+$0x4D0];
	v14 =	vmul.f32 v10, v10;
	v63 =	vadd.f32 v7, v3  }
0x13c: {  	v10 =	vld [tilespmem:s9+$0x84D0];
	v7 =	vadd.f32 v12, v5  }
0x13d: {  	s10 =	simm.s32 $0x80;
	s13 =	simm.s32 $0x100;
	v5 =	vmul.f32 v12, v12;
	v12 =	vld [tilespmem:s9+$0x84E0];
	v3 =	vsub.f32 v15, v4;
	[tilespmem:s9+$0x490] =	vst v6;
	v6 =	vadd.f32 v14, v63  }
.LBB2_4:
0x13e: {  	s11 =	smov.u32 s13  }
0x13f: {  	s12 =	sand.u32 $0x7800, s13;
	s14 =	sand.u32 $0x380, s10;
	v14 =	vmul.f32 v3, v3;
	v9 =	vsub.f32 v9, v8;
	v15 =	vld [tilespmem:s9+$0x4F0];
	s11 =	sadd.s32 $0x100, s13  }
0x140: {  	p0 =	sne.s32 s13, $0x7F00;
	s12 =	sor.u32 s14, s12;
	v5 =	vadd.f32 v5, v6;
	v6 =	vld [tilespmem:s9+$0x84F0]  }
0x141: {  	v8 =	vadd.f32 v9, v8;
	v9 =	vmul.f32 v9, v9;
	v11 =	vsub.f32 v11, v10;
	v16 =	vld [tilespmem:s12+$0x80]  }
0x142: {  	v5 =	vadd.f32 v14, v5;
	v17 =	vld [tilespmem:s12+$0x8080]  }
0x143: {  	v14 =	vld [tilespmem:s12+$0x90];
	[tilespmem:s9+$0x4C0] =	vst v8;
	v8 =	vadd.f32 v11, v10;
	v10 =	vmul.f32 v11, v11;
	v11 =	vsub.f32 v13, v12  }
0x144: {  	v5 =	vadd.f32 v9, v5;
	v13 =	vld [tilespmem:s12+$0x8090]  }
0x145: {  	v9 =	vld [tilespmem:s12+$0xA0];
	[tilespmem:s9+$0x4D0] =	vst v8;
	v8 =	vadd.f32 v11, v12;
	v11 =	vmul.f32 v11, v11;
	v12 =	vsub.f32 v15, v6  }
0x146: {  	v5 =	vadd.f32 v10, v5;
	v15 =	vld [tilespmem:s12+$0x80A0]  }
0x147: {  	v10 =	vsub.f32 v16, v17;
	v16 =	vld [tilespmem:s12+$0xB0];
	[tilespmem:s9+$0x4E0] =	vst v8;
	v6 =	vadd.f32 v12, v6;
	v8 =	vmul.f32 v12, v12  }
0x148: {  	v5 =	vadd.f32 v11, v5;
	v12 =	vld [tilespmem:s12+$0x80B0]  }
0x149: {  	v11 =	vadd.f32 v10, v17;
	v10 =	vmul.f32 v10, v10;
	v14 =	vsub.f32 v14, v13;
	v17 =	vld [tilespmem:s12+$0xC0];
	[tilespmem:s9+$0x4F0] =	vst v6  }
0x14a: {  	v5 =	vadd.f32 v8, v5;
	v6 =	vld [tilespmem:s12+$0x80C0]  }
0x14b: {  	[tilespmem:s12+$0x80] =	vst v11;
	v8 =	vadd.f32 v14, v13;
	v11 =	vmul.f32 v14, v14;
	v9 =	vsub.f32 v9, v15;
	v13 =	vld [tilespmem:s12+$0xD0]  }
0x14c: {  	v5 =	vadd.f32 v10, v5;
	v10 =	vld [tilespmem:s12+$0x80D0]  }
0x14d: {  	[tilespmem:s12+$0x90] =	vst v8;
	v8 =	vadd.f32 v9, v15;
	v9 =	vmul.f32 v9, v9;
	v14 =	vsub.f32 v16, v12;
	v15 =	vld [tilespmem:s12+$0xE0]  }
0x14e: {  	v5 =	vadd.f32 v11, v5;
	v11 =	vld [tilespmem:s12+$0x80E0]  }
0x14f: {  	[tilespmem:s12+$0xA0] =	vst v8;
	v8 =	vadd.f32 v14, v12;
	v12 =	vmul.f32 v14, v14;
	v14 =	vsub.f32 v17, v6;
	v16 =	vld [tilespmem:s12+$0xF0]  }
0x150: {  	v5 =	vadd.f32 v9, v5;
	v9 =	vld [tilespmem:s12+$0x80F0]  }
0x151: {  	[tilespmem:s12+$0xB0] =	vst v8;
	v6 =	vadd.f32 v14, v6;
	v8 =	vmul.f32 v14, v14;
	v14 =	vld [tilespmem:s12+$0x480]  }
0x152: {  	v5 =	vadd.f32 v12, v5;
	v12 =	vsub.f32 v13, v10;
	v13 =	vld [tilespmem:s12+$0x8480]  }
0x153: {  	v3 =	vadd.f32 v3, v4;
	[tilespmem:s12+$0xC0] =	vst v6;
	v6 =	vsub.f32 v15, v11;
	v15 =	vld [tilespmem:s12+$0x490]  }
0x154: {  	v4 =	vadd.f32 v8, v5;
	v5 =	vadd.f32 v12, v10;
	v8 =	vmul.f32 v12, v12;
	v10 =	vld [tilespmem:s12+$0x8490];
	[tilespmem:s9+$0x4A0] =	vst v7  }
0x155: {  	v7 =	vadd.f32 v6, v11;
	v6 =	vmul.f32 v6, v6;
	v11 =	vsub.f32 v16, v9;
	v12 =	vld [tilespmem:s12+$0x4A0];
	[tilespmem:s9+$0x4B0] =	vst v3;
	s9 =	smov.u32 s12  }
0x156: {  	v3 =	vadd.f32 v8, v4;
	[tilespmem:s9+$0xD0] =	vst v5;
	v5 =	vld [tilespmem:s9+$0x84A0]  }
0x157: {  	[tilespmem:s9+$0xE0] =	vst v7;
	v7 =	vadd.f32 v11, v9;
	v8 =	vmul.f32 v11, v11;
	v9 =	vsub.f32 v14, v13;
	v14 =	vld [tilespmem:s9+$0x4B0]  }
0x158: {  	v3 =	vadd.f32 v6, v3;
	v4 =	vld [tilespmem:s9+$0x84B0]  }
0x159: {  	[tilespmem:s9+$0xF0] =	vst v7;
	v6 =	vadd.f32 v9, v13;
	v7 =	vmul.f32 v9, v9;
	v11 =	vsub.f32 v15, v10;
	v9 =	vld [tilespmem:s9+$0x4C0]  }
.Ltmp1:
0x15a: {  	v3 =	vadd.f32 v8, v3;
	v8 =	vld [tilespmem:s9+$0x84C0];
	(pc) =	sbr.rel @p0 .LBB2_4-.Ltmp1, $4  }
0x15b: {  	[tilespmem:s9+$0x480] =	vst v6;
	v6 =	vadd.f32 v11, v10;
	v15 =	vmul.f32 v11, v11;
	v12 =	vsub.f32 v12, v5;
	v11 =	vld [tilespmem:s9+$0x4D0]  }
0x15c: {  	v16 =	vadd.f32 v7, v3;
	v10 =	vld [tilespmem:s9+$0x84D0]  }
0x15d: {  	[tilespmem:s9+$0x490] =	vst v6;
	v7 =	vadd.f32 v12, v5;
	v5 =	vmul.f32 v12, v12;
	v3 =	vsub.f32 v14, v4;
	v13 =	vld [tilespmem:s9+$0x4E0]  }
0x15e: {  	s10 =	sadd.s32 $0x80, s10;
	s13 =	smov.u32 s11;
	v6 =	vadd.f32 v15, v16;
	v12 =	vld [tilespmem:s9+$0x84E0]  }
0x15f: {  	v14 =	vld [tilespmem:s9+$0x4F0]  }
0x160: {  	v15 =	vld [tilespmem:s9+$0x84F0];
	_ =	sdelay $0x1  }
0x161: {  	v16 =	vsub.f32 v9, v8  }
0x162: {  	v4 =	vadd.f32 v3, v4;
	v11 =	vsub.f32 v11, v10  }
0x163: {  	[tilespmem:s9+$0x4A0] =	vst v7;
	v17 =	vadd.f32 v16, v8;
	v9 =	vsub.f32 v13, v12  }
0x164: {  	[tilespmem:s9+$0x4B0] =	vst v4;
	v10 =	vadd.f32 v11, v10;
	v8 =	vsub.f32 v14, v15  }
0x165: {  	[tilespmem:s9+$0x4C0] =	vst v17;
	v12 =	vadd.f32 v9, v12  }
0x166: {  	[tilespmem:s9+$0x4D0] =	vst v10;
	v10 =	vadd.f32 v8, v15  }
0x167: {  	[tilespmem:s9+$0x4E0] =	vst v12  }
0x168: {  	s11 =	simm.s32 $0x0;
	s10 =	rddreg [dreg:$0xa];
	[tilespmem:s9+$0x4F0] =	vst v10  }
0x169: {  	[hbm4b:s10+s11] =	stream.linear.scatter [tilespmem:s19], [sflag:$0x2], $0x8000, $0x38;
	[tilespmem:$0x10100] =	vst v63  }
0x16a: {  	_ =	swait.ge [sflag:s18], $0x8000  }
0x16b: {  	[sflag:s18] =	ssyncset.done $0x0  }
0x16c: {  	s12 =	rddreg [dreg:$0xb];
	[sflag:s18] =	ssyncadd.s32 $0xFFFF8000  }
0x16d: {  	[tilespmem:s11], [sflag:$0x2] =	stream.linear.gather [hbm4b:s12+s11], $0x80, $0x38;
	[tilespmem:$0x10100] =	vst v63  }
0x16e: {  	_ =	swait.ge [sflag:s18], $0x80  }
0x16f: {  	[sflag:s18] =	ssyncset.done $0x0  }
0x170: {  	[sflag:s18] =	ssyncadd.s32 $0xFFFFFF80  }
0x171: {  	v4 =	vld [tilespmem:$0x0];
	_ =	sdelay $0x4  }
0x172: {  	v7 =	vshll.u32 v4, $0x1  }
0x173: {  	v4 =	vand.u32 $0x7, v4;
	v7 =	vand.u32 $0xFFFFFFF0, v7  }
0x174: {  	v4 =	vor.u32 v4, v7  }
0x175: {  	v7 =	vperm.xlane v4, v0;
	_ =	sdelay $0x1  }
0x176: {  	v4 =	vperm.xlane v4, v2;
	v7 =	vadd.s32 v1, v7;
	_ =	sdelay $0x1  }
0x177: {  	v4 =	vadd.s32 v1, v4;
	_ =	sdelay $0x2  }
0x178: {  	[tilespmem:s19], [sflag:$0x1] =	stream.indirect_vreg.gather [hbm4b:s1+s11], $0x80, v7, vm0, $0xb8;
	[tilespmem:$0x10100] =	vst v63  }
0x179: {  	_ = 	snop  }
0x17a: {  	[tilespmem:s20], [sflag:$0x1] =	stream.indirect_vreg.gather [hbm4b:s1+s11], $0x80, v4, vm0, $0xb8;
	[tilespmem:$0x10100] =	vst v63  }
0x17b: {  	v4 =	vld [tilespmem:$0x10];
	_ =	sdelay $0x4  }
0x17c: {  	v7 =	vshll.u32 v4, $0x1  }
0x17d: {  	v4 =	vand.u32 $0x7, v4;
	v7 =	vand.u32 $0xFFFFFFF0, v7  }
0x17e: {  	v4 =	vor.u32 v4, v7  }
0x17f: {  	v7 =	vperm.xlane v4, v0;
	_ =	sdelay $0x1  }
0x180: {  	v4 =	vperm.xlane v4, v2;
	v7 =	vadd.s32 v1, v7;
	_ =	sdelay $0x1  }
0x181: {  	v4 =	vadd.s32 v1, v4;
	_ =	sdelay $0x2  }
0x182: {  	[tilespmem:s21], [sflag:$0x1] =	stream.indirect_vreg.gather [hbm4b:s1+s11], $0x80, v7, vm0, $0xb8;
	[tilespmem:$0x10100] =	vst v63  }
0x183: {  	_ = 	snop  }
0x184: {  	[tilespmem:s22], [sflag:$0x1] =	stream.indirect_vreg.gather [hbm4b:s1+s11], $0x80, v4, vm0, $0xb8;
	[tilespmem:$0x10100] =	vst v63  }
0x185: {  	v4 =	vld [tilespmem:$0x20];
	_ =	sdelay $0x4  }
0x186: {  	v7 =	vshll.u32 v4, $0x1  }
0x187: {  	v4 =	vand.u32 $0x7, v4;
	v7 =	vand.u32 $0xFFFFFFF0, v7  }
0x188: {  	v4 =	vor.u32 v4, v7  }
0x189: {  	v7 =	vperm.xlane v4, v0;
	_ =	sdelay $0x1  }
0x18a: {  	v4 =	vperm.xlane v4, v2;
	v7 =	vadd.s32 v1, v7;
	_ =	sdelay $0x1  }
0x18b: {  	v4 =	vadd.s32 v1, v4;
	_ =	sdelay $0x2  }
0x18c: {  	[tilespmem:s23], [sflag:$0x1] =	stream.indirect_vreg.gather [hbm4b:s1+s11], $0x80, v7, vm0, $0xb8;
	[tilespmem:$0x10100] =	vst v63  }
0x18d: {  	_ = 	snop  }
0x18e: {  	[tilespmem:s24], [sflag:$0x1] =	stream.indirect_vreg.gather [hbm4b:s1+s11], $0x80, v4, vm0, $0xb8;
	[tilespmem:$0x10100] =	vst v63  }
0x18f: {  	v4 =	vld [tilespmem:$0x30];
	_ =	sdelay $0x4  }
0x190: {  	v7 =	vshll.u32 v4, $0x1  }
0x191: {  	v4 =	vand.u32 $0x7, v4;
	v7 =	vand.u32 $0xFFFFFFF0, v7  }
0x192: {  	v4 =	vor.u32 v4, v7  }
0x193: {  	v7 =	vperm.xlane v4, v0;
	_ =	sdelay $0x1  }
0x194: {  	v4 =	vperm.xlane v4, v2;
	v7 =	vadd.s32 v1, v7;
	_ =	sdelay $0x1  }
0x195: {  	v4 =	vadd.s32 v1, v4;
	_ =	sdelay $0x2  }
0x196: {  	[tilespmem:s25], [sflag:$0x1] =	stream.indirect_vreg.gather [hbm4b:s1+s11], $0x80, v7, vm0, $0xb8;
	[tilespmem:$0x10100] =	vst v63  }
0x197: {  	_ = 	snop  }
0x198: {  	[tilespmem:s26], [sflag:$0x1] =	stream.indirect_vreg.gather [hbm4b:s1+s11], $0x80, v4, vm0, $0xb8;
	[tilespmem:$0x10100] =	vst v63  }
0x199: {  	v4 =	vld [tilespmem:$0x40];
	_ =	sdelay $0x4  }
0x19a: {  	v7 =	vshll.u32 v4, $0x1  }
0x19b: {  	v4 =	vand.u32 $0x7, v4;
	v7 =	vand.u32 $0xFFFFFFF0, v7  }
0x19c: {  	v4 =	vor.u32 v4, v7  }
0x19d: {  	v7 =	vperm.xlane v4, v0;
	_ =	sdelay $0x1  }
0x19e: {  	v4 =	vperm.xlane v4, v2;
	v7 =	vadd.s32 v1, v7;
	_ =	sdelay $0x1  }
0x19f: {  	v4 =	vadd.s32 v1, v4;
	_ =	sdelay $0x2  }
0x1a0: {  	[tilespmem:s28], [sflag:$0x1] =	stream.indirect_vreg.gather [hbm4b:s1+s11], $0x80, v7, vm0, $0xb8;
	[tilespmem:$0x10100] =	vst v63  }
0x1a1: {  	_ = 	snop  }
0x1a2: {  	[tilespmem:s29], [sflag:$0x1] =	stream.indirect_vreg.gather [hbm4b:s1+s11], $0x80, v4, vm0, $0xb8;
	[tilespmem:$0x10100] =	vst v63  }
0x1a3: {  	v4 =	vld [tilespmem:$0x50];
	_ =	sdelay $0x4  }
0x1a4: {  	v7 =	vshll.u32 v4, $0x1  }
0x1a5: {  	v4 =	vand.u32 $0x7, v4;
	v7 =	vand.u32 $0xFFFFFFF0, v7  }
0x1a6: {  	v4 =	vor.u32 v4, v7  }
0x1a7: {  	v7 =	vperm.xlane v4, v0;
	_ =	sdelay $0x1  }
0x1a8: {  	v4 =	vperm.xlane v4, v2;
	v7 =	vadd.s32 v1, v7;
	_ =	sdelay $0x1  }
0x1a9: {  	v4 =	vadd.s32 v1, v4;
	_ =	sdelay $0x2  }
0x1aa: {  	[tilespmem:s30], [sflag:$0x1] =	stream.indirect_vreg.gather [hbm4b:s1+s11], $0x80, v7, vm0, $0xb8;
	[tilespmem:$0x10100] =	vst v63  }
0x1ab: {  	_ = 	snop  }
0x1ac: {  	[tilespmem:s31], [sflag:$0x1] =	stream.indirect_vreg.gather [hbm4b:s1+s11], $0x80, v4, vm0, $0xb8;
	[tilespmem:$0x10100] =	vst v63  }
0x1ad: {  	v4 =	vld [tilespmem:$0x60];
	_ =	sdelay $0x4  }
0x1ae: {  	v7 =	vshll.u32 v4, $0x1  }
0x1af: {  	v4 =	vand.u32 $0x7, v4;
	v7 =	vand.u32 $0xFFFFFFF0, v7  }
0x1b0: {  	v4 =	vor.u32 v4, v7  }
0x1b1: {  	v7 =	vperm.xlane v4, v0;
	_ =	sdelay $0x1  }
0x1b2: {  	v4 =	vperm.xlane v4, v2;
	v7 =	vadd.s32 v1, v7;
	_ =	sdelay $0x1  }
0x1b3: {  	v4 =	vadd.s32 v1, v4;
	_ =	sdelay $0x2  }
0x1b4: {  	[tilespmem:s2], [sflag:$0x1] =	stream.indirect_vreg.gather [hbm4b:s1+s11], $0x80, v7, vm0, $0xb8;
	[tilespmem:$0x10100] =	vst v63  }
0x1b5: {  	_ = 	snop  }
0x1b6: {  	[tilespmem:s0], [sflag:$0x1] =	stream.indirect_vreg.gather [hbm4b:s1+s11], $0x80, v4, vm0, $0xb8;
	[tilespmem:$0x10100] =	vst v63  }
0x1b7: {  	v4 =	vld [tilespmem:$0x70];
	_ =	sdelay $0x4  }
0x1b8: {  	v7 =	vshll.u32 v4, $0x1  }
0x1b9: {  	v4 =	vand.u32 $0x7, v4;
	v7 =	vand.u32 $0xFFFFFFF0, v7  }
0x1ba: {  	v4 =	vor.u32 v4, v7  }
0x1bb: {  	v7 =	vperm.xlane v4, v0;
	_ =	sdelay $0x1  }
0x1bc: {  	v4 =	vperm.xlane v4, v2;
	v7 =	vadd.s32 v1, v7;
	_ =	sdelay $0x1  }
0x1bd: {  	v4 =	vadd.s32 v1, v4;
	_ =	sdelay $0x2  }
0x1be: {  	[tilespmem:s4], [sflag:$0x1] =	stream.indirect_vreg.gather [hbm4b:s1+s11], $0x80, v7, vm0, $0xb8;
	[tilespmem:$0x10100] =	vst v63  }
0x1bf: {  	_ = 	snop  }
0x1c0: {  	[tilespmem:s5], [sflag:$0x1] =	stream.indirect_vreg.gather [hbm4b:s1+s11], $0x80, v4, vm0, $0xb8;
	[tilespmem:$0x10100] =	vst v63  }
0x1c1: {  	_ =	swait.ge [sflag:s6], $0x8000  }
0x1c2: {  	[sflag:s6] =	ssyncset.done $0x0  }
0x1c3: {  	s13 =	rddreg [dreg:$0xc];
	[sflag:s6] =	ssyncadd.s32 $0xFFFF8000  }
0x1c4: {  	[tilespmem:s7], [sflag:$0x2] =	stream.linear.gather [hbm4b:s13+s11], $0x8000, $0x38;
	[tilespmem:$0x10100] =	vst v63  }
0x1c5: {  	_ =	swait.ge [sflag:s18], $0x8000  }
0x1c6: {  	s14 =	sand.u32 $0x7800, s11;
	s9 =	sand.u32 $0x380, s11;
	[sflag:s18] =	ssyncset.done $0x0  }
0x1c7: {  	v3 =	vmul.f32 v3, v3;
	s9 =	sor.u32 s9, s14;
	v4 =	vadd.f32 v5, v6;
	[sflag:s18] =	ssyncadd.s32 $0xFFFF8000  }
0x1c8: {  	v5 =	vld [tilespmem:s9+$0x80]  }
0x1c9: {  	v6 =	vmul.f32 v16, v16;
	v3 =	vadd.f32 v3, v4;
	v4 =	vld [tilespmem:s9+$0x8080]  }
0x1ca: {  	v7 =	vld [tilespmem:s9+$0x90]  }
0x1cb: {  	v10 =	vmul.f32 v11, v11;
	v3 =	vadd.f32 v6, v3;
	v6 =	vld [tilespmem:s9+$0x8090]  }
0x1cc: {  	v11 =	vld [tilespmem:s9+$0xA0]  }
0x1cd: {  	v9 =	vmul.f32 v9, v9;
	v3 =	vadd.f32 v10, v3;
	v10 =	vld [tilespmem:s9+$0x80A0]  }
0x1ce: {  	v12 =	vld [tilespmem:s9+$0xB0];
	v5 =	vsub.f32 v5, v4  }
0x1cf: {  	v8 =	vmul.f32 v8, v8;
	v3 =	vadd.f32 v9, v3;
	v9 =	vld [tilespmem:s9+$0x80B0]  }
0x1d0: {  	v13 =	vld [tilespmem:s9+$0xC0];
	v7 =	vsub.f32 v7, v6;
	v4 =	vadd.f32 v5, v4  }
0x1d1: {  	v3 =	vadd.f32 v8, v3;
	v8 =	vld [tilespmem:s9+$0x80C0];
	v5 =	vmul.f32 v5, v5  }
0x1d2: {  	[tilespmem:s9+$0x80] =	vst v4;
	v4 =	vadd.f32 v7, v6;
	v6 =	vsub.f32 v11, v10;
	v11 =	vld [tilespmem:s9+$0xD0]  }
0x1d3: {  	v7 =	vmul.f32 v7, v7;
	v3 =	vadd.f32 v5, v3;
	v5 =	vld [tilespmem:s9+$0x80D0]  }
0x1d4: {  	[tilespmem:s9+$0x90] =	vst v4;
	v4 =	vadd.f32 v6, v10;
	v10 =	vsub.f32 v12, v9;
	v12 =	vld [tilespmem:s9+$0xE0]  }
0x1d5: {  	v6 =	vmul.f32 v6, v6;
	v3 =	vadd.f32 v7, v3;
	v7 =	vld [tilespmem:s9+$0x80E0]  }
0x1d6: {  	[tilespmem:s9+$0xA0] =	vst v4;
	v4 =	vadd.f32 v10, v9;
	v9 =	vsub.f32 v13, v8;
	v13 =	vld [tilespmem:s9+$0xF0]  }
0x1d7: {  	v10 =	vmul.f32 v10, v10;
	v3 =	vadd.f32 v6, v3;
	v6 =	vld [tilespmem:s9+$0x80F0]  }
0x1d8: {  	[tilespmem:s9+$0xB0] =	vst v4;
	v4 =	vadd.f32 v9, v8;
	v8 =	vld [tilespmem:s9+$0x480]  }
0x1d9: {  	v11 =	vsub.f32 v11, v5;
	v9 =	vmul.f32 v9, v9;
	v3 =	vadd.f32 v10, v3;
	v10 =	vld [tilespmem:s9+$0x8480]  }
0x1da: {  	v14 =	vld [tilespmem:s9+$0x4A0];
	[tilespmem:s9+$0xC0] =	vst v4;
	v4 =	vsub.f32 v12, v7  }
0x1db: {  	v5 =	vadd.f32 v11, v5;
	v12 =	vld [tilespmem:s9+$0x490];
	v3 =	vadd.f32 v9, v3;
	v9 =	vmul.f32 v11, v11  }
0x1dc: {  	v11 =	vld [tilespmem:s9+$0x8490];
	v13 =	vsub.f32 v13, v6;
	v7 =	vadd.f32 v4, v7  }
0x1dd: {  	[tilespmem:s9+$0xD0] =	vst v5;
	v5 =	vld [tilespmem:s9+$0x84A0];
	v4 =	vmul.f32 v4, v4;
	v3 =	vadd.f32 v9, v3  }
0x1de: {  	v15 =	vld [tilespmem:s9+$0x4B0];
	v6 =	vadd.f32 v13, v6;
	[tilespmem:s9+$0xE0] =	vst v7;
	v7 =	vsub.f32 v8, v10  }
0x1df: {  	v9 =	vld [tilespmem:s9+$0x4C0];
	v8 =	vmul.f32 v13, v13;
	v3 =	vadd.f32 v4, v3  }
0x1e0: {  	v4 =	vld [tilespmem:s9+$0x84B0];
	[tilespmem:s9+$0xF0] =	vst v6;
	v6 =	vadd.f32 v7, v10  }
0x1e1: {  	v13 =	vld [tilespmem:s9+$0x4E0];
	v10 =	vsub.f32 v12, v11;
	v7 =	vmul.f32 v7, v7;
	v3 =	vadd.f32 v8, v3  }
0x1e2: {  	v8 =	vld [tilespmem:s9+$0x84C0];
	v12 =	vsub.f32 v14, v5  }
0x1e3: {  	[tilespmem:s9+$0x480] =	vst v6;
	v6 =	vadd.f32 v10, v11;
	v11 =	vld [tilespmem:s9+$0x4D0];
	v14 =	vmul.f32 v10, v10;
	v63 =	vadd.f32 v7, v3  }
0x1e4: {  	v10 =	vld [tilespmem:s9+$0x84D0];
	v7 =	vadd.f32 v12, v5  }
0x1e5: {  	s10 =	simm.s32 $0x80;
	s13 =	simm.s32 $0x100;
	v5 =	vmul.f32 v12, v12;
	v12 =	vld [tilespmem:s9+$0x84E0];
	v3 =	vsub.f32 v15, v4;
	[tilespmem:s9+$0x490] =	vst v6;
	v6 =	vadd.f32 v14, v63  }
.LBB2_6:
0x1e6: {  	s11 =	smov.u32 s13  }
0x1e7: {  	s12 =	sand.u32 $0x7800, s13;
	s14 =	sand.u32 $0x380, s10;
	v14 =	vmul.f32 v3, v3;
	v9 =	vsub.f32 v9, v8;
	v15 =	vld [tilespmem:s9+$0x4F0];
	s11 =	sadd.s32 $0x100, s13  }
0x1e8: {  	p0 =	sne.s32 s13, $0x7F00;
	s12 =	sor.u32 s14, s12;
	v5 =	vadd.f32 v5, v6;
	v6 =	vld [tilespmem:s9+$0x84F0]  }
0x1e9: {  	v8 =	vadd.f32 v9, v8;
	v9 =	vmul.f32 v9, v9;
	v11 =	vsub.f32 v11, v10;
	v16 =	vld [tilespmem:s12+$0x80]  }
0x1ea: {  	v5 =	vadd.f32 v14, v5;
	v17 =	vld [tilespmem:s12+$0x8080]  }
0x1eb: {  	v14 =	vld [tilespmem:s12+$0x90];
	[tilespmem:s9+$0x4C0] =	vst v8;
	v8 =	vadd.f32 v11, v10;
	v10 =	vmul.f32 v11, v11;
	v11 =	vsub.f32 v13, v12  }
0x1ec: {  	v5 =	vadd.f32 v9, v5;
	v13 =	vld [tilespmem:s12+$0x8090]  }
0x1ed: {  	v9 =	vld [tilespmem:s12+$0xA0];
	[tilespmem:s9+$0x4D0] =	vst v8;
	v8 =	vadd.f32 v11, v12;
	v11 =	vmul.f32 v11, v11;
	v12 =	vsub.f32 v15, v6  }
0x1ee: {  	v5 =	vadd.f32 v10, v5;
	v15 =	vld [tilespmem:s12+$0x80A0]  }
0x1ef: {  	v10 =	vsub.f32 v16, v17;
	v16 =	vld [tilespmem:s12+$0xB0];
	[tilespmem:s9+$0x4E0] =	vst v8;
	v6 =	vadd.f32 v12, v6;
	v8 =	vmul.f32 v12, v12  }
0x1f0: {  	v5 =	vadd.f32 v11, v5;
	v12 =	vld [tilespmem:s12+$0x80B0]  }
0x1f1: {  	v11 =	vadd.f32 v10, v17;
	v10 =	vmul.f32 v10, v10;
	v14 =	vsub.f32 v14, v13;
	v17 =	vld [tilespmem:s12+$0xC0];
	[tilespmem:s9+$0x4F0] =	vst v6  }
0x1f2: {  	v5 =	vadd.f32 v8, v5;
	v6 =	vld [tilespmem:s12+$0x80C0]  }
0x1f3: {  	[tilespmem:s12+$0x80] =	vst v11;
	v8 =	vadd.f32 v14, v13;
	v11 =	vmul.f32 v14, v14;
	v9 =	vsub.f32 v9, v15;
	v13 =	vld [tilespmem:s12+$0xD0]  }
0x1f4: {  	v5 =	vadd.f32 v10, v5;
	v10 =	vld [tilespmem:s12+$0x80D0]  }
0x1f5: {  	[tilespmem:s12+$0x90] =	vst v8;
	v8 =	vadd.f32 v9, v15;
	v9 =	vmul.f32 v9, v9;
	v14 =	vsub.f32 v16, v12;
	v15 =	vld [tilespmem:s12+$0xE0]  }
0x1f6: {  	v5 =	vadd.f32 v11, v5;
	v11 =	vld [tilespmem:s12+$0x80E0]  }
0x1f7: {  	[tilespmem:s12+$0xA0] =	vst v8;
	v8 =	vadd.f32 v14, v12;
	v12 =	vmul.f32 v14, v14;
	v14 =	vsub.f32 v17, v6;
	v16 =	vld [tilespmem:s12+$0xF0]  }
0x1f8: {  	v5 =	vadd.f32 v9, v5;
	v9 =	vld [tilespmem:s12+$0x80F0]  }
0x1f9: {  	[tilespmem:s12+$0xB0] =	vst v8;
	v6 =	vadd.f32 v14, v6;
	v8 =	vmul.f32 v14, v14;
	v14 =	vld [tilespmem:s12+$0x480]  }
0x1fa: {  	v5 =	vadd.f32 v12, v5;
	v12 =	vsub.f32 v13, v10;
	v13 =	vld [tilespmem:s12+$0x8480]  }
0x1fb: {  	v3 =	vadd.f32 v3, v4;
	[tilespmem:s12+$0xC0] =	vst v6;
	v6 =	vsub.f32 v15, v11;
	v15 =	vld [tilespmem:s12+$0x490]  }
0x1fc: {  	v4 =	vadd.f32 v8, v5;
	v5 =	vadd.f32 v12, v10;
	v8 =	vmul.f32 v12, v12;
	v10 =	vld [tilespmem:s12+$0x8490];
	[tilespmem:s9+$0x4A0] =	vst v7  }
0x1fd: {  	v7 =	vadd.f32 v6, v11;
	v6 =	vmul.f32 v6, v6;
	v11 =	vsub.f32 v16, v9;
	v12 =	vld [tilespmem:s12+$0x4A0];
	[tilespmem:s9+$0x4B0] =	vst v3;
	s9 =	smov.u32 s12  }
0x1fe: {  	v3 =	vadd.f32 v8, v4;
	[tilespmem:s9+$0xD0] =	vst v5;
	v5 =	vld [tilespmem:s9+$0x84A0]  }
0x1ff: {  	[tilespmem:s9+$0xE0] =	vst v7;
	v7 =	vadd.f32 v11, v9;
	v8 =	vmul.f32 v11, v11;
	v9 =	vsub.f32 v14, v13;
	v14 =	vld [tilespmem:s9+$0x4B0]  }
0x200: {  	v3 =	vadd.f32 v6, v3;
	v4 =	vld [tilespmem:s9+$0x84B0]  }
0x201: {  	[tilespmem:s9+$0xF0] =	vst v7;
	v6 =	vadd.f32 v9, v13;
	v7 =	vmul.f32 v9, v9;
	v11 =	vsub.f32 v15, v10;
	v9 =	vld [tilespmem:s9+$0x4C0]  }
.Ltmp2:
0x202: {  	v3 =	vadd.f32 v8, v3;
	v8 =	vld [tilespmem:s9+$0x84C0];
	(pc) =	sbr.rel @p0 .LBB2_6-.Ltmp2, $4  }
0x203: {  	[tilespmem:s9+$0x480] =	vst v6;
	v6 =	vadd.f32 v11, v10;
	v15 =	vmul.f32 v11, v11;
	v12 =	vsub.f32 v12, v5;
	v11 =	vld [tilespmem:s9+$0x4D0]  }
0x204: {  	v16 =	vadd.f32 v7, v3;
	v10 =	vld [tilespmem:s9+$0x84D0]  }
0x205: {  	[tilespmem:s9+$0x490] =	vst v6;
	v7 =	vadd.f32 v12, v5;
	v5 =	vmul.f32 v12, v12;
	v3 =	vsub.f32 v14, v4;
	v13 =	vld [tilespmem:s9+$0x4E0]  }
0x206: {  	s10 =	sadd.s32 $0x80, s10;
	s13 =	smov.u32 s11;
	v6 =	vadd.f32 v15, v16;
	v12 =	vld [tilespmem:s9+$0x84E0]  }
0x207: {  	v14 =	vld [tilespmem:s9+$0x4F0]  }
0x208: {  	v15 =	vld [tilespmem:s9+$0x84F0];
	_ =	sdelay $0x1  }
0x209: {  	v16 =	vsub.f32 v9, v8  }
0x20a: {  	v4 =	vadd.f32 v3, v4;
	v11 =	vsub.f32 v11, v10  }
0x20b: {  	[tilespmem:s9+$0x4A0] =	vst v7;
	v17 =	vadd.f32 v16, v8;
	v9 =	vsub.f32 v13, v12  }
0x20c: {  	[tilespmem:s9+$0x4B0] =	vst v4;
	v10 =	vadd.f32 v11, v10;
	v8 =	vsub.f32 v14, v15  }
0x20d: {  	[tilespmem:s9+$0x4C0] =	vst v17;
	v12 =	vadd.f32 v9, v12  }
0x20e: {  	[tilespmem:s9+$0x4D0] =	vst v10;
	v10 =	vadd.f32 v8, v15  }
0x20f: {  	[tilespmem:s9+$0x4E0] =	vst v12  }
0x210: {  	s11 =	simm.s32 $0x0;
	s10 =	rddreg [dreg:$0xd];
	[tilespmem:s9+$0x4F0] =	vst v10  }
0x211: {  	[hbm4b:s10+s11] =	stream.linear.scatter [tilespmem:s19], [sflag:$0x2], $0x8000, $0x38;
	[tilespmem:$0x10100] =	vst v63  }
0x212: {  	_ =	swait.ge [sflag:s18], $0x8000  }
0x213: {  	[sflag:s18] =	ssyncset.done $0x0  }
0x214: {  	s12 =	rddreg [dreg:$0xe];
	[sflag:s18] =	ssyncadd.s32 $0xFFFF8000  }
0x215: {  	[tilespmem:s11], [sflag:$0x2] =	stream.linear.gather [hbm4b:s12+s11], $0x80, $0x38;
	[tilespmem:$0x10100] =	vst v63  }
0x216: {  	_ =	swait.ge [sflag:s18], $0x80  }
0x217: {  	[sflag:s18] =	ssyncset.done $0x0  }
0x218: {  	[sflag:s18] =	ssyncadd.s32 $0xFFFFFF80  }
0x219: {  	v4 =	vld [tilespmem:$0x0];
	_ =	sdelay $0x4  }
0x21a: {  	v7 =	vshll.u32 v4, $0x1  }
0x21b: {  	v4 =	vand.u32 $0x7, v4;
	v7 =	vand.u32 $0xFFFFFFF0, v7  }
0x21c: {  	v4 =	vor.u32 v4, v7  }
0x21d: {  	v7 =	vperm.xlane v4, v0;
	_ =	sdelay $0x1  }
0x21e: {  	v4 =	vperm.xlane v4, v2;
	v7 =	vadd.s32 v1, v7;
	_ =	sdelay $0x1  }
0x21f: {  	v4 =	vadd.s32 v1, v4;
	_ =	sdelay $0x2  }
0x220: {  	[tilespmem:s19], [sflag:$0x1] =	stream.indirect_vreg.gather [hbm4b:s1+s11], $0x80, v7, vm0, $0xb8;
	[tilespmem:$0x10100] =	vst v63  }
0x221: {  	_ = 	snop  }
0x222: {  	[tilespmem:s20], [sflag:$0x1] =	stream.indirect_vreg.gather [hbm4b:s1+s11], $0x80, v4, vm0, $0xb8;
	[tilespmem:$0x10100] =	vst v63  }
0x223: {  	v4 =	vld [tilespmem:$0x10];
	_ =	sdelay $0x4  }
0x224: {  	v7 =	vshll.u32 v4, $0x1  }
0x225: {  	v4 =	vand.u32 $0x7, v4;
	v7 =	vand.u32 $0xFFFFFFF0, v7  }
0x226: {  	v4 =	vor.u32 v4, v7  }
0x227: {  	v7 =	vperm.xlane v4, v0;
	_ =	sdelay $0x1  }
0x228: {  	v4 =	vperm.xlane v4, v2;
	v7 =	vadd.s32 v1, v7;
	_ =	sdelay $0x1  }
0x229: {  	v4 =	vadd.s32 v1, v4;
	_ =	sdelay $0x2  }
0x22a: {  	[tilespmem:s21], [sflag:$0x1] =	stream.indirect_vreg.gather [hbm4b:s1+s11], $0x80, v7, vm0, $0xb8;
	[tilespmem:$0x10100] =	vst v63  }
0x22b: {  	_ = 	snop  }
0x22c: {  	[tilespmem:s22], [sflag:$0x1] =	stream.indirect_vreg.gather [hbm4b:s1+s11], $0x80, v4, vm0, $0xb8;
	[tilespmem:$0x10100] =	vst v63  }
0x22d: {  	v4 =	vld [tilespmem:$0x20];
	_ =	sdelay $0x4  }
0x22e: {  	v7 =	vshll.u32 v4, $0x1  }
0x22f: {  	v4 =	vand.u32 $0x7, v4;
	v7 =	vand.u32 $0xFFFFFFF0, v7  }
0x230: {  	v4 =	vor.u32 v4, v7  }
0x231: {  	v7 =	vperm.xlane v4, v0;
	_ =	sdelay $0x1  }
0x232: {  	v4 =	vperm.xlane v4, v2;
	v7 =	vadd.s32 v1, v7;
	_ =	sdelay $0x1  }
0x233: {  	v4 =	vadd.s32 v1, v4;
	_ =	sdelay $0x2  }
0x234: {  	[tilespmem:s23], [sflag:$0x1] =	stream.indirect_vreg.gather [hbm4b:s1+s11], $0x80, v7, vm0, $0xb8;
	[tilespmem:$0x10100] =	vst v63  }
0x235: {  	_ = 	snop  }
0x236: {  	[tilespmem:s24], [sflag:$0x1] =	stream.indirect_vreg.gather [hbm4b:s1+s11], $0x80, v4, vm0, $0xb8;
	[tilespmem:$0x10100] =	vst v63  }
0x237: {  	v4 =	vld [tilespmem:$0x30];
	_ =	sdelay $0x4  }
0x238: {  	v7 =	vshll.u32 v4, $0x1  }
0x239: {  	v4 =	vand.u32 $0x7, v4;
	v7 =	vand.u32 $0xFFFFFFF0, v7  }
0x23a: {  	v4 =	vor.u32 v4, v7  }
0x23b: {  	v7 =	vperm.xlane v4, v0;
	_ =	sdelay $0x1  }
0x23c: {  	v4 =	vperm.xlane v4, v2;
	v7 =	vadd.s32 v1, v7;
	_ =	sdelay $0x1  }
0x23d: {  	v4 =	vadd.s32 v1, v4;
	_ =	sdelay $0x2  }
0x23e: {  	[tilespmem:s25], [sflag:$0x1] =	stream.indirect_vreg.gather [hbm4b:s1+s11], $0x80, v7, vm0, $0xb8;
	[tilespmem:$0x10100] =	vst v63  }
0x23f: {  	_ = 	snop  }
0x240: {  	[tilespmem:s26], [sflag:$0x1] =	stream.indirect_vreg.gather [hbm4b:s1+s11], $0x80, v4, vm0, $0xb8;
	[tilespmem:$0x10100] =	vst v63  }
0x241: {  	v4 =	vld [tilespmem:$0x40];
	_ =	sdelay $0x4  }
0x242: {  	v7 =	vshll.u32 v4, $0x1  }
0x243: {  	v4 =	vand.u32 $0x7, v4;
	v7 =	vand.u32 $0xFFFFFFF0, v7  }
0x244: {  	v4 =	vor.u32 v4, v7  }
0x245: {  	v7 =	vperm.xlane v4, v0;
	_ =	sdelay $0x1  }
0x246: {  	v4 =	vperm.xlane v4, v2;
	v7 =	vadd.s32 v1, v7;
	_ =	sdelay $0x1  }
0x247: {  	v4 =	vadd.s32 v1, v4;
	_ =	sdelay $0x2  }
0x248: {  	[tilespmem:s28], [sflag:$0x1] =	stream.indirect_vreg.gather [hbm4b:s1+s11], $0x80, v7, vm0, $0xb8;
	[tilespmem:$0x10100] =	vst v63  }
0x249: {  	_ = 	snop  }
0x24a: {  	[tilespmem:s29], [sflag:$0x1] =	stream.indirect_vreg.gather [hbm4b:s1+s11], $0x80, v4, vm0, $0xb8;
	[tilespmem:$0x10100] =	vst v63  }
0x24b: {  	v4 =	vld [tilespmem:$0x50];
	_ =	sdelay $0x4  }
0x24c: {  	v7 =	vshll.u32 v4, $0x1  }
0x24d: {  	v4 =	vand.u32 $0x7, v4;
	v7 =	vand.u32 $0xFFFFFFF0, v7  }
0x24e: {  	v4 =	vor.u32 v4, v7  }
0x24f: {  	v7 =	vperm.xlane v4, v0;
	_ =	sdelay $0x1  }
0x250: {  	v4 =	vperm.xlane v4, v2;
	v7 =	vadd.s32 v1, v7;
	_ =	sdelay $0x1  }
0x251: {  	v4 =	vadd.s32 v1, v4;
	_ =	sdelay $0x2  }
0x252: {  	[tilespmem:s30], [sflag:$0x1] =	stream.indirect_vreg.gather [hbm4b:s1+s11], $0x80, v7, vm0, $0xb8;
	[tilespmem:$0x10100] =	vst v63  }
0x253: {  	_ = 	snop  }
0x254: {  	[tilespmem:s31], [sflag:$0x1] =	stream.indirect_vreg.gather [hbm4b:s1+s11], $0x80, v4, vm0, $0xb8;
	[tilespmem:$0x10100] =	vst v63  }
0x255: {  	v4 =	vld [tilespmem:$0x60];
	_ =	sdelay $0x4  }
0x256: {  	v7 =	vshll.u32 v4, $0x1  }
0x257: {  	v4 =	vand.u32 $0x7, v4;
	v7 =	vand.u32 $0xFFFFFFF0, v7  }
0x258: {  	v4 =	vor.u32 v4, v7  }
0x259: {  	v7 =	vperm.xlane v4, v0;
	_ =	sdelay $0x1  }
0x25a: {  	v4 =	vperm.xlane v4, v2;
	v7 =	vadd.s32 v1, v7;
	_ =	sdelay $0x1  }
0x25b: {  	v4 =	vadd.s32 v1, v4;
	_ =	sdelay $0x2  }
0x25c: {  	[tilespmem:s2], [sflag:$0x1] =	stream.indirect_vreg.gather [hbm4b:s1+s11], $0x80, v7, vm0, $0xb8;
	[tilespmem:$0x10100] =	vst v63  }
0x25d: {  	_ = 	snop  }
0x25e: {  	[tilespmem:s0], [sflag:$0x1] =	stream.indirect_vreg.gather [hbm4b:s1+s11], $0x80, v4, vm0, $0xb8;
	[tilespmem:$0x10100] =	vst v63  }
0x25f: {  	v4 =	vld [tilespmem:$0x70];
	_ =	sdelay $0x4  }
0x260: {  	v7 =	vshll.u32 v4, $0x1  }
0x261: {  	v4 =	vand.u32 $0x7, v4;
	v7 =	vand.u32 $0xFFFFFFF0, v7  }
0x262: {  	v4 =	vor.u32 v4, v7  }
0x263: {  	v7 =	vperm.xlane v4, v0;
	_ =	sdelay $0x1  }
0x264: {  	v4 =	vperm.xlane v4, v2;
	v7 =	vadd.s32 v1, v7;
	_ =	sdelay $0x1  }
0x265: {  	v4 =	vadd.s32 v1, v4;
	_ =	sdelay $0x2  }
0x266: {  	[tilespmem:s4], [sflag:$0x1] =	stream.indirect_vreg.gather [hbm4b:s1+s11], $0x80, v7, vm0, $0xb8;
	[tilespmem:$0x10100] =	vst v63  }
0x267: {  	_ = 	snop  }
0x268: {  	[tilespmem:s5], [sflag:$0x1] =	stream.indirect_vreg.gather [hbm4b:s1+s11], $0x80, v4, vm0, $0xb8;
	[tilespmem:$0x10100] =	vst v63  }
0x269: {  	_ =	swait.ge [sflag:s6], $0x8000  }
0x26a: {  	[sflag:s6] =	ssyncset.done $0x0  }
0x26b: {  	s13 =	rddreg [dreg:$0xf];
	[sflag:s6] =	ssyncadd.s32 $0xFFFF8000  }
0x26c: {  	[tilespmem:s7], [sflag:$0x2] =	stream.linear.gather [hbm4b:s13+s11], $0x8000, $0x38;
	[tilespmem:$0x10100] =	vst v63  }
0x26d: {  	_ =	swait.ge [sflag:s18], $0x8000  }
0x26e: {  	s14 =	sand.u32 $0x7800, s11;
	s9 =	sand.u32 $0x380, s11;
	[sflag:s18] =	ssyncset.done $0x0  }
0x26f: {  	v3 =	vmul.f32 v3, v3;
	s9 =	sor.u32 s9, s14;
	v4 =	vadd.f32 v5, v6;
	[sflag:s18] =	ssyncadd.s32 $0xFFFF8000  }
0x270: {  	v5 =	vld [tilespmem:s9+$0x80]  }
0x271: {  	v6 =	vmul.f32 v16, v16;
	v3 =	vadd.f32 v3, v4;
	v4 =	vld [tilespmem:s9+$0x8080]  }
0x272: {  	v7 =	vld [tilespmem:s9+$0x90]  }
0x273: {  	v10 =	vmul.f32 v11, v11;
	v3 =	vadd.f32 v6, v3;
	v6 =	vld [tilespmem:s9+$0x8090]  }
0x274: {  	v11 =	vld [tilespmem:s9+$0xA0]  }
0x275: {  	v9 =	vmul.f32 v9, v9;
	v3 =	vadd.f32 v10, v3;
	v10 =	vld [tilespmem:s9+$0x80A0]  }
0x276: {  	v12 =	vld [tilespmem:s9+$0xB0];
	v5 =	vsub.f32 v5, v4  }
0x277: {  	v8 =	vmul.f32 v8, v8;
	v3 =	vadd.f32 v9, v3;
	v9 =	vld [tilespmem:s9+$0x80B0]  }
0x278: {  	v13 =	vld [tilespmem:s9+$0xC0];
	v7 =	vsub.f32 v7, v6;
	v4 =	vadd.f32 v5, v4  }
0x279: {  	v3 =	vadd.f32 v8, v3;
	v8 =	vld [tilespmem:s9+$0x80C0];
	v5 =	vmul.f32 v5, v5  }
0x27a: {  	[tilespmem:s9+$0x80] =	vst v4;
	v4 =	vadd.f32 v7, v6;
	v6 =	vsub.f32 v11, v10;
	v11 =	vld [tilespmem:s9+$0xD0]  }
0x27b: {  	v7 =	vmul.f32 v7, v7;
	v3 =	vadd.f32 v5, v3;
	v5 =	vld [tilespmem:s9+$0x80D0]  }
0x27c: {  	[tilespmem:s9+$0x90] =	vst v4;
	v4 =	vadd.f32 v6, v10;
	v10 =	vsub.f32 v12, v9;
	v12 =	vld [tilespmem:s9+$0xE0]  }
0x27d: {  	v6 =	vmul.f32 v6, v6;
	v3 =	vadd.f32 v7, v3;
	v7 =	vld [tilespmem:s9+$0x80E0]  }
0x27e: {  	[tilespmem:s9+$0xA0] =	vst v4;
	v4 =	vadd.f32 v10, v9;
	v9 =	vsub.f32 v13, v8;
	v13 =	vld [tilespmem:s9+$0xF0]  }
0x27f: {  	v10 =	vmul.f32 v10, v10;
	v3 =	vadd.f32 v6, v3;
	v6 =	vld [tilespmem:s9+$0x80F0]  }
0x280: {  	[tilespmem:s9+$0xB0] =	vst v4;
	v4 =	vadd.f32 v9, v8;
	v8 =	vld [tilespmem:s9+$0x480]  }
0x281: {  	v11 =	vsub.f32 v11, v5;
	v9 =	vmul.f32 v9, v9;
	v3 =	vadd.f32 v10, v3;
	v10 =	vld [tilespmem:s9+$0x8480]  }
0x282: {  	[tilespmem:s9+$0xC0] =	vst v4;
	v4 =	vsub.f32 v12, v7;
	v12 =	vld [tilespmem:s9+$0x490]  }
0x283: {  	v5 =	vadd.f32 v11, v5;
	v3 =	vadd.f32 v9, v3;
	v9 =	vmul.f32 v11, v11;
	v11 =	vld [tilespmem:s9+$0x8490]  }
0x284: {  	v14 =	vld [tilespmem:s9+$0x4A0];
	v7 =	vadd.f32 v4, v7  }
0x285: {  	v13 =	vsub.f32 v13, v6;
	[tilespmem:s9+$0xD0] =	vst v5;
	v5 =	vld [tilespmem:s9+$0x84A0];
	v4 =	vmul.f32 v4, v4;
	v3 =	vadd.f32 v9, v3  }
0x286: {  	v9 =	vld [tilespmem:s9+$0x4C0];
	[tilespmem:s9+$0xE0] =	vst v7;
	v7 =	vsub.f32 v8, v10  }
0x287: {  	v6 =	vadd.f32 v13, v6;
	v13 =	vmul.f32 v13, v13;
	v8 =	vld [tilespmem:s9+$0x4B0];
	v4 =	vadd.f32 v4, v3  }
0x288: {  	v3 =	vld [tilespmem:s9+$0x84B0];
	v12 =	vsub.f32 v12, v11;
	v10 =	vadd.f32 v7, v10  }
0x289: {  	[tilespmem:s9+$0xF0] =	vst v6;
	v6 =	vld [tilespmem:s9+$0x84C0];
	v7 =	vmul.f32 v7, v7;
	v4 =	vadd.f32 v13, v4  }
0x28a: {  	v13 =	vsub.f32 v14, v5;
	v11 =	vadd.f32 v12, v11;
	[tilespmem:s9+$0x480] =	vst v10;
	v10 =	vld [tilespmem:s9+$0x4D0]  }
0x28b: {  	v14 =	vmul.f32 v12, v12;
	v15 =	vadd.f32 v7, v4;
	v7 =	vld [tilespmem:s9+$0x84D0]  }
0x28c: {  	v4 =	vadd.f32 v13, v5;
	[tilespmem:s9+$0x490] =	vst v11;
	v11 =	vld [tilespmem:s9+$0x4E0]  }
0x28d: {  	s10 =	simm.s32 $0x80;
	s13 =	simm.s32 $0x100;
	v12 =	vmul.f32 v13, v13;
	v5 =	vsub.f32 v8, v3;
	v8 =	vld [tilespmem:s9+$0x84E0];
	v13 =	vadd.f32 v14, v15  }
.LBB2_8:
0x28e: {  	s11 =	smov.u32 s13  }
0x28f: {  	s12 =	sand.u32 $0x7800, s13;
	s14 =	sand.u32 $0x380, s10;
	v14 =	vmul.f32 v5, v5;
	v9 =	vsub.f32 v9, v6;
	v15 =	vld [tilespmem:s9+$0x4F0];
	s11 =	sadd.s32 $0x100, s13  }
0x290: {  	p0 =	sne.s32 s13, $0x7F00;
	s12 =	sor.u32 s14, s12;
	v12 =	vadd.f32 v12, v13;
	v13 =	vld [tilespmem:s9+$0x84F0]  }
0x291: {  	v6 =	vadd.f32 v9, v6;
	v9 =	vmul.f32 v9, v9;
	v10 =	vsub.f32 v10, v7;
	v16 =	vld [tilespmem:s12+$0x80]  }
0x292: {  	v12 =	vadd.f32 v14, v12;
	v17 =	vld [tilespmem:s12+$0x8080]  }
0x293: {  	v14 =	vld [tilespmem:s12+$0x90];
	[tilespmem:s9+$0x4C0] =	vst v6;
	v6 =	vadd.f32 v10, v7;
	v7 =	vmul.f32 v10, v10;
	v10 =	vsub.f32 v11, v8  }
0x294: {  	v9 =	vadd.f32 v9, v12;
	v11 =	vld [tilespmem:s12+$0x8090]  }
0x295: {  	v12 =	vld [tilespmem:s12+$0xA0];
	[tilespmem:s9+$0x4D0] =	vst v6;
	v6 =	vadd.f32 v10, v8;
	v8 =	vmul.f32 v10, v10;
	v10 =	vsub.f32 v15, v13  }
0x296: {  	v7 =	vadd.f32 v7, v9;
	v15 =	vld [tilespmem:s12+$0x80A0]  }
0x297: {  	v9 =	vsub.f32 v16, v17;
	v16 =	vld [tilespmem:s12+$0xB0];
	[tilespmem:s9+$0x4E0] =	vst v6;
	v6 =	vadd.f32 v10, v13;
	v10 =	vmul.f32 v10, v10  }
0x298: {  	v7 =	vadd.f32 v8, v7;
	v13 =	vld [tilespmem:s12+$0x80B0]  }
0x299: {  	v8 =	vadd.f32 v9, v17;
	v9 =	vmul.f32 v9, v9;
	v14 =	vsub.f32 v14, v11;
	v17 =	vld [tilespmem:s12+$0xC0];
	[tilespmem:s9+$0x4F0] =	vst v6  }
0x29a: {  	v7 =	vadd.f32 v10, v7;
	v6 =	vld [tilespmem:s12+$0x80C0]  }
0x29b: {  	[tilespmem:s12+$0x80] =	vst v8;
	v8 =	vadd.f32 v14, v11;
	v10 =	vmul.f32 v14, v14;
	v11 =	vsub.f32 v12, v15;
	v12 =	vld [tilespmem:s12+$0xD0]  }
0x29c: {  	v7 =	vadd.f32 v9, v7;
	v9 =	vld [tilespmem:s12+$0x80D0]  }
0x29d: {  	[tilespmem:s12+$0x90] =	vst v8;
	v8 =	vadd.f32 v11, v15;
	v11 =	vmul.f32 v11, v11;
	v14 =	vsub.f32 v16, v13;
	v15 =	vld [tilespmem:s12+$0xE0]  }
0x29e: {  	v7 =	vadd.f32 v10, v7;
	v10 =	vld [tilespmem:s12+$0x80E0]  }
0x29f: {  	[tilespmem:s12+$0xA0] =	vst v8;
	v8 =	vadd.f32 v14, v13;
	v13 =	vmul.f32 v14, v14;
	v14 =	vsub.f32 v17, v6;
	v16 =	vld [tilespmem:s12+$0xF0]  }
0x2a0: {  	v7 =	vadd.f32 v11, v7;
	v11 =	vld [tilespmem:s12+$0x80F0]  }
0x2a1: {  	[tilespmem:s12+$0xB0] =	vst v8;
	v6 =	vadd.f32 v14, v6;
	v8 =	vmul.f32 v14, v14;
	v14 =	vld [tilespmem:s12+$0x480]  }
0x2a2: {  	v7 =	vadd.f32 v13, v7;
	v12 =	vsub.f32 v12, v9;
	v13 =	vld [tilespmem:s12+$0x8480]  }
0x2a3: {  	v3 =	vadd.f32 v5, v3;
	[tilespmem:s12+$0xC0] =	vst v6;
	v6 =	vsub.f32 v15, v10;
	v15 =	vld [tilespmem:s12+$0x490]  }
0x2a4: {  	v5 =	vadd.f32 v8, v7;
	v7 =	vadd.f32 v12, v9;
	v8 =	vmul.f32 v12, v12;
	v12 =	vld [tilespmem:s12+$0x8490];
	[tilespmem:s9+$0x4A0] =	vst v4  }
0x2a5: {  	v4 =	vadd.f32 v6, v10;
	v6 =	vmul.f32 v6, v6;
	v9 =	vsub.f32 v16, v11;
	v10 =	vld [tilespmem:s12+$0x4A0];
	[tilespmem:s9+$0x4B0] =	vst v3;
	s9 =	smov.u32 s12  }
0x2a6: {  	v3 =	vadd.f32 v8, v5;
	[tilespmem:s9+$0xD0] =	vst v7;
	v5 =	vld [tilespmem:s9+$0x84A0]  }
0x2a7: {  	[tilespmem:s9+$0xE0] =	vst v4;
	v4 =	vadd.f32 v9, v11;
	v7 =	vmul.f32 v9, v9;
	v8 =	vsub.f32 v14, v13;
	v11 =	vld [tilespmem:s9+$0x4B0]  }
0x2a8: {  	v6 =	vadd.f32 v6, v3;
	v3 =	vld [tilespmem:s9+$0x84B0]  }
0x2a9: {  	[tilespmem:s9+$0xF0] =	vst v4;
	v4 =	vadd.f32 v8, v13;
	v8 =	vmul.f32 v8, v8;
	v13 =	vsub.f32 v15, v12;
	v9 =	vld [tilespmem:s9+$0x4C0]  }
.Ltmp3:
0x2aa: {  	v7 =	vadd.f32 v7, v6;
	v6 =	vld [tilespmem:s9+$0x84C0];
	(pc) =	sbr.rel @p0 .LBB2_8-.Ltmp3, $4  }
0x2ab: {  	[tilespmem:s9+$0x480] =	vst v4;
	v4 =	vadd.f32 v13, v12;
	v13 =	vmul.f32 v13, v13;
	v12 =	vsub.f32 v10, v5;
	v10 =	vld [tilespmem:s9+$0x4D0]  }
0x2ac: {  	v8 =	vadd.f32 v8, v7;
	v7 =	vld [tilespmem:s9+$0x84D0]  }
0x2ad: {  	[tilespmem:s9+$0x490] =	vst v4;
	v4 =	vadd.f32 v12, v5;
	v12 =	vmul.f32 v12, v12;
	v5 =	vsub.f32 v11, v3;
	v11 =	vld [tilespmem:s9+$0x4E0]  }
0x2ae: {  	s10 =	sadd.s32 $0x80, s10;
	s13 =	smov.u32 s11;
	v13 =	vadd.f32 v13, v8;
	v8 =	vld [tilespmem:s9+$0x84E0]  }
0x2af: {  	v14 =	vld [tilespmem:s9+$0x4F0]  }
0x2b0: {  	v15 =	vld [tilespmem:s9+$0x84F0]  }
0x2b1: {  	v9 =	vsub.f32 v9, v6  }
0x2b2: {  	v57 =	vmul.f32 v5, v5;
	v3 =	vadd.f32 v5, v3;
	v12 =	vadd.f32 v12, v13  }
0x2b3: {  	v10 =	vsub.f32 v10, v7;
	v6 =	vadd.f32 v9, v6  }
0x2b4: {  	[tilespmem:s9+$0x4A0] =	vst v4;
	v9 =	vmul.f32 v9, v9;
	v12 =	vadd.f32 v57, v12;
	v11 =	vsub.f32 v11, v8  }
0x2b5: {  	[tilespmem:s9+$0x4B0] =	vst v3;
	v7 =	vadd.f32 v10, v7;
	v14 =	vsub.f32 v14, v15  }
0x2b6: {  	[tilespmem:s9+$0x4C0] =	vst v6;
	v60 =	vmul.f32 v10, v10;
	v9 =	vadd.f32 v9, v12;
	v58 =	vadd.f32 v11, v8  }
0x2b7: {  	[tilespmem:s9+$0x4D0] =	vst v7;
	v59 =	vadd.f32 v14, v15  }
0x2b8: {  	v61 =	vmul.f32 v11, v11;
	v62 =	vadd.f32 v60, v9;
	[tilespmem:s9+$0x4E0] =	vst v58  }
0x2b9: {  	[tilespmem:s9+$0x4F0] =	vst v59  }
0x2ba: {  	v3 =	vmul.f32 v14, v14;
	v63 =	vadd.f32 v61, v62;
	[hbm4b:s15+s3] =	stream.linear.scatter [tilespmem:s19], [sflag:$0x2], $0x8000, $0x38;
	[tilespmem:$0x10100] =	vst v63  }
0x2bb: {  	_ =	swait.ge [sflag:s18], $0x8000  }
0x2bc: {  	s8 =	sadd.s32 $0x1, s8;
	v3 =	vadd.f32 v3, v63;
	[sflag:s18] =	ssyncset.done $0x0  }
0x2bd: {  	p0 =	sne.s32 s8, s17;
	[sflag:s18] =	ssyncadd.s32 $0xFFFF8000  }
.Ltmp4:
0x2be: {  	s14 =	simm.s32 $0x10080;
	[tilespmem:$0x10080] =	vst v3;
	(pc) =	sbr.rel @p0 .LBB2_1-.Ltmp4, $4  }
0x2bf: {  	[hbm4b:s16+s3] =	stream.linear.scatter [tilespmem:s14], [sflag:$0x2], $0x80, $0x38;
	[tilespmem:$0x10100] =	vst v63  }
0x2c0: {  	_ =	swait.ge [sflag:s18], $0x80  }
0x2c1: {  	[sflag:s18] =	ssyncset.done $0x0  }
0x2c2: {  	[sflag:s18] =	ssyncadd.s32 $0xFFFFFF80  }
0x2c3: {  	_ =	sfence.sel $0x180000  }
0x2c4: {  	[bflag:$0x0] =	sbarrier.arrive $0xFFFF  }
0x2c5: {  	_ =	strace $0x90000047  }
0x2c6: {  	s0 =	stileid.u32;
	[bflag:$0x2] =	sbarrier.arrive $0xFFFF  }
0x2c7: {  	p0 =	sne.s32 s0, $0x0;
	s0 =	rddreg [dreg:$0x4]  }
0x2c8: {  	s0 =	sadd.s32 @!p0 $0x100000, s0  }
0x2c9: {  	[sflag:s0] =	ssyncadd.tile.s32 @!p0 $0x1;
	_ =	shalt  }
.Lfunc_end2:
_tile_overlayer_lowered:
.L_overlay_start_2:
0x2ca: {  	(tag) =	ssettag $0x2  }
0x2cb: {  	s0 =	rddreg [dreg:$0x0];
	s2 =	stileid.u32  }
0x2cc: {  	s1 =	rddreg [dreg:$0x1];
	p0 =	sne.s32 s2, $0x0  }
0x2cd: {  	s3 =	rddreg [dreg:$0x2];
	[bflag:$0x3] =	sbarrier.arrive $0xFFFF;
	s2 =	simm.s32 @!p0 $0x1C02  }
0x2ce: {  	[timem:s3], [sflag:s2] =	dma.local @!p0 [hbm:s0], s1  }
0x2cf: {  	s0 =	simm.s32 @!p0 $0x2  }
0x2d0: {  	_ =	swait.ge @!p0 [sflag:s0], s1  }
0x2d1: {  	s1 =	ssub.s32 @!p0 $0x0, s1;
	[sflag:s0] =	ssyncset.done @!p0 $0x0  }
0x2d2: {  	[sflag:s0] =	ssyncadd.s32 @!p0 s1  }
0x2d3: {  	[bflag:$0x3] =	sbarrier.arrive $0xFFFF  }
0x2d4: {  	_ =	shalt  }

</sc_bundles>
